<compile_context>
chip_gen: v7x
topology: tpu7x:2x2x1
jax: 0.10.2.dev20260603
libtpu: 0.0.44.dev20260713+nightly
codegen_flags: <defaults>
</compile_context>

<pallas_src>
import functools

import jax
import jax.numpy as jnp
from jax import lax
from jax.experimental import pallas as pl
from jax.experimental.pallas import tpu as pltpu
from jax.experimental.pallas import tpu_sc as plsc

_XROWS = 16384
_SEQ = 50
_D = 32
_RCHUNK = 64


def _make_gather():
    info = plsc.get_sparse_core_info()
    nw = info.num_cores * info.num_subcores
    rows_per_w = _XROWS // nw
    iters = rows_per_w // _RCHUNK

    mesh = plsc.VectorSubcoreMesh(core_axis_name="c", subcore_axis_name="s")

    @functools.partial(
        pl.kernel,
        mesh=mesh,
        out_type=jax.ShapeDtypeStruct((_XROWS, _SEQ, _D), jnp.float32),
        scratch_types=[
            pltpu.VMEM((_RCHUNK, _SEQ), jnp.int32),
            pltpu.VMEM((_RCHUNK, _SEQ, _D), jnp.float32),
            pltpu.SemaphoreType.DMA,
            pltpu.SemaphoreType.DMA,
        ],
        compiler_params=pltpu.CompilerParams(use_tc_tiling_on_sc=False),
    )
    def gather(x_hbm, table_hbm, out_hbm, idx_v, rows_v, gsem, wsem):
        wid = lax.axis_index("s") * info.num_cores + lax.axis_index("c")
        base = wid * rows_per_w

        def body(i, carry):
            r0 = base + i * _RCHUNK
            pltpu.sync_copy(x_hbm.at[pl.ds(r0, _RCHUNK)], idx_v)
            gathers = [
                pltpu.async_copy(
                    table_hbm.at[idx_v.at[r]],
                    rows_v.at[r],
                    gsem,
                )
                for r in range(_RCHUNK)
            ]
            for g in gathers:
                g.wait()
            pltpu.async_copy(
                rows_v, out_hbm.at[pl.ds(r0, _RCHUNK)], wsem
            ).wait()
            return carry

        lax.fori_loop(0, iters, body, 0)

    return gather


def kernel(x, embed):
    return _make_gather()(x, embed)

# --- scband reference (transcript-rebuilt; emitter-appended) ---
"""Pipeline reference for scband-embedding-1219770712352 (READ-ONLY COPY).

The authoritative reference and input builder live on the scoring server;
editing this copy changes nothing except your own understanding.
"""

import jax, jax.numpy as jnp
import numpy as np
import math

NUM_EMBEDDINGS = 1000000
EMBEDDING_DIM = 32

def setup_inputs(seed: int = 0) -> dict:
    key = jax.random.key(seed)
    k1, k2 = jax.random.split(key)
    x = jax.random.randint(k1, (16384, 50), 0, NUM_EMBEDDINGS, dtype=jnp.int64 if jax.config.jax_enable_x64 else jnp.int32)
    std = math.sqrt(2.0 / (NUM_EMBEDDINGS + EMBEDDING_DIM))
    # truncated normal in [-3*std, 3*std]
    embed = jax.random.truncated_normal(k2, -3.0, 3.0, (NUM_EMBEDDINGS, EMBEDDING_DIM), dtype=jnp.float32) * std
    return {"x": x, "embed": embed}

def reference(x, embed):
    # torch.index_select(self.embed, 0, x.reshape(-1)).view(*x.size(), -1)
    flat = x.reshape(-1)
    gathered = jnp.take(embed, flat, axis=0)
    return gathered.reshape(x.shape + (embed.shape[1],))

if __name__ == "__main__":
    import jax
    _d = setup_inputs()
    print(jax.jit(kernel)(*tuple(_d.values())))

</pallas_src>

<mosaic_0001>
#map = affine_map<(d0, d1) -> (0, 0)>
#map1 = affine_map<(d0, d1) -> (0, 0, 0)>
module attributes {stable_mosaic.version = 14 : i64} {
  func.func @gather(%arg0: i32, %arg1: i32, %arg2: memref<16384x50xi32, #tpu.memory_space<hbm>>, %arg3: memref<1000000x32xf32, #tpu.memory_space<hbm>>, %arg4: memref<16384x50x32xf32, #tpu.memory_space<hbm>>, %arg5: memref<64x50xi32, #tpu.memory_space<vmem>>, %arg6: memref<64x50x32xf32, #tpu.memory_space<vmem>>, %arg7: memref<!tpu.dma_semaphore, #tpu.memory_space<semaphore_mem>>, %arg8: memref<!tpu.dma_semaphore, #tpu.memory_space<semaphore_mem>>) attributes {dimension_semantics = [#tpu.dimension_semantics<core_parallel>, #tpu.dimension_semantics<subcore_parallel>], iteration_bounds = array<i64: 2, 16>, scalar_prefetch = 0 : i64, scratch_operands = 4 : i64, tpu.core_type = #tpu.core_type<sc_vector_subcore>, window_params = [{transform_indices = #map}, {transform_indices = #map}, {transform_indices = #map1}]} {
    %mul3A = arith.constant 2 : i32
    %mul3A_0 = arith.muli %arg1, %mul3A : i32
    %add3A = arith.addi %mul3A_0, %arg0 : i32
    %mul3A_1 = arith.constant 512 : i32
    %mul3A_2 = arith.muli %add3A, %mul3A_1 : i32
    %scan3A = arith.constant 0 : i32
    %scan3A_3 = arith.constant 0 : i32
    %scan3A_4 = arith.constant 8 : i32
    %scan3A_5 = arith.addi %scan3A_3, %scan3A_4 : i32
    %scan3A_6 = arith.constant 1 : i32
    scf.for %scan3A_8 = %scan3A_3 to %scan3A_5 step %scan3A_6  : i32 {
      %mul3A_9 = arith.constant 64 : i32
      %mul3A_10 = arith.muli %scan3A_8, %mul3A_9 : i32
      %add3A_11 = arith.addi %mul3A_2, %mul3A_10 : i32
      "tpu.region"() ({
        %run_scoped3A = tpu.sem_alloc : memref<!tpu.dma_semaphore, #tpu.memory_space<semaphore_mem>>
        %dma_start3A_1558 = arith.constant 0 : i32
        %dma_start3A_1559 = tpu.memref_slice %arg2[%add3A_11, %dma_start3A_1558] : memref<16384x50xi32, #tpu.memory_space<hbm>> -> memref<64x50xi32, #tpu.memory_space<hbm>>
        %dma_start3A_1560 = arith.constant 0 : i32
        %dma_start3A_1561 = tpu.memref_slice %arg2[%add3A_11, %dma_start3A_1560] : memref<16384x50xi32, #tpu.memory_space<hbm>> -> memref<64x50xi32, #tpu.memory_space<hbm>>
        tpu.enqueue_dma source(%dma_start3A_1561 : memref<64x50xi32, #tpu.memory_space<hbm>>) target(%arg5 : memref<64x50xi32, #tpu.memory_space<vmem>>) target_semaphore(%run_scoped3A : memref<!tpu.dma_semaphore, #tpu.memory_space<semaphore_mem>>)
        %dma_wait3A_1562 = arith.constant 0 : i32
        %dma_wait3A_1563 = tpu.memref_slice %arg2[%add3A_11, %dma_wait3A_1562] : memref<16384x50xi32, #tpu.memory_space<hbm>> -> memref<64x50xi32, #tpu.memory_space<hbm>>
        %dma_wait3A_1564 = arith.constant 0 : i32
        %dma_wait3A_1565 = tpu.memref_slice %arg2[%add3A_11, %dma_wait3A_1564] : memref<16384x50xi32, #tpu.memory_space<hbm>> -> memref<64x50xi32, #tpu.memory_space<hbm>>
        tpu.wait_dma2 semaphore(%run_scoped3A : memref<!tpu.dma_semaphore, #tpu.memory_space<semaphore_mem>>) src(%dma_wait3A_1565 : memref<64x50xi32, #tpu.memory_space<hbm>>) dst(%arg5 : memref<64x50xi32, #tpu.memory_space<vmem>>)
        tpu.yield
      }) : () -> ()
      %dma_start3A = arith.constant 0 : i32
      %dma_start3A_12 = arith.constant 0 : i32
      %dma_start3A_13 = arith.constant 0 : i32
      %dma_start3A_14 = arith.constant 0 : i32
      %dma_start3A_15 = tpu.memref_slice %arg6[%dma_start3A_12, %dma_start3A_13, %dma_start3A_14] : memref<64x50x32xf32, #tpu.memory_space<vmem>> -> memref<1x50x32xf32, #tpu.memory_space<vmem>>
      %dma_start3A_16 = tpu.memref_squeeze %dma_start3A_15 : memref<1x50x32xf32, #tpu.memory_space<vmem>> -> memref<50x32xf32, #tpu.memory_space<vmem>>
      %dma_start3A_17 = arith.constant 0 : i32
      %dma_start3A_18 = tpu.memref_slice %arg5[%dma_start3A, %dma_start3A_17] : memref<64x50xi32, #tpu.memory_space<vmem>> -> memref<1x50xi32, #tpu.memory_space<vmem>>
      %dma_start3A_19 = tpu.memref_squeeze %dma_start3A_18 : memref<1x50xi32, #tpu.memory_space<vmem>> -> memref<50xi32, #tpu.memory_space<vmem>>
      %dma_start3A_20 = arith.constant 0 : i32
      %dma_start3A_21 = arith.constant 0 : i32
      %dma_start3A_22 = tpu.memref_slice %arg3[%dma_start3A_20, %dma_start3A_21] : memref<1000000x32xf32, #tpu.memory_space<hbm>> -> memref<1000000x32xf32, #tpu.memory_space<hbm>>
      tpu.enqueue_indirect_dma source(%dma_start3A_22 : memref<1000000x32xf32, #tpu.memory_space<hbm>>) target(%dma_start3A_16 : memref<50x32xf32, #tpu.memory_space<vmem>>) offsets(%dma_start3A_19 : memref<50xi32, #tpu.memory_space<vmem>>) semaphore(%arg7 : memref<!tpu.dma_semaphore, #tpu.memory_space<semaphore_mem>>)
      %dma_start3A_23 = arith.constant 1 : i32
      %dma_start3A_24 = arith.constant 1 : i32
      %dma_start3A_25 = arith.constant 0 : i32
      %dma_start3A_26 = arith.constant 0 : i32
      %dma_start3A_27 = tpu.memref_slice %arg6[%dma_start3A_24, %dma_start3A_25, %dma_start3A_26] : memref<64x50x32xf32, #tpu.memory_space<vmem>> -> memref<1x50x32xf32, #tpu.memory_space<vmem>>
      %dma_start3A_28 = tpu.memref_squeeze %dma_start3A_27 : memref<1x50x32xf32, #tpu.memory_space<vmem>> -> memref<50x32xf32, #tpu.memory_space<vmem>>
      %dma_start3A_29 = arith.constant 0 : i32
      %dma_start3A_30 = tpu.memref_slice %arg5[%dma_start3A_23, %dma_start3A_29] : memref<64x50xi32, #tpu.memory_space<vmem>> -> memref<1x50xi32, #tpu.memory_space<vmem>>
      %dma_start3A_31 = tpu.memref_squeeze %dma_start3A_30 : memref<1x50xi32, #tpu.memory_space<vmem>> -> memref<50xi32, #tpu.memory_space<vmem>>
      %dma_start3A_32 = arith.constant 0 : i32
      %dma_start3A_33 = arith.constant 0 : i32
      %dma_start3A_34 = tpu.memref_slice %arg3[%dma_start3A_32, %dma_start3A_33] : memref<1000000x32xf32, #tpu.memory_space<hbm>> -> memref<1000000x32xf32, #tpu.memory_space<hbm>>
      tpu.enqueue_indirect_dma source(%dma_start3A_34 : memref<1000000x32xf32, #tpu.memory_space<hbm>>) target(%dma_start3A_28 : memref<50x32xf32, #tpu.memory_space<vmem>>) offsets(%dma_start3A_31 : memref<50xi32, #tpu.memory_space<vmem>>) semaphore(%arg7 : memref<!tpu.dma_semaphore, #tpu.memory_space<semaphore_mem>>)
      %dma_start3A_35 = arith.constant 2 : i32
      %dma_start3A_36 = arith.constant 2 : i32
      %dma_start3A_37 = arith.constant 0 : i32
      %dma_start3A_38 = arith.constant 0 : i32
      %dma_start3A_39 = tpu.memref_slice %arg6[%dma_start3A_36, %dma_start3A_37, %dma_start3A_38] : memref<64x50x32xf32, #tpu.memory_space<vmem>> -> memref<1x50x32xf32, #tpu.memory_space<vmem>>
      %dma_start3A_40 = tpu.memref_squeeze %dma_start3A_39 : memref<1x50x32xf32, #tpu.memory_space<vmem>> -> memref<50x32xf32, #tpu.memory_space<vmem>>
      %dma_start3A_41 = arith.constant 0 : i32
      %dma_start3A_42 = tpu.memref_slice %arg5[%dma_start3A_35, %dma_start3A_41] : memref<64x50xi32, #tpu.memory_space<vmem>> -> memref<1x50xi32, #tpu.memory_space<vmem>>
      %dma_start3A_43 = tpu.memref_squeeze %dma_start3A_42 : memref<1x50xi32, #tpu.memory_space<vmem>> -> memref<50xi32, #tpu.memory_space<vmem>>
      %dma_start3A_44 = arith.constant 0 : i32
      %dma_start3A_45 = arith.constant 0 : i32
      %dma_start3A_46 = tpu.memref_slice %arg3[%dma_start3A_44, %dma_start3A_45] : memref<1000000x32xf32, #tpu.memory_space<hbm>> -> memref<1000000x32xf32, #tpu.memory_space<hbm>>
      tpu.enqueue_indirect_dma source(%dma_start3A_46 : memref<1000000x32xf32, #tpu.memory_space<hbm>>) target(%dma_start3A_40 : memref<50x32xf32, #tpu.memory_space<vmem>>) offsets(%dma_start3A_43 : memref<50xi32, #tpu.memory_space<vmem>>) semaphore(%arg7 : memref<!tpu.dma_semaphore, #tpu.memory_space<semaphore_mem>>)
      %dma_start3A_47 = arith.constant 3 : i32
      %dma_start3A_48 = arith.constant 3 : i32
      %dma_start3A_49 = arith.constant 0 : i32
      %dma_start3A_50 = arith.constant 0 : i32
      %dma_start3A_51 = tpu.memref_slice %arg6[%dma_start3A_48, %dma_start3A_49, %dma_start3A_50] : memref<64x50x32xf32, #tpu.memory_space<vmem>> -> memref<1x50x32xf32, #tpu.memory_space<vmem>>
      %dma_start3A_52 = tpu.memref_squeeze %dma_start3A_51 : memref<1x50x32xf32, #tpu.memory_space<vmem>> -> memref<50x32xf32, #tpu.memory_space<vmem>>
      %dma_start3A_53 = arith.constant 0 : i32
      %dma_start3A_54 = tpu.memref_slice %arg5[%dma_start3A_47, %dma_start3A_53] : memref<64x50xi32, #tpu.memory_space<vmem>> -> memref<1x50xi32, #tpu.memory_space<vmem>>
      %dma_start3A_55 = tpu.memref_squeeze %dma_start3A_54 : memref<1x50xi32, #tpu.memory_space<vmem>> -> memref<50xi32, #tpu.memory_space<vmem>>
      %dma_start3A_56 = arith.constant 0 : i32
      %dma_start3A_57 = arith.constant 0 : i32
      %dma_start3A_58 = tpu.memref_slice %arg3[%dma_start3A_56, %dma_start3A_57] : memref<1000000x32xf32, #tpu.memory_space<hbm>> -> memref<1000000x32xf32, #tpu.memory_space<hbm>>
      tpu.enqueue_indirect_dma source(%dma_start3A_58 : memref<1000000x32xf32, #tpu.memory_space<hbm>>) target(%dma_start3A_52 : memref<50x32xf32, #tpu.memory_space<vmem>>) offsets(%dma_start3A_55 : memref<50xi32, #tpu.memory_space<vmem>>) semaphore(%arg7 : memref<!tpu.dma_semaphore, #tpu.memory_space<semaphore_mem>>)
      %dma_start3A_59 = arith.constant 4 : i32
      %dma_start3A_60 = arith.constant 4 : i32
      %dma_start3A_61 = arith.constant 0 : i32
      %dma_start3A_62 = arith.constant 0 : i32
      %dma_start3A_63 = tpu.memref_slice %arg6[%dma_start3A_60, %dma_start3A_61, %dma_start3A_62] : memref<64x50x32xf32, #tpu.memory_space<vmem>> -> memref<1x50x32xf32, #tpu.memory_space<vmem>>
      %dma_start3A_64 = tpu.memref_squeeze %dma_start3A_63 : memref<1x50x32xf32, #tpu.memory_space<vmem>> -> memref<50x32xf32, #tpu.memory_space<vmem>>
      %dma_start3A_65 = arith.constant 0 : i32
      %dma_start3A_66 = tpu.memref_slice %arg5[%dma_start3A_59, %dma_start3A_65] : memref<64x50xi32, #tpu.memory_space<vmem>> -> memref<1x50xi32, #tpu.memory_space<vmem>>
      %dma_start3A_67 = tpu.memref_squeeze %dma_start3A_66 : memref<1x50xi32, #tpu.memory_space<vmem>> -> memref<50xi32, #tpu.memory_space<vmem>>
      %dma_start3A_68 = arith.constant 0 : i32
      %dma_start3A_69 = arith.constant 0 : i32
      %dma_start3A_70 = tpu.memref_slice %arg3[%dma_start3A_68, %dma_start3A_69] : memref<1000000x32xf32, #tpu.memory_space<hbm>> -> memref<1000000x32xf32, #tpu.memory_space<hbm>>
      tpu.enqueue_indirect_dma source(%dma_start3A_70 : memref<1000000x32xf32, #tpu.memory_space<hbm>>) target(%dma_start3A_64 : memref<50x32xf32, #tpu.memory_space<vmem>>) offsets(%dma_start3A_67 : memref<50xi32, #tpu.memory_space<vmem>>) semaphore(%arg7 : memref<!tpu.dma_semaphore, #tpu.memory_space<semaphore_mem>>)
      %dma_start3A_71 = arith.constant 5 : i32
      %dma_start3A_72 = arith.constant 5 : i32
      %dma_start3A_73 = arith.constant 0 : i32
      %dma_start3A_74 = arith.constant 0 : i32
      %dma_start3A_75 = tpu.memref_slice %arg6[%dma_start3A_72, %dma_start3A_73, %dma_start3A_74] : memref<64x50x32xf32, #tpu.memory_space<vmem>> -> memref<1x50x32xf32, #tpu.memory_space<vmem>>
      %dma_start3A_76 = tpu.memref_squeeze %dma_start3A_75 : memref<1x50x32xf32, #tpu.memory_space<vmem>> -> memref<50x32xf32, #tpu.memory_space<vmem>>
      %dma_start3A_77 = arith.constant 0 : i32
      %dma_start3A_78 = tpu.memref_slice %arg5[%dma_start3A_71, %dma_start3A_77] : memref<64x50xi32, #tpu.memory_space<vmem>> -> memref<1x50xi32, #tpu.memory_space<vmem>>
      %dma_start3A_79 = tpu.memref_squeeze %dma_start3A_78 : memref<1x50xi32, #tpu.memory_space<vmem>> -> memref<50xi32, #tpu.memory_space<vmem>>
      %dma_start3A_80 = arith.constant 0 : i32
      %dma_start3A_81 = arith.constant 0 : i32
      %dma_start3A_82 = tpu.memref_slice %arg3[%dma_start3A_80, %dma_start3A_81] : memref<1000000x32xf32, #tpu.memory_space<hbm>> -> memref<1000000x32xf32, #tpu.memory_space<hbm>>
      tpu.enqueue_indirect_dma source(%dma_start3A_82 : memref<1000000x32xf32, #tpu.memory_space<hbm>>) target(%dma_start3A_76 : memref<50x32xf32, #tpu.memory_space<vmem>>) offsets(%dma_start3A_79 : memref<50xi32, #tpu.memory_space<vmem>>) semaphore(%arg7 : memref<!tpu.dma_semaphore, #tpu.memory_space<semaphore_mem>>)
      %dma_start3A_83 = arith.constant 6 : i32
      %dma_start3A_84 = arith.constant 6 : i32
      %dma_start3A_85 = arith.constant 0 : i32
      %dma_start3A_86 = arith.constant 0 : i32
      %dma_start3A_87 = tpu.memref_slice %arg6[%dma_start3A_84, %dma_start3A_85, %dma_start3A_86] : memref<64x50x32xf32, #tpu.memory_space<vmem>> -> memref<1x50x32xf32, #tpu.memory_space<vmem>>
      %dma_start3A_88 = tpu.memref_squeeze %dma_start3A_87 : memref<1x50x32xf32, #tpu.memory_space<vmem>> -> memref<50x32xf32, #tpu.memory_space<vmem>>
      %dma_start3A_89 = arith.constant 0 : i32
      %dma_start3A_90 = tpu.memref_slice %arg5[%dma_start3A_83, %dma_start3A_89] : memref<64x50xi32, #tpu.memory_space<vmem>> -> memref<1x50xi32, #tpu.memory_space<vmem>>
      %dma_start3A_91 = tpu.memref_squeeze %dma_start3A_90 : memref<1x50xi32, #tpu.memory_space<vmem>> -> memref<50xi32, #tpu.memory_space<vmem>>
      %dma_start3A_92 = arith.constant 0 : i32
      %dma_start3A_93 = arith.constant 0 : i32
      %dma_start3A_94 = tpu.memref_slice %arg3[%dma_start3A_92, %dma_start3A_93] : memref<1000000x32xf32, #tpu.memory_space<hbm>> -> memref<1000000x32xf32, #tpu.memory_space<hbm>>
      tpu.enqueue_indirect_dma source(%dma_start3A_94 : memref<1000000x32xf32, #tpu.memory_space<hbm>>) target(%dma_start3A_88 : memref<50x32xf32, #tpu.memory_space<vmem>>) offsets(%dma_start3A_91 : memref<50xi32, #tpu.memory_space<vmem>>) semaphore(%arg7 : memref<!tpu.dma_semaphore, #tpu.memory_space<semaphore_mem>>)
      %dma_start3A_95 = arith.constant 7 : i32
      %dma_start3A_96 = arith.constant 7 : i32
      %dma_start3A_97 = arith.constant 0 : i32
      %dma_start3A_98 = arith.constant 0 : i32
      %dma_start3A_99 = tpu.memref_slice %arg6[%dma_start3A_96, %dma_start3A_97, %dma_start3A_98] : memref<64x50x32xf32, #tpu.memory_space<vmem>> -> memref<1x50x32xf32, #tpu.memory_space<vmem>>
      %dma_start3A_100 = tpu.memref_squeeze %dma_start3A_99 : memref<1x50x32xf32, #tpu.memory_space<vmem>> -> memref<50x32xf32, #tpu.memory_space<vmem>>
      %dma_start3A_101 = arith.constant 0 : i32
      %dma_start3A_102 = tpu.memref_slice %arg5[%dma_start3A_95, %dma_start3A_101] : memref<64x50xi32, #tpu.memory_space<vmem>> -> memref<1x50xi32, #tpu.memory_space<vmem>>
      %dma_start3A_103 = tpu.memref_squeeze %dma_start3A_102 : memref<1x50xi32, #tpu.memory_space<vmem>> -> memref<50xi32, #tpu.memory_space<vmem>>
      %dma_start3A_104 = arith.constant 0 : i32
      %dma_start3A_105 = arith.constant 0 : i32
      %dma_start3A_106 = tpu.memref_slice %arg3[%dma_start3A_104, %dma_start3A_105] : memref<1000000x32xf32, #tpu.memory_space<hbm>> -> memref<1000000x32xf32, #tpu.memory_space<hbm>>
      tpu.enqueue_indirect_dma source(%dma_start3A_106 : memref<1000000x32xf32, #tpu.memory_space<hbm>>) target(%dma_start3A_100 : memref<50x32xf32, #tpu.memory_space<vmem>>) offsets(%dma_start3A_103 : memref<50xi32, #tpu.memory_space<vmem>>) semaphore(%arg7 : memref<!tpu.dma_semaphore, #tpu.memory_space<semaphore_mem>>)
      %dma_start3A_107 = arith.constant 8 : i32
      %dma_start3A_108 = arith.constant 8 : i32
      %dma_start3A_109 = arith.constant 0 : i32
      %dma_start3A_110 = arith.constant 0 : i32
      %dma_start3A_111 = tpu.memref_slice %arg6[%dma_start3A_108, %dma_start3A_109, %dma_start3A_110] : memref<64x50x32xf32, #tpu.memory_space<vmem>> -> memref<1x50x32xf32, #tpu.memory_space<vmem>>
      %dma_start3A_112 = tpu.memref_squeeze %dma_start3A_111 : memref<1x50x32xf32, #tpu.memory_space<vmem>> -> memref<50x32xf32, #tpu.memory_space<vmem>>
      %dma_start3A_113 = arith.constant 0 : i32
      %dma_start3A_114 = tpu.memref_slice %arg5[%dma_start3A_107, %dma_start3A_113] : memref<64x50xi32, #tpu.memory_space<vmem>> -> memref<1x50xi32, #tpu.memory_space<vmem>>
      %dma_start3A_115 = tpu.memref_squeeze %dma_start3A_114 : memref<1x50xi32, #tpu.memory_space<vmem>> -> memref<50xi32, #tpu.memory_space<vmem>>
      %dma_start3A_116 = arith.constant 0 : i32
      %dma_start3A_117 = arith.constant 0 : i32
      %dma_start3A_118 = tpu.memref_slice %arg3[%dma_start3A_116, %dma_start3A_117] : memref<1000000x32xf32, #tpu.memory_space<hbm>> -> memref<1000000x32xf32, #tpu.memory_space<hbm>>
      tpu.enqueue_indirect_dma source(%dma_start3A_118 : memref<1000000x32xf32, #tpu.memory_space<hbm>>) target(%dma_start3A_112 : memref<50x32xf32, #tpu.memory_space<vmem>>) offsets(%dma_start3A_115 : memref<50xi32, #tpu.memory_space<vmem>>) semaphore(%arg7 : memref<!tpu.dma_semaphore, #tpu.memory_space<semaphore_mem>>)
      %dma_start3A_119 = arith.constant 9 : i32
      %dma_start3A_120 = arith.constant 9 : i32
      %dma_start3A_121 = arith.constant 0 : i32
      %dma_start3A_122 = arith.constant 0 : i32
      %dma_start3A_123 = tpu.memref_slice %arg6[%dma_start3A_120, %dma_start3A_121, %dma_start3A_122] : memref<64x50x32xf32, #tpu.memory_space<vmem>> -> memref<1x50x32xf32, #tpu.memory_space<vmem>>
      %dma_start3A_124 = tpu.memref_squeeze %dma_start3A_123 : memref<1x50x32xf32, #tpu.memory_space<vmem>> -> memref<50x32xf32, #tpu.memory_space<vmem>>
      %dma_start3A_125 = arith.constant 0 : i32
      %dma_start3A_126 = tpu.memref_slice %arg5[%dma_start3A_119, %dma_start3A_125] : memref<64x50xi32, #tpu.memory_space<vmem>> -> memref<1x50xi32, #tpu.memory_space<vmem>>
      %dma_start3A_127 = tpu.memref_squeeze %dma_start3A_126 : memref<1x50xi32, #tpu.memory_space<vmem>> -> memref<50xi32, #tpu.memory_space<vmem>>
      %dma_start3A_128 = arith.constant 0 : i32
      %dma_start3A_129 = arith.constant 0 : i32
      %dma_start3A_130 = tpu.memref_slice %arg3[%dma_start3A_128, %dma_start3A_129] : memref<1000000x32xf32, #tpu.memory_space<hbm>> -> memref<1000000x32xf32, #tpu.memory_space<hbm>>
      tpu.enqueue_indirect_dma source(%dma_start3A_130 : memref<1000000x32xf32, #tpu.memory_space<hbm>>) target(%dma_start3A_124 : memref<50x32xf32, #tpu.memory_space<vmem>>) offsets(%dma_start3A_127 : memref<50xi32, #tpu.memory_space<vmem>>) semaphore(%arg7 : memref<!tpu.dma_semaphore, #tpu.memory_space<semaphore_mem>>)
      %dma_start3A_131 = arith.constant 10 : i32
      %dma_start3A_132 = arith.constant 10 : i32
      %dma_start3A_133 = arith.constant 0 : i32
      %dma_start3A_134 = arith.constant 0 : i32
      %dma_start3A_135 = tpu.memref_slice %arg6[%dma_start3A_132, %dma_start3A_133, %dma_start3A_134] : memref<64x50x32xf32, #tpu.memory_space<vmem>> -> memref<1x50x32xf32, #tpu.memory_space<vmem>>
      %dma_start3A_136 = tpu.memref_squeeze %dma_start3A_135 : memref<1x50x32xf32, #tpu.memory_space<vmem>> -> memref<50x32xf32, #tpu.memory_space<vmem>>
      %dma_start3A_137 = arith.constant 0 : i32
      %dma_start3A_138 = tpu.memref_slice %arg5[%dma_start3A_131, %dma_start3A_137] : memref<64x50xi32, #tpu.memory_space<vmem>> -> memref<1x50xi32, #tpu.memory_space<vmem>>
      %dma_start3A_139 = tpu.memref_squeeze %dma_start3A_138 : memref<1x50xi32, #tpu.memory_space<vmem>> -> memref<50xi32, #tpu.memory_space<vmem>>
      %dma_start3A_140 = arith.constant 0 : i32
      %dma_start3A_141 = arith.constant 0 : i32
      %dma_start3A_142 = tpu.memref_slice %arg3[%dma_start3A_140, %dma_start3A_141] : memref<1000000x32xf32, #tpu.memory_space<hbm>> -> memref<1000000x32xf32, #tpu.memory_space<hbm>>
      tpu.enqueue_indirect_dma source(%dma_start3A_142 : memref<1000000x32xf32, #tpu.memory_space<hbm>>) target(%dma_start3A_136 : memref<50x32xf32, #tpu.memory_space<vmem>>) offsets(%dma_start3A_139 : memref<50xi32, #tpu.memory_space<vmem>>) semaphore(%arg7 : memref<!tpu.dma_semaphore, #tpu.memory_space<semaphore_mem>>)
      %dma_start3A_143 = arith.constant 11 : i32
      %dma_start3A_144 = arith.constant 11 : i32
      %dma_start3A_145 = arith.constant 0 : i32
      %dma_start3A_146 = arith.constant 0 : i32
      %dma_start3A_147 = tpu.memref_slice %arg6[%dma_start3A_144, %dma_start3A_145, %dma_start3A_146] : memref<64x50x32xf32, #tpu.memory_space<vmem>> -> memref<1x50x32xf32, #tpu.memory_space<vmem>>
      %dma_start3A_148 = tpu.memref_squeeze %dma_start3A_147 : memref<1x50x32xf32, #tpu.memory_space<vmem>> -> memref<50x32xf32, #tpu.memory_space<vmem>>
      %dma_start3A_149 = arith.constant 0 : i32
      %dma_start3A_150 = tpu.memref_slice %arg5[%dma_start3A_143, %dma_start3A_149] : memref<64x50xi32, #tpu.memory_space<vmem>> -> memref<1x50xi32, #tpu.memory_space<vmem>>
      %dma_start3A_151 = tpu.memref_squeeze %dma_start3A_150 : memref<1x50xi32, #tpu.memory_space<vmem>> -> memref<50xi32, #tpu.memory_space<vmem>>
      %dma_start3A_152 = arith.constant 0 : i32
      %dma_start3A_153 = arith.constant 0 : i32
      %dma_start3A_154 = tpu.memref_slice %arg3[%dma_start3A_152, %dma_start3A_153] : memref<1000000x32xf32, #tpu.memory_space<hbm>> -> memref<1000000x32xf32, #tpu.memory_space<hbm>>
      tpu.enqueue_indirect_dma source(%dma_start3A_154 : memref<1000000x32xf32, #tpu.memory_space<hbm>>) target(%dma_start3A_148 : memref<50x32xf32, #tpu.memory_space<vmem>>) offsets(%dma_start3A_151 : memref<50xi32, #tpu.memory_space<vmem>>) semaphore(%arg7 : memref<!tpu.dma_semaphore, #tpu.memory_space<semaphore_mem>>)
      %dma_start3A_155 = arith.constant 12 : i32
      %dma_start3A_156 = arith.constant 12 : i32
      %dma_start3A_157 = arith.constant 0 : i32
      %dma_start3A_158 = arith.constant 0 : i32
      %dma_start3A_159 = tpu.memref_slice %arg6[%dma_start3A_156, %dma_start3A_157, %dma_start3A_158] : memref<64x50x32xf32, #tpu.memory_space<vmem>> -> memref<1x50x32xf32, #tpu.memory_space<vmem>>
      %dma_start3A_160 = tpu.memref_squeeze %dma_start3A_159 : memref<1x50x32xf32, #tpu.memory_space<vmem>> -> memref<50x32xf32, #tpu.memory_space<vmem>>
      %dma_start3A_161 = arith.constant 0 : i32
      %dma_start3A_162 = tpu.memref_slice %arg5[%dma_start3A_155, %dma_start3A_161] : memref<64x50xi32, #tpu.memory_space<vmem>> -> memref<1x50xi32, #tpu.memory_space<vmem>>
      %dma_start3A_163 = tpu.memref_squeeze %dma_start3A_162 : memref<1x50xi32, #tpu.memory_space<vmem>> -> memref<50xi32, #tpu.memory_space<vmem>>
      %dma_start3A_164 = arith.constant 0 : i32
      %dma_start3A_165 = arith.constant 0 : i32
      %dma_start3A_166 = tpu.memref_slice %arg3[%dma_start3A_164, %dma_start3A_165] : memref<1000000x32xf32, #tpu.memory_space<hbm>> -> memref<1000000x32xf32, #tpu.memory_space<hbm>>
      tpu.enqueue_indirect_dma source(%dma_start3A_166 : memref<1000000x32xf32, #tpu.memory_space<hbm>>) target(%dma_start3A_160 : memref<50x32xf32, #tpu.memory_space<vmem>>) offsets(%dma_start3A_163 : memref<50xi32, #tpu.memory_space<vmem>>) semaphore(%arg7 : memref<!tpu.dma_semaphore, #tpu.memory_space<semaphore_mem>>)
      %dma_start3A_167 = arith.constant 13 : i32
      %dma_start3A_168 = arith.constant 13 : i32
      %dma_start3A_169 = arith.constant 0 : i32
      %dma_start3A_170 = arith.constant 0 : i32
      %dma_start3A_171 = tpu.memref_slice %arg6[%dma_start3A_168, %dma_start3A_169, %dma_start3A_170] : memref<64x50x32xf32, #tpu.memory_space<vmem>> -> memref<1x50x32xf32, #tpu.memory_space<vmem>>
      %dma_start3A_172 = tpu.memref_squeeze %dma_start3A_171 : memref<1x50x32xf32, #tpu.memory_space<vmem>> -> memref<50x32xf32, #tpu.memory_space<vmem>>
      %dma_start3A_173 = arith.constant 0 : i32
      %dma_start3A_174 = tpu.memref_slice %arg5[%dma_start3A_167, %dma_start3A_173] : memref<64x50xi32, #tpu.memory_space<vmem>> -> memref<1x50xi32, #tpu.memory_space<vmem>>
      %dma_start3A_175 = tpu.memref_squeeze %dma_start3A_174 : memref<1x50xi32, #tpu.memory_space<vmem>> -> memref<50xi32, #tpu.memory_space<vmem>>
      %dma_start3A_176 = arith.constant 0 : i32
      %dma_start3A_177 = arith.constant 0 : i32
      %dma_start3A_178 = tpu.memref_slice %arg3[%dma_start3A_176, %dma_start3A_177] : memref<1000000x32xf32, #tpu.memory_space<hbm>> -> memref<1000000x32xf32, #tpu.memory_space<hbm>>
      tpu.enqueue_indirect_dma source(%dma_start3A_178 : memref<1000000x32xf32, #tpu.memory_space<hbm>>) target(%dma_start3A_172 : memref<50x32xf32, #tpu.memory_space<vmem>>) offsets(%dma_start3A_175 : memref<50xi32, #tpu.memory_space<vmem>>) semaphore(%arg7 : memref<!tpu.dma_semaphore, #tpu.memory_space<semaphore_mem>>)
      %dma_start3A_179 = arith.constant 14 : i32
      %dma_start3A_180 = arith.constant 14 : i32
      %dma_start3A_181 = arith.constant 0 : i32
      %dma_start3A_182 = arith.constant 0 : i32
      %dma_start3A_183 = tpu.memref_slice %arg6[%dma_start3A_180, %dma_start3A_181, %dma_start3A_182] : memref<64x50x32xf32, #tpu.memory_space<vmem>> -> memref<1x50x32xf32, #tpu.memory_space<vmem>>
      %dma_start3A_184 = tpu.memref_squeeze %dma_start3A_183 : memref<1x50x32xf32, #tpu.memory_space<vmem>> -> memref<50x32xf32, #tpu.memory_space<vmem>>
      %dma_start3A_185 = arith.constant 0 : i32
      %dma_start3A_186 = tpu.memref_slice %arg5[%dma_start3A_179, %dma_start3A_185] : memref<64x50xi32, #tpu.memory_space<vmem>> -> memref<1x50xi32, #tpu.memory_space<vmem>>
      %dma_start3A_187 = tpu.memref_squeeze %dma_start3A_186 : memref<1x50xi32, #tpu.memory_space<vmem>> -> memref<50xi32, #tpu.memory_space<vmem>>
      %dma_start3A_188 = arith.constant 0 : i32
      %dma_start3A_189 = arith.constant 0 : i32
      %dma_start3A_190 = tpu.memref_slice %arg3[%dma_start3A_188, %dma_start3A_189] : memref<1000000x32xf32, #tpu.memory_space<hbm>> -> memref<1000000x32xf32, #tpu.memory_space<hbm>>
      tpu.enqueue_indirect_dma source(%dma_start3A_190 : memref<1000000x32xf32, #tpu.memory_space<hbm>>) target(%dma_start3A_184 : memref<50x32xf32, #tpu.memory_space<vmem>>) offsets(%dma_start3A_187 : memref<50xi32, #tpu.memory_space<vmem>>) semaphore(%arg7 : memref<!tpu.dma_semaphore, #tpu.memory_space<semaphore_mem>>)
      %dma_start3A_191 = arith.constant 15 : i32
      %dma_start3A_192 = arith.constant 15 : i32
      %dma_start3A_193 = arith.constant 0 : i32
      %dma_start3A_194 = arith.constant 0 : i32
      %dma_start3A_195 = tpu.memref_slice %arg6[%dma_start3A_192, %dma_start3A_193, %dma_start3A_194] : memref<64x50x32xf32, #tpu.memory_space<vmem>> -> memref<1x50x32xf32, #tpu.memory_space<vmem>>
      %dma_start3A_196 = tpu.memref_squeeze %dma_start3A_195 : memref<1x50x32xf32, #tpu.memory_space<vmem>> -> memref<50x32xf32, #tpu.memory_space<vmem>>
      %dma_start3A_197 = arith.constant 0 : i32
      %dma_start3A_198 = tpu.memref_slice %arg5[%dma_start3A_191, %dma_start3A_197] : memref<64x50xi32, #tpu.memory_space<vmem>> -> memref<1x50xi32, #tpu.memory_space<vmem>>
      %dma_start3A_199 = tpu.memref_squeeze %dma_start3A_198 : memref<1x50xi32, #tpu.memory_space<vmem>> -> memref<50xi32, #tpu.memory_space<vmem>>
      %dma_start3A_200 = arith.constant 0 : i32
      %dma_start3A_201 = arith.constant 0 : i32
      %dma_start3A_202 = tpu.memref_slice %arg3[%dma_start3A_200, %dma_start3A_201] : memref<1000000x32xf32, #tpu.memory_space<hbm>> -> memref<1000000x32xf32, #tpu.memory_space<hbm>>
      tpu.enqueue_indirect_dma source(%dma_start3A_202 : memref<1000000x32xf32, #tpu.memory_space<hbm>>) target(%dma_start3A_196 : memref<50x32xf32, #tpu.memory_space<vmem>>) offsets(%dma_start3A_199 : memref<50xi32, #tpu.memory_space<vmem>>) semaphore(%arg7 : memref<!tpu.dma_semaphore, #tpu.memory_space<semaphore_mem>>)
      %dma_start3A_203 = arith.constant 16 : i32
      %dma_start3A_204 = arith.constant 16 : i32
      %dma_start3A_205 = arith.constant 0 : i32
      %dma_start3A_206 = arith.constant 0 : i32
      %dma_start3A_207 = tpu.memref_slice %arg6[%dma_start3A_204, %dma_start3A_205, %dma_start3A_206] : memref<64x50x32xf32, #tpu.memory_space<vmem>> -> memref<1x50x32xf32, #tpu.memory_space<vmem>>
      %dma_start3A_208 = tpu.memref_squeeze %dma_start3A_207 : memref<1x50x32xf32, #tpu.memory_space<vmem>> -> memref<50x32xf32, #tpu.memory_space<vmem>>
      %dma_start3A_209 = arith.constant 0 : i32
      %dma_start3A_210 = tpu.memref_slice %arg5[%dma_start3A_203, %dma_start3A_209] : memref<64x50xi32, #tpu.memory_space<vmem>> -> memref<1x50xi32, #tpu.memory_space<vmem>>
      %dma_start3A_211 = tpu.memref_squeeze %dma_start3A_210 : memref<1x50xi32, #tpu.memory_space<vmem>> -> memref<50xi32, #tpu.memory_space<vmem>>
      %dma_start3A_212 = arith.constant 0 : i32
      %dma_start3A_213 = arith.constant 0 : i32
      %dma_start3A_214 = tpu.memref_slice %arg3[%dma_start3A_212, %dma_start3A_213] : memref<1000000x32xf32, #tpu.memory_space<hbm>> -> memref<1000000x32xf32, #tpu.memory_space<hbm>>
      tpu.enqueue_indirect_dma source(%dma_start3A_214 : memref<1000000x32xf32, #tpu.memory_space<hbm>>) target(%dma_start3A_208 : memref<50x32xf32, #tpu.memory_space<vmem>>) offsets(%dma_start3A_211 : memref<50xi32, #tpu.memory_space<vmem>>) semaphore(%arg7 : memref<!tpu.dma_semaphore, #tpu.memory_space<semaphore_mem>>)
      %dma_start3A_215 = arith.constant 17 : i32
      %dma_start3A_216 = arith.constant 17 : i32
      %dma_start3A_217 = arith.constant 0 : i32
      %dma_start3A_218 = arith.constant 0 : i32
      %dma_start3A_219 = tpu.memref_slice %arg6[%dma_start3A_216, %dma_start3A_217, %dma_start3A_218] : memref<64x50x32xf32, #tpu.memory_space<vmem>> -> memref<1x50x32xf32, #tpu.memory_space<vmem>>
      %dma_start3A_220 = tpu.memref_squeeze %dma_start3A_219 : memref<1x50x32xf32, #tpu.memory_space<vmem>> -> memref<50x32xf32, #tpu.memory_space<vmem>>
      %dma_start3A_221 = arith.constant 0 : i32
      %dma_start3A_222 = tpu.memref_slice %arg5[%dma_start3A_215, %dma_start3A_221] : memref<64x50xi32, #tpu.memory_space<vmem>> -> memref<1x50xi32, #tpu.memory_space<vmem>>
      %dma_start3A_223 = tpu.memref_squeeze %dma_start3A_222 : memref<1x50xi32, #tpu.memory_space<vmem>> -> memref<50xi32, #tpu.memory_space<vmem>>
      %dma_start3A_224 = arith.constant 0 : i32
      %dma_start3A_225 = arith.constant 0 : i32
      %dma_start3A_226 = tpu.memref_slice %arg3[%dma_start3A_224, %dma_start3A_225] : memref<1000000x32xf32, #tpu.memory_space<hbm>> -> memref<1000000x32xf32, #tpu.memory_space<hbm>>
      tpu.enqueue_indirect_dma source(%dma_start3A_226 : memref<1000000x32xf32, #tpu.memory_space<hbm>>) target(%dma_start3A_220 : memref<50x32xf32, #tpu.memory_space<vmem>>) offsets(%dma_start3A_223 : memref<50xi32, #tpu.memory_space<vmem>>) semaphore(%arg7 : memref<!tpu.dma_semaphore, #tpu.memory_space<semaphore_mem>>)
      %dma_start3A_227 = arith.constant 18 : i32
      %dma_start3A_228 = arith.constant 18 : i32
      %dma_start3A_229 = arith.constant 0 : i32
      %dma_start3A_230 = arith.constant 0 : i32
      %dma_start3A_231 = tpu.memref_slice %arg6[%dma_start3A_228, %dma_start3A_229, %dma_start3A_230] : memref<64x50x32xf32, #tpu.memory_space<vmem>> -> memref<1x50x32xf32, #tpu.memory_space<vmem>>
      %dma_start3A_232 = tpu.memref_squeeze %dma_start3A_231 : memref<1x50x32xf32, #tpu.memory_space<vmem>> -> memref<50x32xf32, #tpu.memory_space<vmem>>
      %dma_start3A_233 = arith.constant 0 : i32
      %dma_start3A_234 = tpu.memref_slice %arg5[%dma_start3A_227, %dma_start3A_233] : memref<64x50xi32, #tpu.memory_space<vmem>> -> memref<1x50xi32, #tpu.memory_space<vmem>>
      %dma_start3A_235 = tpu.memref_squeeze %dma_start3A_234 : memref<1x50xi32, #tpu.memory_space<vmem>> -> memref<50xi32, #tpu.memory_space<vmem>>
      %dma_start3A_236 = arith.constant 0 : i32
      %dma_start3A_237 = arith.constant 0 : i32
      %dma_start3A_238 = tpu.memref_slice %arg3[%dma_start3A_236, %dma_start3A_237] : memref<1000000x32xf32, #tpu.memory_space<hbm>> -> memref<1000000x32xf32, #tpu.memory_space<hbm>>
      tpu.enqueue_indirect_dma source(%dma_start3A_238 : memref<1000000x32xf32, #tpu.memory_space<hbm>>) target(%dma_start3A_232 : memref<50x32xf32, #tpu.memory_space<vmem>>) offsets(%dma_start3A_235 : memref<50xi32, #tpu.memory_space<vmem>>) semaphore(%arg7 : memref<!tpu.dma_semaphore, #tpu.memory_space<semaphore_mem>>)
      %dma_start3A_239 = arith.constant 19 : i32
      %dma_start3A_240 = arith.constant 19 : i32
      %dma_start3A_241 = arith.constant 0 : i32
      %dma_start3A_242 = arith.constant 0 : i32
      %dma_start3A_243 = tpu.memref_slice %arg6[%dma_start3A_240, %dma_start3A_241, %dma_start3A_242] : memref<64x50x32xf32, #tpu.memory_space<vmem>> -> memref<1x50x32xf32, #tpu.memory_space<vmem>>
      %dma_start3A_244 = tpu.memref_squeeze %dma_start3A_243 : memref<1x50x32xf32, #tpu.memory_space<vmem>> -> memref<50x32xf32, #tpu.memory_space<vmem>>
      %dma_start3A_245 = arith.constant 0 : i32
      %dma_start3A_246 = tpu.memref_slice %arg5[%dma_start3A_239, %dma_start3A_245] : memref<64x50xi32, #tpu.memory_space<vmem>> -> memref<1x50xi32, #tpu.memory_space<vmem>>
      %dma_start3A_247 = tpu.memref_squeeze %dma_start3A_246 : memref<1x50xi32, #tpu.memory_space<vmem>> -> memref<50xi32, #tpu.memory_space<vmem>>
      %dma_start3A_248 = arith.constant 0 : i32
      %dma_start3A_249 = arith.constant 0 : i32
      %dma_start3A_250 = tpu.memref_slice %arg3[%dma_start3A_248, %dma_start3A_249] : memref<1000000x32xf32, #tpu.memory_space<hbm>> -> memref<1000000x32xf32, #tpu.memory_space<hbm>>
      tpu.enqueue_indirect_dma source(%dma_start3A_250 : memref<1000000x32xf32, #tpu.memory_space<hbm>>) target(%dma_start3A_244 : memref<50x32xf32, #tpu.memory_space<vmem>>) offsets(%dma_start3A_247 : memref<50xi32, #tpu.memory_space<vmem>>) semaphore(%arg7 : memref<!tpu.dma_semaphore, #tpu.memory_space<semaphore_mem>>)
      %dma_start3A_251 = arith.constant 20 : i32
      %dma_start3A_252 = arith.constant 20 : i32
      %dma_start3A_253 = arith.constant 0 : i32
      %dma_start3A_254 = arith.constant 0 : i32
      %dma_start3A_255 = tpu.memref_slice %arg6[%dma_start3A_252, %dma_start3A_253, %dma_start3A_254] : memref<64x50x32xf32, #tpu.memory_space<vmem>> -> memref<1x50x32xf32, #tpu.memory_space<vmem>>
      %dma_start3A_256 = tpu.memref_squeeze %dma_start3A_255 : memref<1x50x32xf32, #tpu.memory_space<vmem>> -> memref<50x32xf32, #tpu.memory_space<vmem>>
      %dma_start3A_257 = arith.constant 0 : i32
      %dma_start3A_258 = tpu.memref_slice %arg5[%dma_start3A_251, %dma_start3A_257] : memref<64x50xi32, #tpu.memory_space<vmem>> -> memref<1x50xi32, #tpu.memory_space<vmem>>
      %dma_start3A_259 = tpu.memref_squeeze %dma_start3A_258 : memref<1x50xi32, #tpu.memory_space<vmem>> -> memref<50xi32, #tpu.memory_space<vmem>>
      %dma_start3A_260 = arith.constant 0 : i32
      %dma_start3A_261 = arith.constant 0 : i32
      %dma_start3A_262 = tpu.memref_slice %arg3[%dma_start3A_260, %dma_start3A_261] : memref<1000000x32xf32, #tpu.memory_space<hbm>> -> memref<1000000x32xf32, #tpu.memory_space<hbm>>
      tpu.enqueue_indirect_dma source(%dma_start3A_262 : memref<1000000x32xf32, #tpu.memory_space<hbm>>) target(%dma_start3A_256 : memref<50x32xf32, #tpu.memory_space<vmem>>) offsets(%dma_start3A_259 : memref<50xi32, #tpu.memory_space<vmem>>) semaphore(%arg7 : memref<!tpu.dma_semaphore, #tpu.memory_space<semaphore_mem>>)
      %dma_start3A_263 = arith.constant 21 : i32
      %dma_start3A_264 = arith.constant 21 : i32
      %dma_start3A_265 = arith.constant 0 : i32
      %dma_start3A_266 = arith.constant 0 : i32
      %dma_start3A_267 = tpu.memref_slice %arg6[%dma_start3A_264, %dma_start3A_265, %dma_start3A_266] : memref<64x50x32xf32, #tpu.memory_space<vmem>> -> memref<1x50x32xf32, #tpu.memory_space<vmem>>
      %dma_start3A_268 = tpu.memref_squeeze %dma_start3A_267 : memref<1x50x32xf32, #tpu.memory_space<vmem>> -> memref<50x32xf32, #tpu.memory_space<vmem>>
      %dma_start3A_269 = arith.constant 0 : i32
      %dma_start3A_270 = tpu.memref_slice %arg5[%dma_start3A_263, %dma_start3A_269] : memref<64x50xi32, #tpu.memory_space<vmem>> -> memref<1x50xi32, #tpu.memory_space<vmem>>
      %dma_start3A_271 = tpu.memref_squeeze %dma_start3A_270 : memref<1x50xi32, #tpu.memory_space<vmem>> -> memref<50xi32, #tpu.memory_space<vmem>>
      %dma_start3A_272 = arith.constant 0 : i32
      %dma_start3A_273 = arith.constant 0 : i32
      %dma_start3A_274 = tpu.memref_slice %arg3[%dma_start3A_272, %dma_start3A_273] : memref<1000000x32xf32, #tpu.memory_space<hbm>> -> memref<1000000x32xf32, #tpu.memory_space<hbm>>
      tpu.enqueue_indirect_dma source(%dma_start3A_274 : memref<1000000x32xf32, #tpu.memory_space<hbm>>) target(%dma_start3A_268 : memref<50x32xf32, #tpu.memory_space<vmem>>) offsets(%dma_start3A_271 : memref<50xi32, #tpu.memory_space<vmem>>) semaphore(%arg7 : memref<!tpu.dma_semaphore, #tpu.memory_space<semaphore_mem>>)
      %dma_start3A_275 = arith.constant 22 : i32
      %dma_start3A_276 = arith.constant 22 : i32
      %dma_start3A_277 = arith.constant 0 : i32
      %dma_start3A_278 = arith.constant 0 : i32
      %dma_start3A_279 = tpu.memref_slice %arg6[%dma_start3A_276, %dma_start3A_277, %dma_start3A_278] : memref<64x50x32xf32, #tpu.memory_space<vmem>> -> memref<1x50x32xf32, #tpu.memory_space<vmem>>
      %dma_start3A_280 = tpu.memref_squeeze %dma_start3A_279 : memref<1x50x32xf32, #tpu.memory_space<vmem>> -> memref<50x32xf32, #tpu.memory_space<vmem>>
      %dma_start3A_281 = arith.constant 0 : i32
      %dma_start3A_282 = tpu.memref_slice %arg5[%dma_start3A_275, %dma_start3A_281] : memref<64x50xi32, #tpu.memory_space<vmem>> -> memref<1x50xi32, #tpu.memory_space<vmem>>
      %dma_start3A_283 = tpu.memref_squeeze %dma_start3A_282 : memref<1x50xi32, #tpu.memory_space<vmem>> -> memref<50xi32, #tpu.memory_space<vmem>>
      %dma_start3A_284 = arith.constant 0 : i32
      %dma_start3A_285 = arith.constant 0 : i32
      %dma_start3A_286 = tpu.memref_slice %arg3[%dma_start3A_284, %dma_start3A_285] : memref<1000000x32xf32, #tpu.memory_space<hbm>> -> memref<1000000x32xf32, #tpu.memory_space<hbm>>
      tpu.enqueue_indirect_dma source(%dma_start3A_286 : memref<1000000x32xf32, #tpu.memory_space<hbm>>) target(%dma_start3A_280 : memref<50x32xf32, #tpu.memory_space<vmem>>) offsets(%dma_start3A_283 : memref<50xi32, #tpu.memory_space<vmem>>) semaphore(%arg7 : memref<!tpu.dma_semaphore, #tpu.memory_space<semaphore_mem>>)
      %dma_start3A_287 = arith.constant 23 : i32
      %dma_start3A_288 = arith.constant 23 : i32
      %dma_start3A_289 = arith.constant 0 : i32
      %dma_start3A_290 = arith.constant 0 : i32
      %dma_start3A_291 = tpu.memref_slice %arg6[%dma_start3A_288, %dma_start3A_289, %dma_start3A_290] : memref<64x50x32xf32, #tpu.memory_space<vmem>> -> memref<1x50x32xf32, #tpu.memory_space<vmem>>
      %dma_start3A_292 = tpu.memref_squeeze %dma_start3A_291 : memref<1x50x32xf32, #tpu.memory_space<vmem>> -> memref<50x32xf32, #tpu.memory_space<vmem>>
      %dma_start3A_293 = arith.constant 0 : i32
      %dma_start3A_294 = tpu.memref_slice %arg5[%dma_start3A_287, %dma_start3A_293] : memref<64x50xi32, #tpu.memory_space<vmem>> -> memref<1x50xi32, #tpu.memory_space<vmem>>
      %dma_start3A_295 = tpu.memref_squeeze %dma_start3A_294 : memref<1x50xi32, #tpu.memory_space<vmem>> -> memref<50xi32, #tpu.memory_space<vmem>>
      %dma_start3A_296 = arith.constant 0 : i32
      %dma_start3A_297 = arith.constant 0 : i32
      %dma_start3A_298 = tpu.memref_slice %arg3[%dma_start3A_296, %dma_start3A_297] : memref<1000000x32xf32, #tpu.memory_space<hbm>> -> memref<1000000x32xf32, #tpu.memory_space<hbm>>
      tpu.enqueue_indirect_dma source(%dma_start3A_298 : memref<1000000x32xf32, #tpu.memory_space<hbm>>) target(%dma_start3A_292 : memref<50x32xf32, #tpu.memory_space<vmem>>) offsets(%dma_start3A_295 : memref<50xi32, #tpu.memory_space<vmem>>) semaphore(%arg7 : memref<!tpu.dma_semaphore, #tpu.memory_space<semaphore_mem>>)
      %dma_start3A_299 = arith.constant 24 : i32
      %dma_start3A_300 = arith.constant 24 : i32
      %dma_start3A_301 = arith.constant 0 : i32
      %dma_start3A_302 = arith.constant 0 : i32
      %dma_start3A_303 = tpu.memref_slice %arg6[%dma_start3A_300, %dma_start3A_301, %dma_start3A_302] : memref<64x50x32xf32, #tpu.memory_space<vmem>> -> memref<1x50x32xf32, #tpu.memory_space<vmem>>
      %dma_start3A_304 = tpu.memref_squeeze %dma_start3A_303 : memref<1x50x32xf32, #tpu.memory_space<vmem>> -> memref<50x32xf32, #tpu.memory_space<vmem>>
      %dma_start3A_305 = arith.constant 0 : i32
      %dma_start3A_306 = tpu.memref_slice %arg5[%dma_start3A_299, %dma_start3A_305] : memref<64x50xi32, #tpu.memory_space<vmem>> -> memref<1x50xi32, #tpu.memory_space<vmem>>
      %dma_start3A_307 = tpu.memref_squeeze %dma_start3A_306 : memref<1x50xi32, #tpu.memory_space<vmem>> -> memref<50xi32, #tpu.memory_space<vmem>>
      %dma_start3A_308 = arith.constant 0 : i32
      %dma_start3A_309 = arith.constant 0 : i32
      %dma_start3A_310 = tpu.memref_slice %arg3[%dma_start3A_308, %dma_start3A_309] : memref<1000000x32xf32, #tpu.memory_space<hbm>> -> memref<1000000x32xf32, #tpu.memory_space<hbm>>
      tpu.enqueue_indirect_dma source(%dma_start3A_310 : memref<1000000x32xf32, #tpu.memory_space<hbm>>) target(%dma_start3A_304 : memref<50x32xf32, #tpu.memory_space<vmem>>) offsets(%dma_start3A_307 : memref<50xi32, #tpu.memory_space<vmem>>) semaphore(%arg7 : memref<!tpu.dma_semaphore, #tpu.memory_space<semaphore_mem>>)
      %dma_start3A_311 = arith.constant 25 : i32
      %dma_start3A_312 = arith.constant 25 : i32
      %dma_start3A_313 = arith.constant 0 : i32
      %dma_start3A_314 = arith.constant 0 : i32
      %dma_start3A_315 = tpu.memref_slice %arg6[%dma_start3A_312, %dma_start3A_313, %dma_start3A_314] : memref<64x50x32xf32, #tpu.memory_space<vmem>> -> memref<1x50x32xf32, #tpu.memory_space<vmem>>
      %dma_start3A_316 = tpu.memref_squeeze %dma_start3A_315 : memref<1x50x32xf32, #tpu.memory_space<vmem>> -> memref<50x32xf32, #tpu.memory_space<vmem>>
      %dma_start3A_317 = arith.constant 0 : i32
      %dma_start3A_318 = tpu.memref_slice %arg5[%dma_start3A_311, %dma_start3A_317] : memref<64x50xi32, #tpu.memory_space<vmem>> -> memref<1x50xi32, #tpu.memory_space<vmem>>
      %dma_start3A_319 = tpu.memref_squeeze %dma_start3A_318 : memref<1x50xi32, #tpu.memory_space<vmem>> -> memref<50xi32, #tpu.memory_space<vmem>>
      %dma_start3A_320 = arith.constant 0 : i32
      %dma_start3A_321 = arith.constant 0 : i32
      %dma_start3A_322 = tpu.memref_slice %arg3[%dma_start3A_320, %dma_start3A_321] : memref<1000000x32xf32, #tpu.memory_space<hbm>> -> memref<1000000x32xf32, #tpu.memory_space<hbm>>
      tpu.enqueue_indirect_dma source(%dma_start3A_322 : memref<1000000x32xf32, #tpu.memory_space<hbm>>) target(%dma_start3A_316 : memref<50x32xf32, #tpu.memory_space<vmem>>) offsets(%dma_start3A_319 : memref<50xi32, #tpu.memory_space<vmem>>) semaphore(%arg7 : memref<!tpu.dma_semaphore, #tpu.memory_space<semaphore_mem>>)
      %dma_start3A_323 = arith.constant 26 : i32
      %dma_start3A_324 = arith.constant 26 : i32
      %dma_start3A_325 = arith.constant 0 : i32
      %dma_start3A_326 = arith.constant 0 : i32
      %dma_start3A_327 = tpu.memref_slice %arg6[%dma_start3A_324, %dma_start3A_325, %dma_start3A_326] : memref<64x50x32xf32, #tpu.memory_space<vmem>> -> memref<1x50x32xf32, #tpu.memory_space<vmem>>
      %dma_start3A_328 = tpu.memref_squeeze %dma_start3A_327 : memref<1x50x32xf32, #tpu.memory_space<vmem>> -> memref<50x32xf32, #tpu.memory_space<vmem>>
      %dma_start3A_329 = arith.constant 0 : i32
      %dma_start3A_330 = tpu.memref_slice %arg5[%dma_start3A_323, %dma_start3A_329] : memref<64x50xi32, #tpu.memory_space<vmem>> -> memref<1x50xi32, #tpu.memory_space<vmem>>
      %dma_start3A_331 = tpu.memref_squeeze %dma_start3A_330 : memref<1x50xi32, #tpu.memory_space<vmem>> -> memref<50xi32, #tpu.memory_space<vmem>>
      %dma_start3A_332 = arith.constant 0 : i32
      %dma_start3A_333 = arith.constant 0 : i32
      %dma_start3A_334 = tpu.memref_slice %arg3[%dma_start3A_332, %dma_start3A_333] : memref<1000000x32xf32, #tpu.memory_space<hbm>> -> memref<1000000x32xf32, #tpu.memory_space<hbm>>
      tpu.enqueue_indirect_dma source(%dma_start3A_334 : memref<1000000x32xf32, #tpu.memory_space<hbm>>) target(%dma_start3A_328 : memref<50x32xf32, #tpu.memory_space<vmem>>) offsets(%dma_start3A_331 : memref<50xi32, #tpu.memory_space<vmem>>) semaphore(%arg7 : memref<!tpu.dma_semaphore, #tpu.memory_space<semaphore_mem>>)
      %dma_start3A_335 = arith.constant 27 : i32
      %dma_start3A_336 = arith.constant 27 : i32
      %dma_start3A_337 = arith.constant 0 : i32
      %dma_start3A_338 = arith.constant 0 : i32
      %dma_start3A_339 = tpu.memref_slice %arg6[%dma_start3A_336, %dma_start3A_337, %dma_start3A_338] : memref<64x50x32xf32, #tpu.memory_space<vmem>> -> memref<1x50x32xf32, #tpu.memory_space<vmem>>
      %dma_start3A_340 = tpu.memref_squeeze %dma_start3A_339 : memref<1x50x32xf32, #tpu.memory_space<vmem>> -> memref<50x32xf32, #tpu.memory_space<vmem>>
      %dma_start3A_341 = arith.constant 0 : i32
      %dma_start3A_342 = tpu.memref_slice %arg5[%dma_start3A_335, %dma_start3A_341] : memref<64x50xi32, #tpu.memory_space<vmem>> -> memref<1x50xi32, #tpu.memory_space<vmem>>
      %dma_start3A_343 = tpu.memref_squeeze %dma_start3A_342 : memref<1x50xi32, #tpu.memory_space<vmem>> -> memref<50xi32, #tpu.memory_space<vmem>>
      %dma_start3A_344 = arith.constant 0 : i32
      %dma_start3A_345 = arith.constant 0 : i32
      %dma_start3A_346 = tpu.memref_slice %arg3[%dma_start3A_344, %dma_start3A_345] : memref<1000000x32xf32, #tpu.memory_space<hbm>> -> memref<1000000x32xf32, #tpu.memory_space<hbm>>
      tpu.enqueue_indirect_dma source(%dma_start3A_346 : memref<1000000x32xf32, #tpu.memory_space<hbm>>) target(%dma_start3A_340 : memref<50x32xf32, #tpu.memory_space<vmem>>) offsets(%dma_start3A_343 : memref<50xi32, #tpu.memory_space<vmem>>) semaphore(%arg7 : memref<!tpu.dma_semaphore, #tpu.memory_space<semaphore_mem>>)
      %dma_start3A_347 = arith.constant 28 : i32
      %dma_start3A_348 = arith.constant 28 : i32
      %dma_start3A_349 = arith.constant 0 : i32
      %dma_start3A_350 = arith.constant 0 : i32
      %dma_start3A_351 = tpu.memref_slice %arg6[%dma_start3A_348, %dma_start3A_349, %dma_start3A_350] : memref<64x50x32xf32, #tpu.memory_space<vmem>> -> memref<1x50x32xf32, #tpu.memory_space<vmem>>
      %dma_start3A_352 = tpu.memref_squeeze %dma_start3A_351 : memref<1x50x32xf32, #tpu.memory_space<vmem>> -> memref<50x32xf32, #tpu.memory_space<vmem>>
      %dma_start3A_353 = arith.constant 0 : i32
      %dma_start3A_354 = tpu.memref_slice %arg5[%dma_start3A_347, %dma_start3A_353] : memref<64x50xi32, #tpu.memory_space<vmem>> -> memref<1x50xi32, #tpu.memory_space<vmem>>
      %dma_start3A_355 = tpu.memref_squeeze %dma_start3A_354 : memref<1x50xi32, #tpu.memory_space<vmem>> -> memref<50xi32, #tpu.memory_space<vmem>>
      %dma_start3A_356 = arith.constant 0 : i32
      %dma_start3A_357 = arith.constant 0 : i32
      %dma_start3A_358 = tpu.memref_slice %arg3[%dma_start3A_356, %dma_start3A_357] : memref<1000000x32xf32, #tpu.memory_space<hbm>> -> memref<1000000x32xf32, #tpu.memory_space<hbm>>
      tpu.enqueue_indirect_dma source(%dma_start3A_358 : memref<1000000x32xf32, #tpu.memory_space<hbm>>) target(%dma_start3A_352 : memref<50x32xf32, #tpu.memory_space<vmem>>) offsets(%dma_start3A_355 : memref<50xi32, #tpu.memory_space<vmem>>) semaphore(%arg7 : memref<!tpu.dma_semaphore, #tpu.memory_space<semaphore_mem>>)
      %dma_start3A_359 = arith.constant 29 : i32
      %dma_start3A_360 = arith.constant 29 : i32
      %dma_start3A_361 = arith.constant 0 : i32
      %dma_start3A_362 = arith.constant 0 : i32
      %dma_start3A_363 = tpu.memref_slice %arg6[%dma_start3A_360, %dma_start3A_361, %dma_start3A_362] : memref<64x50x32xf32, #tpu.memory_space<vmem>> -> memref<1x50x32xf32, #tpu.memory_space<vmem>>
      %dma_start3A_364 = tpu.memref_squeeze %dma_start3A_363 : memref<1x50x32xf32, #tpu.memory_space<vmem>> -> memref<50x32xf32, #tpu.memory_space<vmem>>
      %dma_start3A_365 = arith.constant 0 : i32
      %dma_start3A_366 = tpu.memref_slice %arg5[%dma_start3A_359, %dma_start3A_365] : memref<64x50xi32, #tpu.memory_space<vmem>> -> memref<1x50xi32, #tpu.memory_space<vmem>>
      %dma_start3A_367 = tpu.memref_squeeze %dma_start3A_366 : memref<1x50xi32, #tpu.memory_space<vmem>> -> memref<50xi32, #tpu.memory_space<vmem>>
      %dma_start3A_368 = arith.constant 0 : i32
      %dma_start3A_369 = arith.constant 0 : i32
      %dma_start3A_370 = tpu.memref_slice %arg3[%dma_start3A_368, %dma_start3A_369] : memref<1000000x32xf32, #tpu.memory_space<hbm>> -> memref<1000000x32xf32, #tpu.memory_space<hbm>>
      tpu.enqueue_indirect_dma source(%dma_start3A_370 : memref<1000000x32xf32, #tpu.memory_space<hbm>>) target(%dma_start3A_364 : memref<50x32xf32, #tpu.memory_space<vmem>>) offsets(%dma_start3A_367 : memref<50xi32, #tpu.memory_space<vmem>>) semaphore(%arg7 : memref<!tpu.dma_semaphore, #tpu.memory_space<semaphore_mem>>)
      %dma_start3A_371 = arith.constant 30 : i32
      %dma_start3A_372 = arith.constant 30 : i32
      %dma_start3A_373 = arith.constant 0 : i32
      %dma_start3A_374 = arith.constant 0 : i32
      %dma_start3A_375 = tpu.memref_slice %arg6[%dma_start3A_372, %dma_start3A_373, %dma_start3A_374] : memref<64x50x32xf32, #tpu.memory_space<vmem>> -> memref<1x50x32xf32, #tpu.memory_space<vmem>>
      %dma_start3A_376 = tpu.memref_squeeze %dma_start3A_375 : memref<1x50x32xf32, #tpu.memory_space<vmem>> -> memref<50x32xf32, #tpu.memory_space<vmem>>
      %dma_start3A_377 = arith.constant 0 : i32
      %dma_start3A_378 = tpu.memref_slice %arg5[%dma_start3A_371, %dma_start3A_377] : memref<64x50xi32, #tpu.memory_space<vmem>> -> memref<1x50xi32, #tpu.memory_space<vmem>>
      %dma_start3A_379 = tpu.memref_squeeze %dma_start3A_378 : memref<1x50xi32, #tpu.memory_space<vmem>> -> memref<50xi32, #tpu.memory_space<vmem>>
      %dma_start3A_380 = arith.constant 0 : i32
      %dma_start3A_381 = arith.constant 0 : i32
      %dma_start3A_382 = tpu.memref_slice %arg3[%dma_start3A_380, %dma_start3A_381] : memref<1000000x32xf32, #tpu.memory_space<hbm>> -> memref<1000000x32xf32, #tpu.memory_space<hbm>>
      tpu.enqueue_indirect_dma source(%dma_start3A_382 : memref<1000000x32xf32, #tpu.memory_space<hbm>>) target(%dma_start3A_376 : memref<50x32xf32, #tpu.memory_space<vmem>>) offsets(%dma_start3A_379 : memref<50xi32, #tpu.memory_space<vmem>>) semaphore(%arg7 : memref<!tpu.dma_semaphore, #tpu.memory_space<semaphore_mem>>)
      %dma_start3A_383 = arith.constant 31 : i32
      %dma_start3A_384 = arith.constant 31 : i32
      %dma_start3A_385 = arith.constant 0 : i32
      %dma_start3A_386 = arith.constant 0 : i32
      %dma_start3A_387 = tpu.memref_slice %arg6[%dma_start3A_384, %dma_start3A_385, %dma_start3A_386] : memref<64x50x32xf32, #tpu.memory_space<vmem>> -> memref<1x50x32xf32, #tpu.memory_space<vmem>>
      %dma_start3A_388 = tpu.memref_squeeze %dma_start3A_387 : memref<1x50x32xf32, #tpu.memory_space<vmem>> -> memref<50x32xf32, #tpu.memory_space<vmem>>
      %dma_start3A_389 = arith.constant 0 : i32
      %dma_start3A_390 = tpu.memref_slice %arg5[%dma_start3A_383, %dma_start3A_389] : memref<64x50xi32, #tpu.memory_space<vmem>> -> memref<1x50xi32, #tpu.memory_space<vmem>>
      %dma_start3A_391 = tpu.memref_squeeze %dma_start3A_390 : memref<1x50xi32, #tpu.memory_space<vmem>> -> memref<50xi32, #tpu.memory_space<vmem>>
      %dma_start3A_392 = arith.constant 0 : i32
      %dma_start3A_393 = arith.constant 0 : i32
      %dma_start3A_394 = tpu.memref_slice %arg3[%dma_start3A_392, %dma_start3A_393] : memref<1000000x32xf32, #tpu.memory_space<hbm>> -> memref<1000000x32xf32, #tpu.memory_space<hbm>>
      tpu.enqueue_indirect_dma source(%dma_start3A_394 : memref<1000000x32xf32, #tpu.memory_space<hbm>>) target(%dma_start3A_388 : memref<50x32xf32, #tpu.memory_space<vmem>>) offsets(%dma_start3A_391 : memref<50xi32, #tpu.memory_space<vmem>>) semaphore(%arg7 : memref<!tpu.dma_semaphore, #tpu.memory_space<semaphore_mem>>)
      %dma_start3A_395 = arith.constant 32 : i32
      %dma_start3A_396 = arith.constant 32 : i32
      %dma_start3A_397 = arith.constant 0 : i32
      %dma_start3A_398 = arith.constant 0 : i32
      %dma_start3A_399 = tpu.memref_slice %arg6[%dma_start3A_396, %dma_start3A_397, %dma_start3A_398] : memref<64x50x32xf32, #tpu.memory_space<vmem>> -> memref<1x50x32xf32, #tpu.memory_space<vmem>>
      %dma_start3A_400 = tpu.memref_squeeze %dma_start3A_399 : memref<1x50x32xf32, #tpu.memory_space<vmem>> -> memref<50x32xf32, #tpu.memory_space<vmem>>
      %dma_start3A_401 = arith.constant 0 : i32
      %dma_start3A_402 = tpu.memref_slice %arg5[%dma_start3A_395, %dma_start3A_401] : memref<64x50xi32, #tpu.memory_space<vmem>> -> memref<1x50xi32, #tpu.memory_space<vmem>>
      %dma_start3A_403 = tpu.memref_squeeze %dma_start3A_402 : memref<1x50xi32, #tpu.memory_space<vmem>> -> memref<50xi32, #tpu.memory_space<vmem>>
      %dma_start3A_404 = arith.constant 0 : i32
      %dma_start3A_405 = arith.constant 0 : i32
      %dma_start3A_406 = tpu.memref_slice %arg3[%dma_start3A_404, %dma_start3A_405] : memref<1000000x32xf32, #tpu.memory_space<hbm>> -> memref<1000000x32xf32, #tpu.memory_space<hbm>>
      tpu.enqueue_indirect_dma source(%dma_start3A_406 : memref<1000000x32xf32, #tpu.memory_space<hbm>>) target(%dma_start3A_400 : memref<50x32xf32, #tpu.memory_space<vmem>>) offsets(%dma_start3A_403 : memref<50xi32, #tpu.memory_space<vmem>>) semaphore(%arg7 : memref<!tpu.dma_semaphore, #tpu.memory_space<semaphore_mem>>)
      %dma_start3A_407 = arith.constant 33 : i32
      %dma_start3A_408 = arith.constant 33 : i32
      %dma_start3A_409 = arith.constant 0 : i32
      %dma_start3A_410 = arith.constant 0 : i32
      %dma_start3A_411 = tpu.memref_slice %arg6[%dma_start3A_408, %dma_start3A_409, %dma_start3A_410] : memref<64x50x32xf32, #tpu.memory_space<vmem>> -> memref<1x50x32xf32, #tpu.memory_space<vmem>>
      %dma_start3A_412 = tpu.memref_squeeze %dma_start3A_411 : memref<1x50x32xf32, #tpu.memory_space<vmem>> -> memref<50x32xf32, #tpu.memory_space<vmem>>
      %dma_start3A_413 = arith.constant 0 : i32
      %dma_start3A_414 = tpu.memref_slice %arg5[%dma_start3A_407, %dma_start3A_413] : memref<64x50xi32, #tpu.memory_space<vmem>> -> memref<1x50xi32, #tpu.memory_space<vmem>>
      %dma_start3A_415 = tpu.memref_squeeze %dma_start3A_414 : memref<1x50xi32, #tpu.memory_space<vmem>> -> memref<50xi32, #tpu.memory_space<vmem>>
      %dma_start3A_416 = arith.constant 0 : i32
      %dma_start3A_417 = arith.constant 0 : i32
      %dma_start3A_418 = tpu.memref_slice %arg3[%dma_start3A_416, %dma_start3A_417] : memref<1000000x32xf32, #tpu.memory_space<hbm>> -> memref<1000000x32xf32, #tpu.memory_space<hbm>>
      tpu.enqueue_indirect_dma source(%dma_start3A_418 : memref<1000000x32xf32, #tpu.memory_space<hbm>>) target(%dma_start3A_412 : memref<50x32xf32, #tpu.memory_space<vmem>>) offsets(%dma_start3A_415 : memref<50xi32, #tpu.memory_space<vmem>>) semaphore(%arg7 : memref<!tpu.dma_semaphore, #tpu.memory_space<semaphore_mem>>)
      %dma_start3A_419 = arith.constant 34 : i32
      %dma_start3A_420 = arith.constant 34 : i32
      %dma_start3A_421 = arith.constant 0 : i32
      %dma_start3A_422 = arith.constant 0 : i32
      %dma_start3A_423 = tpu.memref_slice %arg6[%dma_start3A_420, %dma_start3A_421, %dma_start3A_422] : memref<64x50x32xf32, #tpu.memory_space<vmem>> -> memref<1x50x32xf32, #tpu.memory_space<vmem>>
      %dma_start3A_424 = tpu.memref_squeeze %dma_start3A_423 : memref<1x50x32xf32, #tpu.memory_space<vmem>> -> memref<50x32xf32, #tpu.memory_space<vmem>>
      %dma_start3A_425 = arith.constant 0 : i32
      %dma_start3A_426 = tpu.memref_slice %arg5[%dma_start3A_419, %dma_start3A_425] : memref<64x50xi32, #tpu.memory_space<vmem>> -> memref<1x50xi32, #tpu.memory_space<vmem>>
      %dma_start3A_427 = tpu.memref_squeeze %dma_start3A_426 : memref<1x50xi32, #tpu.memory_space<vmem>> -> memref<50xi32, #tpu.memory_space<vmem>>
      %dma_start3A_428 = arith.constant 0 : i32
      %dma_start3A_429 = arith.constant 0 : i32
      %dma_start3A_430 = tpu.memref_slice %arg3[%dma_start3A_428, %dma_start3A_429] : memref<1000000x32xf32, #tpu.memory_space<hbm>> -> memref<1000000x32xf32, #tpu.memory_space<hbm>>
      tpu.enqueue_indirect_dma source(%dma_start3A_430 : memref<1000000x32xf32, #tpu.memory_space<hbm>>) target(%dma_start3A_424 : memref<50x32xf32, #tpu.memory_space<vmem>>) offsets(%dma_start3A_427 : memref<50xi32, #tpu.memory_space<vmem>>) semaphore(%arg7 : memref<!tpu.dma_semaphore, #tpu.memory_space<semaphore_mem>>)
      %dma_start3A_431 = arith.constant 35 : i32
      %dma_start3A_432 = arith.constant 35 : i32
      %dma_start3A_433 = arith.constant 0 : i32
      %dma_start3A_434 = arith.constant 0 : i32
      %dma_start3A_435 = tpu.memref_slice %arg6[%dma_start3A_432, %dma_start3A_433, %dma_start3A_434] : memref<64x50x32xf32, #tpu.memory_space<vmem>> -> memref<1x50x32xf32, #tpu.memory_space<vmem>>
      %dma_start3A_436 = tpu.memref_squeeze %dma_start3A_435 : memref<1x50x32xf32, #tpu.memory_space<vmem>> -> memref<50x32xf32, #tpu.memory_space<vmem>>
      %dma_start3A_437 = arith.constant 0 : i32
      %dma_start3A_438 = tpu.memref_slice %arg5[%dma_start3A_431, %dma_start3A_437] : memref<64x50xi32, #tpu.memory_space<vmem>> -> memref<1x50xi32, #tpu.memory_space<vmem>>
      %dma_start3A_439 = tpu.memref_squeeze %dma_start3A_438 : memref<1x50xi32, #tpu.memory_space<vmem>> -> memref<50xi32, #tpu.memory_space<vmem>>
      %dma_start3A_440 = arith.constant 0 : i32
      %dma_start3A_441 = arith.constant 0 : i32
      %dma_start3A_442 = tpu.memref_slice %arg3[%dma_start3A_440, %dma_start3A_441] : memref<1000000x32xf32, #tpu.memory_space<hbm>> -> memref<1000000x32xf32, #tpu.memory_space<hbm>>
      tpu.enqueue_indirect_dma source(%dma_start3A_442 : memref<1000000x32xf32, #tpu.memory_space<hbm>>) target(%dma_start3A_436 : memref<50x32xf32, #tpu.memory_space<vmem>>) offsets(%dma_start3A_439 : memref<50xi32, #tpu.memory_space<vmem>>) semaphore(%arg7 : memref<!tpu.dma_semaphore, #tpu.memory_space<semaphore_mem>>)
      %dma_start3A_443 = arith.constant 36 : i32
      %dma_start3A_444 = arith.constant 36 : i32
      %dma_start3A_445 = arith.constant 0 : i32
      %dma_start3A_446 = arith.constant 0 : i32
      %dma_start3A_447 = tpu.memref_slice %arg6[%dma_start3A_444, %dma_start3A_445, %dma_start3A_446] : memref<64x50x32xf32, #tpu.memory_space<vmem>> -> memref<1x50x32xf32, #tpu.memory_space<vmem>>
      %dma_start3A_448 = tpu.memref_squeeze %dma_start3A_447 : memref<1x50x32xf32, #tpu.memory_space<vmem>> -> memref<50x32xf32, #tpu.memory_space<vmem>>
      %dma_start3A_449 = arith.constant 0 : i32
      %dma_start3A_450 = tpu.memref_slice %arg5[%dma_start3A_443, %dma_start3A_449] : memref<64x50xi32, #tpu.memory_space<vmem>> -> memref<1x50xi32, #tpu.memory_space<vmem>>
      %dma_start3A_451 = tpu.memref_squeeze %dma_start3A_450 : memref<1x50xi32, #tpu.memory_space<vmem>> -> memref<50xi32, #tpu.memory_space<vmem>>
      %dma_start3A_452 = arith.constant 0 : i32
      %dma_start3A_453 = arith.constant 0 : i32
      %dma_start3A_454 = tpu.memref_slice %arg3[%dma_start3A_452, %dma_start3A_453] : memref<1000000x32xf32, #tpu.memory_space<hbm>> -> memref<1000000x32xf32, #tpu.memory_space<hbm>>
      tpu.enqueue_indirect_dma source(%dma_start3A_454 : memref<1000000x32xf32, #tpu.memory_space<hbm>>) target(%dma_start3A_448 : memref<50x32xf32, #tpu.memory_space<vmem>>) offsets(%dma_start3A_451 : memref<50xi32, #tpu.memory_space<vmem>>) semaphore(%arg7 : memref<!tpu.dma_semaphore, #tpu.memory_space<semaphore_mem>>)
      %dma_start3A_455 = arith.constant 37 : i32
      %dma_start3A_456 = arith.constant 37 : i32
      %dma_start3A_457 = arith.constant 0 : i32
      %dma_start3A_458 = arith.constant 0 : i32
      %dma_start3A_459 = tpu.memref_slice %arg6[%dma_start3A_456, %dma_start3A_457, %dma_start3A_458] : memref<64x50x32xf32, #tpu.memory_space<vmem>> -> memref<1x50x32xf32, #tpu.memory_space<vmem>>
      %dma_start3A_460 = tpu.memref_squeeze %dma_start3A_459 : memref<1x50x32xf32, #tpu.memory_space<vmem>> -> memref<50x32xf32, #tpu.memory_space<vmem>>
      %dma_start3A_461 = arith.constant 0 : i32
      %dma_start3A_462 = tpu.memref_slice %arg5[%dma_start3A_455, %dma_start3A_461] : memref<64x50xi32, #tpu.memory_space<vmem>> -> memref<1x50xi32, #tpu.memory_space<vmem>>
      %dma_start3A_463 = tpu.memref_squeeze %dma_start3A_462 : memref<1x50xi32, #tpu.memory_space<vmem>> -> memref<50xi32, #tpu.memory_space<vmem>>
      %dma_start3A_464 = arith.constant 0 : i32
      %dma_start3A_465 = arith.constant 0 : i32
      %dma_start3A_466 = tpu.memref_slice %arg3[%dma_start3A_464, %dma_start3A_465] : memref<1000000x32xf32, #tpu.memory_space<hbm>> -> memref<1000000x32xf32, #tpu.memory_space<hbm>>
      tpu.enqueue_indirect_dma source(%dma_start3A_466 : memref<1000000x32xf32, #tpu.memory_space<hbm>>) target(%dma_start3A_460 : memref<50x32xf32, #tpu.memory_space<vmem>>) offsets(%dma_start3A_463 : memref<50xi32, #tpu.memory_space<vmem>>) semaphore(%arg7 : memref<!tpu.dma_semaphore, #tpu.memory_space<semaphore_mem>>)
      %dma_start3A_467 = arith.constant 38 : i32
      %dma_start3A_468 = arith.constant 38 : i32
      %dma_start3A_469 = arith.constant 0 : i32
      %dma_start3A_470 = arith.constant 0 : i32
      %dma_start3A_471 = tpu.memref_slice %arg6[%dma_start3A_468, %dma_start3A_469, %dma_start3A_470] : memref<64x50x32xf32, #tpu.memory_space<vmem>> -> memref<1x50x32xf32, #tpu.memory_space<vmem>>
      %dma_start3A_472 = tpu.memref_squeeze %dma_start3A_471 : memref<1x50x32xf32, #tpu.memory_space<vmem>> -> memref<50x32xf32, #tpu.memory_space<vmem>>
      %dma_start3A_473 = arith.constant 0 : i32
      %dma_start3A_474 = tpu.memref_slice %arg5[%dma_start3A_467, %dma_start3A_473] : memref<64x50xi32, #tpu.memory_space<vmem>> -> memref<1x50xi32, #tpu.memory_space<vmem>>
      %dma_start3A_475 = tpu.memref_squeeze %dma_start3A_474 : memref<1x50xi32, #tpu.memory_space<vmem>> -> memref<50xi32, #tpu.memory_space<vmem>>
      %dma_start3A_476 = arith.constant 0 : i32
      %dma_start3A_477 = arith.constant 0 : i32
      %dma_start3A_478 = tpu.memref_slice %arg3[%dma_start3A_476, %dma_start3A_477] : memref<1000000x32xf32, #tpu.memory_space<hbm>> -> memref<1000000x32xf32, #tpu.memory_space<hbm>>
      tpu.enqueue_indirect_dma source(%dma_start3A_478 : memref<1000000x32xf32, #tpu.memory_space<hbm>>) target(%dma_start3A_472 : memref<50x32xf32, #tpu.memory_space<vmem>>) offsets(%dma_start3A_475 : memref<50xi32, #tpu.memory_space<vmem>>) semaphore(%arg7 : memref<!tpu.dma_semaphore, #tpu.memory_space<semaphore_mem>>)
      %dma_start3A_479 = arith.constant 39 : i32
      %dma_start3A_480 = arith.constant 39 : i32
      %dma_start3A_481 = arith.constant 0 : i32
      %dma_start3A_482 = arith.constant 0 : i32
      %dma_start3A_483 = tpu.memref_slice %arg6[%dma_start3A_480, %dma_start3A_481, %dma_start3A_482] : memref<64x50x32xf32, #tpu.memory_space<vmem>> -> memref<1x50x32xf32, #tpu.memory_space<vmem>>
      %dma_start3A_484 = tpu.memref_squeeze %dma_start3A_483 : memref<1x50x32xf32, #tpu.memory_space<vmem>> -> memref<50x32xf32, #tpu.memory_space<vmem>>
      %dma_start3A_485 = arith.constant 0 : i32
      %dma_start3A_486 = tpu.memref_slice %arg5[%dma_start3A_479, %dma_start3A_485] : memref<64x50xi32, #tpu.memory_space<vmem>> -> memref<1x50xi32, #tpu.memory_space<vmem>>
      %dma_start3A_487 = tpu.memref_squeeze %dma_start3A_486 : memref<1x50xi32, #tpu.memory_space<vmem>> -> memref<50xi32, #tpu.memory_space<vmem>>
      %dma_start3A_488 = arith.constant 0 : i32
      %dma_start3A_489 = arith.constant 0 : i32
      %dma_start3A_490 = tpu.memref_slice %arg3[%dma_start3A_488, %dma_start3A_489] : memref<1000000x32xf32, #tpu.memory_space<hbm>> -> memref<1000000x32xf32, #tpu.memory_space<hbm>>
      tpu.enqueue_indirect_dma source(%dma_start3A_490 : memref<1000000x32xf32, #tpu.memory_space<hbm>>) target(%dma_start3A_484 : memref<50x32xf32, #tpu.memory_space<vmem>>) offsets(%dma_start3A_487 : memref<50xi32, #tpu.memory_space<vmem>>) semaphore(%arg7 : memref<!tpu.dma_semaphore, #tpu.memory_space<semaphore_mem>>)
      %dma_start3A_491 = arith.constant 40 : i32
      %dma_start3A_492 = arith.constant 40 : i32
      %dma_start3A_493 = arith.constant 0 : i32
      %dma_start3A_494 = arith.constant 0 : i32
      %dma_start3A_495 = tpu.memref_slice %arg6[%dma_start3A_492, %dma_start3A_493, %dma_start3A_494] : memref<64x50x32xf32, #tpu.memory_space<vmem>> -> memref<1x50x32xf32, #tpu.memory_space<vmem>>
      %dma_start3A_496 = tpu.memref_squeeze %dma_start3A_495 : memref<1x50x32xf32, #tpu.memory_space<vmem>> -> memref<50x32xf32, #tpu.memory_space<vmem>>
      %dma_start3A_497 = arith.constant 0 : i32
      %dma_start3A_498 = tpu.memref_slice %arg5[%dma_start3A_491, %dma_start3A_497] : memref<64x50xi32, #tpu.memory_space<vmem>> -> memref<1x50xi32, #tpu.memory_space<vmem>>
      %dma_start3A_499 = tpu.memref_squeeze %dma_start3A_498 : memref<1x50xi32, #tpu.memory_space<vmem>> -> memref<50xi32, #tpu.memory_space<vmem>>
      %dma_start3A_500 = arith.constant 0 : i32
      %dma_start3A_501 = arith.constant 0 : i32
      %dma_start3A_502 = tpu.memref_slice %arg3[%dma_start3A_500, %dma_start3A_501] : memref<1000000x32xf32, #tpu.memory_space<hbm>> -> memref<1000000x32xf32, #tpu.memory_space<hbm>>
      tpu.enqueue_indirect_dma source(%dma_start3A_502 : memref<1000000x32xf32, #tpu.memory_space<hbm>>) target(%dma_start3A_496 : memref<50x32xf32, #tpu.memory_space<vmem>>) offsets(%dma_start3A_499 : memref<50xi32, #tpu.memory_space<vmem>>) semaphore(%arg7 : memref<!tpu.dma_semaphore, #tpu.memory_space<semaphore_mem>>)
      %dma_start3A_503 = arith.constant 41 : i32
      %dma_start3A_504 = arith.constant 41 : i32
      %dma_start3A_505 = arith.constant 0 : i32
      %dma_start3A_506 = arith.constant 0 : i32
      %dma_start3A_507 = tpu.memref_slice %arg6[%dma_start3A_504, %dma_start3A_505, %dma_start3A_506] : memref<64x50x32xf32, #tpu.memory_space<vmem>> -> memref<1x50x32xf32, #tpu.memory_space<vmem>>
      %dma_start3A_508 = tpu.memref_squeeze %dma_start3A_507 : memref<1x50x32xf32, #tpu.memory_space<vmem>> -> memref<50x32xf32, #tpu.memory_space<vmem>>
      %dma_start3A_509 = arith.constant 0 : i32
      %dma_start3A_510 = tpu.memref_slice %arg5[%dma_start3A_503, %dma_start3A_509] : memref<64x50xi32, #tpu.memory_space<vmem>> -> memref<1x50xi32, #tpu.memory_space<vmem>>
      %dma_start3A_511 = tpu.memref_squeeze %dma_start3A_510 : memref<1x50xi32, #tpu.memory_space<vmem>> -> memref<50xi32, #tpu.memory_space<vmem>>
      %dma_start3A_512 = arith.constant 0 : i32
      %dma_start3A_513 = arith.constant 0 : i32
      %dma_start3A_514 = tpu.memref_slice %arg3[%dma_start3A_512, %dma_start3A_513] : memref<1000000x32xf32, #tpu.memory_space<hbm>> -> memref<1000000x32xf32, #tpu.memory_space<hbm>>
      tpu.enqueue_indirect_dma source(%dma_start3A_514 : memref<1000000x32xf32, #tpu.memory_space<hbm>>) target(%dma_start3A_508 : memref<50x32xf32, #tpu.memory_space<vmem>>) offsets(%dma_start3A_511 : memref<50xi32, #tpu.memory_space<vmem>>) semaphore(%arg7 : memref<!tpu.dma_semaphore, #tpu.memory_space<semaphore_mem>>)
      %dma_start3A_515 = arith.constant 42 : i32
      %dma_start3A_516 = arith.constant 42 : i32
      %dma_start3A_517 = arith.constant 0 : i32
      %dma_start3A_518 = arith.constant 0 : i32
      %dma_start3A_519 = tpu.memref_slice %arg6[%dma_start3A_516, %dma_start3A_517, %dma_start3A_518] : memref<64x50x32xf32, #tpu.memory_space<vmem>> -> memref<1x50x32xf32, #tpu.memory_space<vmem>>
      %dma_start3A_520 = tpu.memref_squeeze %dma_start3A_519 : memref<1x50x32xf32, #tpu.memory_space<vmem>> -> memref<50x32xf32, #tpu.memory_space<vmem>>
      %dma_start3A_521 = arith.constant 0 : i32
      %dma_start3A_522 = tpu.memref_slice %arg5[%dma_start3A_515, %dma_start3A_521] : memref<64x50xi32, #tpu.memory_space<vmem>> -> memref<1x50xi32, #tpu.memory_space<vmem>>
      %dma_start3A_523 = tpu.memref_squeeze %dma_start3A_522 : memref<1x50xi32, #tpu.memory_space<vmem>> -> memref<50xi32, #tpu.memory_space<vmem>>
      %dma_start3A_524 = arith.constant 0 : i32
      %dma_start3A_525 = arith.constant 0 : i32
      %dma_start3A_526 = tpu.memref_slice %arg3[%dma_start3A_524, %dma_start3A_525] : memref<1000000x32xf32, #tpu.memory_space<hbm>> -> memref<1000000x32xf32, #tpu.memory_space<hbm>>
      tpu.enqueue_indirect_dma source(%dma_start3A_526 : memref<1000000x32xf32, #tpu.memory_space<hbm>>) target(%dma_start3A_520 : memref<50x32xf32, #tpu.memory_space<vmem>>) offsets(%dma_start3A_523 : memref<50xi32, #tpu.memory_space<vmem>>) semaphore(%arg7 : memref<!tpu.dma_semaphore, #tpu.memory_space<semaphore_mem>>)
      %dma_start3A_527 = arith.constant 43 : i32
      %dma_start3A_528 = arith.constant 43 : i32
      %dma_start3A_529 = arith.constant 0 : i32
      %dma_start3A_530 = arith.constant 0 : i32
      %dma_start3A_531 = tpu.memref_slice %arg6[%dma_start3A_528, %dma_start3A_529, %dma_start3A_530] : memref<64x50x32xf32, #tpu.memory_space<vmem>> -> memref<1x50x32xf32, #tpu.memory_space<vmem>>
      %dma_start3A_532 = tpu.memref_squeeze %dma_start3A_531 : memref<1x50x32xf32, #tpu.memory_space<vmem>> -> memref<50x32xf32, #tpu.memory_space<vmem>>
      %dma_start3A_533 = arith.constant 0 : i32
      %dma_start3A_534 = tpu.memref_slice %arg5[%dma_start3A_527, %dma_start3A_533] : memref<64x50xi32, #tpu.memory_space<vmem>> -> memref<1x50xi32, #tpu.memory_space<vmem>>
      %dma_start3A_535 = tpu.memref_squeeze %dma_start3A_534 : memref<1x50xi32, #tpu.memory_space<vmem>> -> memref<50xi32, #tpu.memory_space<vmem>>
      %dma_start3A_536 = arith.constant 0 : i32
      %dma_start3A_537 = arith.constant 0 : i32
      %dma_start3A_538 = tpu.memref_slice %arg3[%dma_start3A_536, %dma_start3A_537] : memref<1000000x32xf32, #tpu.memory_space<hbm>> -> memref<1000000x32xf32, #tpu.memory_space<hbm>>
      tpu.enqueue_indirect_dma source(%dma_start3A_538 : memref<1000000x32xf32, #tpu.memory_space<hbm>>) target(%dma_start3A_532 : memref<50x32xf32, #tpu.memory_space<vmem>>) offsets(%dma_start3A_535 : memref<50xi32, #tpu.memory_space<vmem>>) semaphore(%arg7 : memref<!tpu.dma_semaphore, #tpu.memory_space<semaphore_mem>>)
      %dma_start3A_539 = arith.constant 44 : i32
      %dma_start3A_540 = arith.constant 44 : i32
      %dma_start3A_541 = arith.constant 0 : i32
      %dma_start3A_542 = arith.constant 0 : i32
      %dma_start3A_543 = tpu.memref_slice %arg6[%dma_start3A_540, %dma_start3A_541, %dma_start3A_542] : memref<64x50x32xf32, #tpu.memory_space<vmem>> -> memref<1x50x32xf32, #tpu.memory_space<vmem>>
      %dma_start3A_544 = tpu.memref_squeeze %dma_start3A_543 : memref<1x50x32xf32, #tpu.memory_space<vmem>> -> memref<50x32xf32, #tpu.memory_space<vmem>>
      %dma_start3A_545 = arith.constant 0 : i32
      %dma_start3A_546 = tpu.memref_slice %arg5[%dma_start3A_539, %dma_start3A_545] : memref<64x50xi32, #tpu.memory_space<vmem>> -> memref<1x50xi32, #tpu.memory_space<vmem>>
      %dma_start3A_547 = tpu.memref_squeeze %dma_start3A_546 : memref<1x50xi32, #tpu.memory_space<vmem>> -> memref<50xi32, #tpu.memory_space<vmem>>
      %dma_start3A_548 = arith.constant 0 : i32
      %dma_start3A_549 = arith.constant 0 : i32
      %dma_start3A_550 = tpu.memref_slice %arg3[%dma_start3A_548, %dma_start3A_549] : memref<1000000x32xf32, #tpu.memory_space<hbm>> -> memref<1000000x32xf32, #tpu.memory_space<hbm>>
      tpu.enqueue_indirect_dma source(%dma_start3A_550 : memref<1000000x32xf32, #tpu.memory_space<hbm>>) target(%dma_start3A_544 : memref<50x32xf32, #tpu.memory_space<vmem>>) offsets(%dma_start3A_547 : memref<50xi32, #tpu.memory_space<vmem>>) semaphore(%arg7 : memref<!tpu.dma_semaphore, #tpu.memory_space<semaphore_mem>>)
      %dma_start3A_551 = arith.constant 45 : i32
      %dma_start3A_552 = arith.constant 45 : i32
      %dma_start3A_553 = arith.constant 0 : i32
      %dma_start3A_554 = arith.constant 0 : i32
      %dma_start3A_555 = tpu.memref_slice %arg6[%dma_start3A_552, %dma_start3A_553, %dma_start3A_554] : memref<64x50x32xf32, #tpu.memory_space<vmem>> -> memref<1x50x32xf32, #tpu.memory_space<vmem>>
      %dma_start3A_556 = tpu.memref_squeeze %dma_start3A_555 : memref<1x50x32xf32, #tpu.memory_space<vmem>> -> memref<50x32xf32, #tpu.memory_space<vmem>>
      %dma_start3A_557 = arith.constant 0 : i32
      %dma_start3A_558 = tpu.memref_slice %arg5[%dma_start3A_551, %dma_start3A_557] : memref<64x50xi32, #tpu.memory_space<vmem>> -> memref<1x50xi32, #tpu.memory_space<vmem>>
      %dma_start3A_559 = tpu.memref_squeeze %dma_start3A_558 : memref<1x50xi32, #tpu.memory_space<vmem>> -> memref<50xi32, #tpu.memory_space<vmem>>
      %dma_start3A_560 = arith.constant 0 : i32
      %dma_start3A_561 = arith.constant 0 : i32
      %dma_start3A_562 = tpu.memref_slice %arg3[%dma_start3A_560, %dma_start3A_561] : memref<1000000x32xf32, #tpu.memory_space<hbm>> -> memref<1000000x32xf32, #tpu.memory_space<hbm>>
      tpu.enqueue_indirect_dma source(%dma_start3A_562 : memref<1000000x32xf32, #tpu.memory_space<hbm>>) target(%dma_start3A_556 : memref<50x32xf32, #tpu.memory_space<vmem>>) offsets(%dma_start3A_559 : memref<50xi32, #tpu.memory_space<vmem>>) semaphore(%arg7 : memref<!tpu.dma_semaphore, #tpu.memory_space<semaphore_mem>>)
      %dma_start3A_563 = arith.constant 46 : i32
      %dma_start3A_564 = arith.constant 46 : i32
      %dma_start3A_565 = arith.constant 0 : i32
      %dma_start3A_566 = arith.constant 0 : i32
      %dma_start3A_567 = tpu.memref_slice %arg6[%dma_start3A_564, %dma_start3A_565, %dma_start3A_566] : memref<64x50x32xf32, #tpu.memory_space<vmem>> -> memref<1x50x32xf32, #tpu.memory_space<vmem>>
      %dma_start3A_568 = tpu.memref_squeeze %dma_start3A_567 : memref<1x50x32xf32, #tpu.memory_space<vmem>> -> memref<50x32xf32, #tpu.memory_space<vmem>>
      %dma_start3A_569 = arith.constant 0 : i32
      %dma_start3A_570 = tpu.memref_slice %arg5[%dma_start3A_563, %dma_start3A_569] : memref<64x50xi32, #tpu.memory_space<vmem>> -> memref<1x50xi32, #tpu.memory_space<vmem>>
      %dma_start3A_571 = tpu.memref_squeeze %dma_start3A_570 : memref<1x50xi32, #tpu.memory_space<vmem>> -> memref<50xi32, #tpu.memory_space<vmem>>
      %dma_start3A_572 = arith.constant 0 : i32
      %dma_start3A_573 = arith.constant 0 : i32
      %dma_start3A_574 = tpu.memref_slice %arg3[%dma_start3A_572, %dma_start3A_573] : memref<1000000x32xf32, #tpu.memory_space<hbm>> -> memref<1000000x32xf32, #tpu.memory_space<hbm>>
      tpu.enqueue_indirect_dma source(%dma_start3A_574 : memref<1000000x32xf32, #tpu.memory_space<hbm>>) target(%dma_start3A_568 : memref<50x32xf32, #tpu.memory_space<vmem>>) offsets(%dma_start3A_571 : memref<50xi32, #tpu.memory_space<vmem>>) semaphore(%arg7 : memref<!tpu.dma_semaphore, #tpu.memory_space<semaphore_mem>>)
      %dma_start3A_575 = arith.constant 47 : i32
      %dma_start3A_576 = arith.constant 47 : i32
      %dma_start3A_577 = arith.constant 0 : i32
      %dma_start3A_578 = arith.constant 0 : i32
      %dma_start3A_579 = tpu.memref_slice %arg6[%dma_start3A_576, %dma_start3A_577, %dma_start3A_578] : memref<64x50x32xf32, #tpu.memory_space<vmem>> -> memref<1x50x32xf32, #tpu.memory_space<vmem>>
      %dma_start3A_580 = tpu.memref_squeeze %dma_start3A_579 : memref<1x50x32xf32, #tpu.memory_space<vmem>> -> memref<50x32xf32, #tpu.memory_space<vmem>>
      %dma_start3A_581 = arith.constant 0 : i32
      %dma_start3A_582 = tpu.memref_slice %arg5[%dma_start3A_575, %dma_start3A_581] : memref<64x50xi32, #tpu.memory_space<vmem>> -> memref<1x50xi32, #tpu.memory_space<vmem>>
      %dma_start3A_583 = tpu.memref_squeeze %dma_start3A_582 : memref<1x50xi32, #tpu.memory_space<vmem>> -> memref<50xi32, #tpu.memory_space<vmem>>
      %dma_start3A_584 = arith.constant 0 : i32
      %dma_start3A_585 = arith.constant 0 : i32
      %dma_start3A_586 = tpu.memref_slice %arg3[%dma_start3A_584, %dma_start3A_585] : memref<1000000x32xf32, #tpu.memory_space<hbm>> -> memref<1000000x32xf32, #tpu.memory_space<hbm>>
      tpu.enqueue_indirect_dma source(%dma_start3A_586 : memref<1000000x32xf32, #tpu.memory_space<hbm>>) target(%dma_start3A_580 : memref<50x32xf32, #tpu.memory_space<vmem>>) offsets(%dma_start3A_583 : memref<50xi32, #tpu.memory_space<vmem>>) semaphore(%arg7 : memref<!tpu.dma_semaphore, #tpu.memory_space<semaphore_mem>>)
      %dma_start3A_587 = arith.constant 48 : i32
      %dma_start3A_588 = arith.constant 48 : i32
      %dma_start3A_589 = arith.constant 0 : i32
      %dma_start3A_590 = arith.constant 0 : i32
      %dma_start3A_591 = tpu.memref_slice %arg6[%dma_start3A_588, %dma_start3A_589, %dma_start3A_590] : memref<64x50x32xf32, #tpu.memory_space<vmem>> -> memref<1x50x32xf32, #tpu.memory_space<vmem>>
      %dma_start3A_592 = tpu.memref_squeeze %dma_start3A_591 : memref<1x50x32xf32, #tpu.memory_space<vmem>> -> memref<50x32xf32, #tpu.memory_space<vmem>>
      %dma_start3A_593 = arith.constant 0 : i32
      %dma_start3A_594 = tpu.memref_slice %arg5[%dma_start3A_587, %dma_start3A_593] : memref<64x50xi32, #tpu.memory_space<vmem>> -> memref<1x50xi32, #tpu.memory_space<vmem>>
      %dma_start3A_595 = tpu.memref_squeeze %dma_start3A_594 : memref<1x50xi32, #tpu.memory_space<vmem>> -> memref<50xi32, #tpu.memory_space<vmem>>
      %dma_start3A_596 = arith.constant 0 : i32
      %dma_start3A_597 = arith.constant 0 : i32
      %dma_start3A_598 = tpu.memref_slice %arg3[%dma_start3A_596, %dma_start3A_597] : memref<1000000x32xf32, #tpu.memory_space<hbm>> -> memref<1000000x32xf32, #tpu.memory_space<hbm>>
      tpu.enqueue_indirect_dma source(%dma_start3A_598 : memref<1000000x32xf32, #tpu.memory_space<hbm>>) target(%dma_start3A_592 : memref<50x32xf32, #tpu.memory_space<vmem>>) offsets(%dma_start3A_595 : memref<50xi32, #tpu.memory_space<vmem>>) semaphore(%arg7 : memref<!tpu.dma_semaphore, #tpu.memory_space<semaphore_mem>>)
      %dma_start3A_599 = arith.constant 49 : i32
      %dma_start3A_600 = arith.constant 49 : i32
      %dma_start3A_601 = arith.constant 0 : i32
      %dma_start3A_602 = arith.constant 0 : i32
      %dma_start3A_603 = tpu.memref_slice %arg6[%dma_start3A_600, %dma_start3A_601, %dma_start3A_602] : memref<64x50x32xf32, #tpu.memory_space<vmem>> -> memref<1x50x32xf32, #tpu.memory_space<vmem>>
      %dma_start3A_604 = tpu.memref_squeeze %dma_start3A_603 : memref<1x50x32xf32, #tpu.memory_space<vmem>> -> memref<50x32xf32, #tpu.memory_space<vmem>>
      %dma_start3A_605 = arith.constant 0 : i32
      %dma_start3A_606 = tpu.memref_slice %arg5[%dma_start3A_599, %dma_start3A_605] : memref<64x50xi32, #tpu.memory_space<vmem>> -> memref<1x50xi32, #tpu.memory_space<vmem>>
      %dma_start3A_607 = tpu.memref_squeeze %dma_start3A_606 : memref<1x50xi32, #tpu.memory_space<vmem>> -> memref<50xi32, #tpu.memory_space<vmem>>
      %dma_start3A_608 = arith.constant 0 : i32
      %dma_start3A_609 = arith.constant 0 : i32
      %dma_start3A_610 = tpu.memref_slice %arg3[%dma_start3A_608, %dma_start3A_609] : memref<1000000x32xf32, #tpu.memory_space<hbm>> -> memref<1000000x32xf32, #tpu.memory_space<hbm>>
      tpu.enqueue_indirect_dma source(%dma_start3A_610 : memref<1000000x32xf32, #tpu.memory_space<hbm>>) target(%dma_start3A_604 : memref<50x32xf32, #tpu.memory_space<vmem>>) offsets(%dma_start3A_607 : memref<50xi32, #tpu.memory_space<vmem>>) semaphore(%arg7 : memref<!tpu.dma_semaphore, #tpu.memory_space<semaphore_mem>>)
      %dma_start3A_611 = arith.constant 50 : i32
      %dma_start3A_612 = arith.constant 50 : i32
      %dma_start3A_613 = arith.constant 0 : i32
      %dma_start3A_614 = arith.constant 0 : i32
      %dma_start3A_615 = tpu.memref_slice %arg6[%dma_start3A_612, %dma_start3A_613, %dma_start3A_614] : memref<64x50x32xf32, #tpu.memory_space<vmem>> -> memref<1x50x32xf32, #tpu.memory_space<vmem>>
      %dma_start3A_616 = tpu.memref_squeeze %dma_start3A_615 : memref<1x50x32xf32, #tpu.memory_space<vmem>> -> memref<50x32xf32, #tpu.memory_space<vmem>>
      %dma_start3A_617 = arith.constant 0 : i32
      %dma_start3A_618 = tpu.memref_slice %arg5[%dma_start3A_611, %dma_start3A_617] : memref<64x50xi32, #tpu.memory_space<vmem>> -> memref<1x50xi32, #tpu.memory_space<vmem>>
      %dma_start3A_619 = tpu.memref_squeeze %dma_start3A_618 : memref<1x50xi32, #tpu.memory_space<vmem>> -> memref<50xi32, #tpu.memory_space<vmem>>
      %dma_start3A_620 = arith.constant 0 : i32
      %dma_start3A_621 = arith.constant 0 : i32
      %dma_start3A_622 = tpu.memref_slice %arg3[%dma_start3A_620, %dma_start3A_621] : memref<1000000x32xf32, #tpu.memory_space<hbm>> -> memref<1000000x32xf32, #tpu.memory_space<hbm>>
      tpu.enqueue_indirect_dma source(%dma_start3A_622 : memref<1000000x32xf32, #tpu.memory_space<hbm>>) target(%dma_start3A_616 : memref<50x32xf32, #tpu.memory_space<vmem>>) offsets(%dma_start3A_619 : memref<50xi32, #tpu.memory_space<vmem>>) semaphore(%arg7 : memref<!tpu.dma_semaphore, #tpu.memory_space<semaphore_mem>>)
      %dma_start3A_623 = arith.constant 51 : i32
      %dma_start3A_624 = arith.constant 51 : i32
      %dma_start3A_625 = arith.constant 0 : i32
      %dma_start3A_626 = arith.constant 0 : i32
      %dma_start3A_627 = tpu.memref_slice %arg6[%dma_start3A_624, %dma_start3A_625, %dma_start3A_626] : memref<64x50x32xf32, #tpu.memory_space<vmem>> -> memref<1x50x32xf32, #tpu.memory_space<vmem>>
      %dma_start3A_628 = tpu.memref_squeeze %dma_start3A_627 : memref<1x50x32xf32, #tpu.memory_space<vmem>> -> memref<50x32xf32, #tpu.memory_space<vmem>>
      %dma_start3A_629 = arith.constant 0 : i32
      %dma_start3A_630 = tpu.memref_slice %arg5[%dma_start3A_623, %dma_start3A_629] : memref<64x50xi32, #tpu.memory_space<vmem>> -> memref<1x50xi32, #tpu.memory_space<vmem>>
      %dma_start3A_631 = tpu.memref_squeeze %dma_start3A_630 : memref<1x50xi32, #tpu.memory_space<vmem>> -> memref<50xi32, #tpu.memory_space<vmem>>
      %dma_start3A_632 = arith.constant 0 : i32
      %dma_start3A_633 = arith.constant 0 : i32
      %dma_start3A_634 = tpu.memref_slice %arg3[%dma_start3A_632, %dma_start3A_633] : memref<1000000x32xf32, #tpu.memory_space<hbm>> -> memref<1000000x32xf32, #tpu.memory_space<hbm>>
      tpu.enqueue_indirect_dma source(%dma_start3A_634 : memref<1000000x32xf32, #tpu.memory_space<hbm>>) target(%dma_start3A_628 : memref<50x32xf32, #tpu.memory_space<vmem>>) offsets(%dma_start3A_631 : memref<50xi32, #tpu.memory_space<vmem>>) semaphore(%arg7 : memref<!tpu.dma_semaphore, #tpu.memory_space<semaphore_mem>>)
      %dma_start3A_635 = arith.constant 52 : i32
      %dma_start3A_636 = arith.constant 52 : i32
      %dma_start3A_637 = arith.constant 0 : i32
      %dma_start3A_638 = arith.constant 0 : i32
      %dma_start3A_639 = tpu.memref_slice %arg6[%dma_start3A_636, %dma_start3A_637, %dma_start3A_638] : memref<64x50x32xf32, #tpu.memory_space<vmem>> -> memref<1x50x32xf32, #tpu.memory_space<vmem>>
      %dma_start3A_640 = tpu.memref_squeeze %dma_start3A_639 : memref<1x50x32xf32, #tpu.memory_space<vmem>> -> memref<50x32xf32, #tpu.memory_space<vmem>>
      %dma_start3A_641 = arith.constant 0 : i32
      %dma_start3A_642 = tpu.memref_slice %arg5[%dma_start3A_635, %dma_start3A_641] : memref<64x50xi32, #tpu.memory_space<vmem>> -> memref<1x50xi32, #tpu.memory_space<vmem>>
      %dma_start3A_643 = tpu.memref_squeeze %dma_start3A_642 : memref<1x50xi32, #tpu.memory_space<vmem>> -> memref<50xi32, #tpu.memory_space<vmem>>
      %dma_start3A_644 = arith.constant 0 : i32
      %dma_start3A_645 = arith.constant 0 : i32
      %dma_start3A_646 = tpu.memref_slice %arg3[%dma_start3A_644, %dma_start3A_645] : memref<1000000x32xf32, #tpu.memory_space<hbm>> -> memref<1000000x32xf32, #tpu.memory_space<hbm>>
      tpu.enqueue_indirect_dma source(%dma_start3A_646 : memref<1000000x32xf32, #tpu.memory_space<hbm>>) target(%dma_start3A_640 : memref<50x32xf32, #tpu.memory_space<vmem>>) offsets(%dma_start3A_643 : memref<50xi32, #tpu.memory_space<vmem>>) semaphore(%arg7 : memref<!tpu.dma_semaphore, #tpu.memory_space<semaphore_mem>>)
      %dma_start3A_647 = arith.constant 53 : i32
      %dma_start3A_648 = arith.constant 53 : i32
      %dma_start3A_649 = arith.constant 0 : i32
      %dma_start3A_650 = arith.constant 0 : i32
      %dma_start3A_651 = tpu.memref_slice %arg6[%dma_start3A_648, %dma_start3A_649, %dma_start3A_650] : memref<64x50x32xf32, #tpu.memory_space<vmem>> -> memref<1x50x32xf32, #tpu.memory_space<vmem>>
      %dma_start3A_652 = tpu.memref_squeeze %dma_start3A_651 : memref<1x50x32xf32, #tpu.memory_space<vmem>> -> memref<50x32xf32, #tpu.memory_space<vmem>>
      %dma_start3A_653 = arith.constant 0 : i32
      %dma_start3A_654 = tpu.memref_slice %arg5[%dma_start3A_647, %dma_start3A_653] : memref<64x50xi32, #tpu.memory_space<vmem>> -> memref<1x50xi32, #tpu.memory_space<vmem>>
      %dma_start3A_655 = tpu.memref_squeeze %dma_start3A_654 : memref<1x50xi32, #tpu.memory_space<vmem>> -> memref<50xi32, #tpu.memory_space<vmem>>
      %dma_start3A_656 = arith.constant 0 : i32
      %dma_start3A_657 = arith.constant 0 : i32
      %dma_start3A_658 = tpu.memref_slice %arg3[%dma_start3A_656, %dma_start3A_657] : memref<1000000x32xf32, #tpu.memory_space<hbm>> -> memref<1000000x32xf32, #tpu.memory_space<hbm>>
      tpu.enqueue_indirect_dma source(%dma_start3A_658 : memref<1000000x32xf32, #tpu.memory_space<hbm>>) target(%dma_start3A_652 : memref<50x32xf32, #tpu.memory_space<vmem>>) offsets(%dma_start3A_655 : memref<50xi32, #tpu.memory_space<vmem>>) semaphore(%arg7 : memref<!tpu.dma_semaphore, #tpu.memory_space<semaphore_mem>>)
      %dma_start3A_659 = arith.constant 54 : i32
      %dma_start3A_660 = arith.constant 54 : i32
      %dma_start3A_661 = arith.constant 0 : i32
      %dma_start3A_662 = arith.constant 0 : i32
      %dma_start3A_663 = tpu.memref_slice %arg6[%dma_start3A_660, %dma_start3A_661, %dma_start3A_662] : memref<64x50x32xf32, #tpu.memory_space<vmem>> -> memref<1x50x32xf32, #tpu.memory_space<vmem>>
      %dma_start3A_664 = tpu.memref_squeeze %dma_start3A_663 : memref<1x50x32xf32, #tpu.memory_space<vmem>> -> memref<50x32xf32, #tpu.memory_space<vmem>>
      %dma_start3A_665 = arith.constant 0 : i32
      %dma_start3A_666 = tpu.memref_slice %arg5[%dma_start3A_659, %dma_start3A_665] : memref<64x50xi32, #tpu.memory_space<vmem>> -> memref<1x50xi32, #tpu.memory_space<vmem>>
      %dma_start3A_667 = tpu.memref_squeeze %dma_start3A_666 : memref<1x50xi32, #tpu.memory_space<vmem>> -> memref<50xi32, #tpu.memory_space<vmem>>
      %dma_start3A_668 = arith.constant 0 : i32
      %dma_start3A_669 = arith.constant 0 : i32
      %dma_start3A_670 = tpu.memref_slice %arg3[%dma_start3A_668, %dma_start3A_669] : memref<1000000x32xf32, #tpu.memory_space<hbm>> -> memref<1000000x32xf32, #tpu.memory_space<hbm>>
      tpu.enqueue_indirect_dma source(%dma_start3A_670 : memref<1000000x32xf32, #tpu.memory_space<hbm>>) target(%dma_start3A_664 : memref<50x32xf32, #tpu.memory_space<vmem>>) offsets(%dma_start3A_667 : memref<50xi32, #tpu.memory_space<vmem>>) semaphore(%arg7 : memref<!tpu.dma_semaphore, #tpu.memory_space<semaphore_mem>>)
      %dma_start3A_671 = arith.constant 55 : i32
      %dma_start3A_672 = arith.constant 55 : i32
      %dma_start3A_673 = arith.constant 0 : i32
      %dma_start3A_674 = arith.constant 0 : i32
      %dma_start3A_675 = tpu.memref_slice %arg6[%dma_start3A_672, %dma_start3A_673, %dma_start3A_674] : memref<64x50x32xf32, #tpu.memory_space<vmem>> -> memref<1x50x32xf32, #tpu.memory_space<vmem>>
      %dma_start3A_676 = tpu.memref_squeeze %dma_start3A_675 : memref<1x50x32xf32, #tpu.memory_space<vmem>> -> memref<50x32xf32, #tpu.memory_space<vmem>>
      %dma_start3A_677 = arith.constant 0 : i32
      %dma_start3A_678 = tpu.memref_slice %arg5[%dma_start3A_671, %dma_start3A_677] : memref<64x50xi32, #tpu.memory_space<vmem>> -> memref<1x50xi32, #tpu.memory_space<vmem>>
      %dma_start3A_679 = tpu.memref_squeeze %dma_start3A_678 : memref<1x50xi32, #tpu.memory_space<vmem>> -> memref<50xi32, #tpu.memory_space<vmem>>
      %dma_start3A_680 = arith.constant 0 : i32
      %dma_start3A_681 = arith.constant 0 : i32
      %dma_start3A_682 = tpu.memref_slice %arg3[%dma_start3A_680, %dma_start3A_681] : memref<1000000x32xf32, #tpu.memory_space<hbm>> -> memref<1000000x32xf32, #tpu.memory_space<hbm>>
      tpu.enqueue_indirect_dma source(%dma_start3A_682 : memref<1000000x32xf32, #tpu.memory_space<hbm>>) target(%dma_start3A_676 : memref<50x32xf32, #tpu.memory_space<vmem>>) offsets(%dma_start3A_679 : memref<50xi32, #tpu.memory_space<vmem>>) semaphore(%arg7 : memref<!tpu.dma_semaphore, #tpu.memory_space<semaphore_mem>>)
      %dma_start3A_683 = arith.constant 56 : i32
      %dma_start3A_684 = arith.constant 56 : i32
      %dma_start3A_685 = arith.constant 0 : i32
      %dma_start3A_686 = arith.constant 0 : i32
      %dma_start3A_687 = tpu.memref_slice %arg6[%dma_start3A_684, %dma_start3A_685, %dma_start3A_686] : memref<64x50x32xf32, #tpu.memory_space<vmem>> -> memref<1x50x32xf32, #tpu.memory_space<vmem>>
      %dma_start3A_688 = tpu.memref_squeeze %dma_start3A_687 : memref<1x50x32xf32, #tpu.memory_space<vmem>> -> memref<50x32xf32, #tpu.memory_space<vmem>>
      %dma_start3A_689 = arith.constant 0 : i32
      %dma_start3A_690 = tpu.memref_slice %arg5[%dma_start3A_683, %dma_start3A_689] : memref<64x50xi32, #tpu.memory_space<vmem>> -> memref<1x50xi32, #tpu.memory_space<vmem>>
      %dma_start3A_691 = tpu.memref_squeeze %dma_start3A_690 : memref<1x50xi32, #tpu.memory_space<vmem>> -> memref<50xi32, #tpu.memory_space<vmem>>
      %dma_start3A_692 = arith.constant 0 : i32
      %dma_start3A_693 = arith.constant 0 : i32
      %dma_start3A_694 = tpu.memref_slice %arg3[%dma_start3A_692, %dma_start3A_693] : memref<1000000x32xf32, #tpu.memory_space<hbm>> -> memref<1000000x32xf32, #tpu.memory_space<hbm>>
      tpu.enqueue_indirect_dma source(%dma_start3A_694 : memref<1000000x32xf32, #tpu.memory_space<hbm>>) target(%dma_start3A_688 : memref<50x32xf32, #tpu.memory_space<vmem>>) offsets(%dma_start3A_691 : memref<50xi32, #tpu.memory_space<vmem>>) semaphore(%arg7 : memref<!tpu.dma_semaphore, #tpu.memory_space<semaphore_mem>>)
      %dma_start3A_695 = arith.constant 57 : i32
      %dma_start3A_696 = arith.constant 57 : i32
      %dma_start3A_697 = arith.constant 0 : i32
      %dma_start3A_698 = arith.constant 0 : i32
      %dma_start3A_699 = tpu.memref_slice %arg6[%dma_start3A_696, %dma_start3A_697, %dma_start3A_698] : memref<64x50x32xf32, #tpu.memory_space<vmem>> -> memref<1x50x32xf32, #tpu.memory_space<vmem>>
      %dma_start3A_700 = tpu.memref_squeeze %dma_start3A_699 : memref<1x50x32xf32, #tpu.memory_space<vmem>> -> memref<50x32xf32, #tpu.memory_space<vmem>>
      %dma_start3A_701 = arith.constant 0 : i32
      %dma_start3A_702 = tpu.memref_slice %arg5[%dma_start3A_695, %dma_start3A_701] : memref<64x50xi32, #tpu.memory_space<vmem>> -> memref<1x50xi32, #tpu.memory_space<vmem>>
      %dma_start3A_703 = tpu.memref_squeeze %dma_start3A_702 : memref<1x50xi32, #tpu.memory_space<vmem>> -> memref<50xi32, #tpu.memory_space<vmem>>
      %dma_start3A_704 = arith.constant 0 : i32
      %dma_start3A_705 = arith.constant 0 : i32
      %dma_start3A_706 = tpu.memref_slice %arg3[%dma_start3A_704, %dma_start3A_705] : memref<1000000x32xf32, #tpu.memory_space<hbm>> -> memref<1000000x32xf32, #tpu.memory_space<hbm>>
      tpu.enqueue_indirect_dma source(%dma_start3A_706 : memref<1000000x32xf32, #tpu.memory_space<hbm>>) target(%dma_start3A_700 : memref<50x32xf32, #tpu.memory_space<vmem>>) offsets(%dma_start3A_703 : memref<50xi32, #tpu.memory_space<vmem>>) semaphore(%arg7 : memref<!tpu.dma_semaphore, #tpu.memory_space<semaphore_mem>>)
      %dma_start3A_707 = arith.constant 58 : i32
      %dma_start3A_708 = arith.constant 58 : i32
      %dma_start3A_709 = arith.constant 0 : i32
      %dma_start3A_710 = arith.constant 0 : i32
      %dma_start3A_711 = tpu.memref_slice %arg6[%dma_start3A_708, %dma_start3A_709, %dma_start3A_710] : memref<64x50x32xf32, #tpu.memory_space<vmem>> -> memref<1x50x32xf32, #tpu.memory_space<vmem>>
      %dma_start3A_712 = tpu.memref_squeeze %dma_start3A_711 : memref<1x50x32xf32, #tpu.memory_space<vmem>> -> memref<50x32xf32, #tpu.memory_space<vmem>>
      %dma_start3A_713 = arith.constant 0 : i32
      %dma_start3A_714 = tpu.memref_slice %arg5[%dma_start3A_707, %dma_start3A_713] : memref<64x50xi32, #tpu.memory_space<vmem>> -> memref<1x50xi32, #tpu.memory_space<vmem>>
      %dma_start3A_715 = tpu.memref_squeeze %dma_start3A_714 : memref<1x50xi32, #tpu.memory_space<vmem>> -> memref<50xi32, #tpu.memory_space<vmem>>
      %dma_start3A_716 = arith.constant 0 : i32
      %dma_start3A_717 = arith.constant 0 : i32
      %dma_start3A_718 = tpu.memref_slice %arg3[%dma_start3A_716, %dma_start3A_717] : memref<1000000x32xf32, #tpu.memory_space<hbm>> -> memref<1000000x32xf32, #tpu.memory_space<hbm>>
      tpu.enqueue_indirect_dma source(%dma_start3A_718 : memref<1000000x32xf32, #tpu.memory_space<hbm>>) target(%dma_start3A_712 : memref<50x32xf32, #tpu.memory_space<vmem>>) offsets(%dma_start3A_715 : memref<50xi32, #tpu.memory_space<vmem>>) semaphore(%arg7 : memref<!tpu.dma_semaphore, #tpu.memory_space<semaphore_mem>>)
      %dma_start3A_719 = arith.constant 59 : i32
      %dma_start3A_720 = arith.constant 59 : i32
      %dma_start3A_721 = arith.constant 0 : i32
      %dma_start3A_722 = arith.constant 0 : i32
      %dma_start3A_723 = tpu.memref_slice %arg6[%dma_start3A_720, %dma_start3A_721, %dma_start3A_722] : memref<64x50x32xf32, #tpu.memory_space<vmem>> -> memref<1x50x32xf32, #tpu.memory_space<vmem>>
      %dma_start3A_724 = tpu.memref_squeeze %dma_start3A_723 : memref<1x50x32xf32, #tpu.memory_space<vmem>> -> memref<50x32xf32, #tpu.memory_space<vmem>>
      %dma_start3A_725 = arith.constant 0 : i32
      %dma_start3A_726 = tpu.memref_slice %arg5[%dma_start3A_719, %dma_start3A_725] : memref<64x50xi32, #tpu.memory_space<vmem>> -> memref<1x50xi32, #tpu.memory_space<vmem>>
      %dma_start3A_727 = tpu.memref_squeeze %dma_start3A_726 : memref<1x50xi32, #tpu.memory_space<vmem>> -> memref<50xi32, #tpu.memory_space<vmem>>
      %dma_start3A_728 = arith.constant 0 : i32
      %dma_start3A_729 = arith.constant 0 : i32
      %dma_start3A_730 = tpu.memref_slice %arg3[%dma_start3A_728, %dma_start3A_729] : memref<1000000x32xf32, #tpu.memory_space<hbm>> -> memref<1000000x32xf32, #tpu.memory_space<hbm>>
      tpu.enqueue_indirect_dma source(%dma_start3A_730 : memref<1000000x32xf32, #tpu.memory_space<hbm>>) target(%dma_start3A_724 : memref<50x32xf32, #tpu.memory_space<vmem>>) offsets(%dma_start3A_727 : memref<50xi32, #tpu.memory_space<vmem>>) semaphore(%arg7 : memref<!tpu.dma_semaphore, #tpu.memory_space<semaphore_mem>>)
      %dma_start3A_731 = arith.constant 60 : i32
      %dma_start3A_732 = arith.constant 60 : i32
      %dma_start3A_733 = arith.constant 0 : i32
      %dma_start3A_734 = arith.constant 0 : i32
      %dma_start3A_735 = tpu.memref_slice %arg6[%dma_start3A_732, %dma_start3A_733, %dma_start3A_734] : memref<64x50x32xf32, #tpu.memory_space<vmem>> -> memref<1x50x32xf32, #tpu.memory_space<vmem>>
      %dma_start3A_736 = tpu.memref_squeeze %dma_start3A_735 : memref<1x50x32xf32, #tpu.memory_space<vmem>> -> memref<50x32xf32, #tpu.memory_space<vmem>>
      %dma_start3A_737 = arith.constant 0 : i32
      %dma_start3A_738 = tpu.memref_slice %arg5[%dma_start3A_731, %dma_start3A_737] : memref<64x50xi32, #tpu.memory_space<vmem>> -> memref<1x50xi32, #tpu.memory_space<vmem>>
      %dma_start3A_739 = tpu.memref_squeeze %dma_start3A_738 : memref<1x50xi32, #tpu.memory_space<vmem>> -> memref<50xi32, #tpu.memory_space<vmem>>
      %dma_start3A_740 = arith.constant 0 : i32
      %dma_start3A_741 = arith.constant 0 : i32
      %dma_start3A_742 = tpu.memref_slice %arg3[%dma_start3A_740, %dma_start3A_741] : memref<1000000x32xf32, #tpu.memory_space<hbm>> -> memref<1000000x32xf32, #tpu.memory_space<hbm>>
      tpu.enqueue_indirect_dma source(%dma_start3A_742 : memref<1000000x32xf32, #tpu.memory_space<hbm>>) target(%dma_start3A_736 : memref<50x32xf32, #tpu.memory_space<vmem>>) offsets(%dma_start3A_739 : memref<50xi32, #tpu.memory_space<vmem>>) semaphore(%arg7 : memref<!tpu.dma_semaphore, #tpu.memory_space<semaphore_mem>>)
      %dma_start3A_743 = arith.constant 61 : i32
      %dma_start3A_744 = arith.constant 61 : i32
      %dma_start3A_745 = arith.constant 0 : i32
      %dma_start3A_746 = arith.constant 0 : i32
      %dma_start3A_747 = tpu.memref_slice %arg6[%dma_start3A_744, %dma_start3A_745, %dma_start3A_746] : memref<64x50x32xf32, #tpu.memory_space<vmem>> -> memref<1x50x32xf32, #tpu.memory_space<vmem>>
      %dma_start3A_748 = tpu.memref_squeeze %dma_start3A_747 : memref<1x50x32xf32, #tpu.memory_space<vmem>> -> memref<50x32xf32, #tpu.memory_space<vmem>>
      %dma_start3A_749 = arith.constant 0 : i32
      %dma_start3A_750 = tpu.memref_slice %arg5[%dma_start3A_743, %dma_start3A_749] : memref<64x50xi32, #tpu.memory_space<vmem>> -> memref<1x50xi32, #tpu.memory_space<vmem>>
      %dma_start3A_751 = tpu.memref_squeeze %dma_start3A_750 : memref<1x50xi32, #tpu.memory_space<vmem>> -> memref<50xi32, #tpu.memory_space<vmem>>
      %dma_start3A_752 = arith.constant 0 : i32
      %dma_start3A_753 = arith.constant 0 : i32
      %dma_start3A_754 = tpu.memref_slice %arg3[%dma_start3A_752, %dma_start3A_753] : memref<1000000x32xf32, #tpu.memory_space<hbm>> -> memref<1000000x32xf32, #tpu.memory_space<hbm>>
      tpu.enqueue_indirect_dma source(%dma_start3A_754 : memref<1000000x32xf32, #tpu.memory_space<hbm>>) target(%dma_start3A_748 : memref<50x32xf32, #tpu.memory_space<vmem>>) offsets(%dma_start3A_751 : memref<50xi32, #tpu.memory_space<vmem>>) semaphore(%arg7 : memref<!tpu.dma_semaphore, #tpu.memory_space<semaphore_mem>>)
      %dma_start3A_755 = arith.constant 62 : i32
      %dma_start3A_756 = arith.constant 62 : i32
      %dma_start3A_757 = arith.constant 0 : i32
      %dma_start3A_758 = arith.constant 0 : i32
      %dma_start3A_759 = tpu.memref_slice %arg6[%dma_start3A_756, %dma_start3A_757, %dma_start3A_758] : memref<64x50x32xf32, #tpu.memory_space<vmem>> -> memref<1x50x32xf32, #tpu.memory_space<vmem>>
      %dma_start3A_760 = tpu.memref_squeeze %dma_start3A_759 : memref<1x50x32xf32, #tpu.memory_space<vmem>> -> memref<50x32xf32, #tpu.memory_space<vmem>>
      %dma_start3A_761 = arith.constant 0 : i32
      %dma_start3A_762 = tpu.memref_slice %arg5[%dma_start3A_755, %dma_start3A_761] : memref<64x50xi32, #tpu.memory_space<vmem>> -> memref<1x50xi32, #tpu.memory_space<vmem>>
      %dma_start3A_763 = tpu.memref_squeeze %dma_start3A_762 : memref<1x50xi32, #tpu.memory_space<vmem>> -> memref<50xi32, #tpu.memory_space<vmem>>
      %dma_start3A_764 = arith.constant 0 : i32
      %dma_start3A_765 = arith.constant 0 : i32
      %dma_start3A_766 = tpu.memref_slice %arg3[%dma_start3A_764, %dma_start3A_765] : memref<1000000x32xf32, #tpu.memory_space<hbm>> -> memref<1000000x32xf32, #tpu.memory_space<hbm>>
      tpu.enqueue_indirect_dma source(%dma_start3A_766 : memref<1000000x32xf32, #tpu.memory_space<hbm>>) target(%dma_start3A_760 : memref<50x32xf32, #tpu.memory_space<vmem>>) offsets(%dma_start3A_763 : memref<50xi32, #tpu.memory_space<vmem>>) semaphore(%arg7 : memref<!tpu.dma_semaphore, #tpu.memory_space<semaphore_mem>>)
      %dma_start3A_767 = arith.constant 63 : i32
      %dma_start3A_768 = arith.constant 63 : i32
      %dma_start3A_769 = arith.constant 0 : i32
      %dma_start3A_770 = arith.constant 0 : i32
      %dma_start3A_771 = tpu.memref_slice %arg6[%dma_start3A_768, %dma_start3A_769, %dma_start3A_770] : memref<64x50x32xf32, #tpu.memory_space<vmem>> -> memref<1x50x32xf32, #tpu.memory_space<vmem>>
      %dma_start3A_772 = tpu.memref_squeeze %dma_start3A_771 : memref<1x50x32xf32, #tpu.memory_space<vmem>> -> memref<50x32xf32, #tpu.memory_space<vmem>>
      %dma_start3A_773 = arith.constant 0 : i32
      %dma_start3A_774 = tpu.memref_slice %arg5[%dma_start3A_767, %dma_start3A_773] : memref<64x50xi32, #tpu.memory_space<vmem>> -> memref<1x50xi32, #tpu.memory_space<vmem>>
      %dma_start3A_775 = tpu.memref_squeeze %dma_start3A_774 : memref<1x50xi32, #tpu.memory_space<vmem>> -> memref<50xi32, #tpu.memory_space<vmem>>
      %dma_start3A_776 = arith.constant 0 : i32
      %dma_start3A_777 = arith.constant 0 : i32
      %dma_start3A_778 = tpu.memref_slice %arg3[%dma_start3A_776, %dma_start3A_777] : memref<1000000x32xf32, #tpu.memory_space<hbm>> -> memref<1000000x32xf32, #tpu.memory_space<hbm>>
      tpu.enqueue_indirect_dma source(%dma_start3A_778 : memref<1000000x32xf32, #tpu.memory_space<hbm>>) target(%dma_start3A_772 : memref<50x32xf32, #tpu.memory_space<vmem>>) offsets(%dma_start3A_775 : memref<50xi32, #tpu.memory_space<vmem>>) semaphore(%arg7 : memref<!tpu.dma_semaphore, #tpu.memory_space<semaphore_mem>>)
      %dma_wait3A = arith.constant 0 : i32
      %dma_wait3A_779 = arith.constant 0 : i32
      %dma_wait3A_780 = arith.constant 0 : i32
      %dma_wait3A_781 = arith.constant 0 : i32
      %dma_wait3A_782 = tpu.memref_slice %arg6[%dma_wait3A_779, %dma_wait3A_780, %dma_wait3A_781] : memref<64x50x32xf32, #tpu.memory_space<vmem>> -> memref<1x50x32xf32, #tpu.memory_space<vmem>>
      %dma_wait3A_783 = tpu.memref_squeeze %dma_wait3A_782 : memref<1x50x32xf32, #tpu.memory_space<vmem>> -> memref<50x32xf32, #tpu.memory_space<vmem>>
      %dma_wait3A_784 = arith.constant 0 : i32
      %dma_wait3A_785 = tpu.memref_slice %arg5[%dma_wait3A, %dma_wait3A_784] : memref<64x50xi32, #tpu.memory_space<vmem>> -> memref<1x50xi32, #tpu.memory_space<vmem>>
      %dma_wait3A_786 = tpu.memref_squeeze %dma_wait3A_785 : memref<1x50xi32, #tpu.memory_space<vmem>> -> memref<50xi32, #tpu.memory_space<vmem>>
      %dma_wait3A_787 = arith.constant 0 : i32
      %dma_wait3A_788 = arith.constant 0 : i32
      %dma_wait3A_789 = tpu.memref_slice %arg3[%dma_wait3A_787, %dma_wait3A_788] : memref<1000000x32xf32, #tpu.memory_space<hbm>> -> memref<1000000x32xf32, #tpu.memory_space<hbm>>
      tpu.wait_indirect_dma semaphore(%arg7 : memref<!tpu.dma_semaphore, #tpu.memory_space<semaphore_mem>>) src(%dma_wait3A_789 : memref<1000000x32xf32, #tpu.memory_space<hbm>>) dst(%dma_wait3A_783 : memref<50x32xf32, #tpu.memory_space<vmem>>)
      %dma_wait3A_790 = arith.constant 1 : i32
      %dma_wait3A_791 = arith.constant 1 : i32
      %dma_wait3A_792 = arith.constant 0 : i32
      %dma_wait3A_793 = arith.constant 0 : i32
      %dma_wait3A_794 = tpu.memref_slice %arg6[%dma_wait3A_791, %dma_wait3A_792, %dma_wait3A_793] : memref<64x50x32xf32, #tpu.memory_space<vmem>> -> memref<1x50x32xf32, #tpu.memory_space<vmem>>
      %dma_wait3A_795 = tpu.memref_squeeze %dma_wait3A_794 : memref<1x50x32xf32, #tpu.memory_space<vmem>> -> memref<50x32xf32, #tpu.memory_space<vmem>>
      %dma_wait3A_796 = arith.constant 0 : i32
      %dma_wait3A_797 = tpu.memref_slice %arg5[%dma_wait3A_790, %dma_wait3A_796] : memref<64x50xi32, #tpu.memory_space<vmem>> -> memref<1x50xi32, #tpu.memory_space<vmem>>
      %dma_wait3A_798 = tpu.memref_squeeze %dma_wait3A_797 : memref<1x50xi32, #tpu.memory_space<vmem>> -> memref<50xi32, #tpu.memory_space<vmem>>
      %dma_wait3A_799 = arith.constant 0 : i32
      %dma_wait3A_800 = arith.constant 0 : i32
      %dma_wait3A_801 = tpu.memref_slice %arg3[%dma_wait3A_799, %dma_wait3A_800] : memref<1000000x32xf32, #tpu.memory_space<hbm>> -> memref<1000000x32xf32, #tpu.memory_space<hbm>>
      tpu.wait_indirect_dma semaphore(%arg7 : memref<!tpu.dma_semaphore, #tpu.memory_space<semaphore_mem>>) src(%dma_wait3A_801 : memref<1000000x32xf32, #tpu.memory_space<hbm>>) dst(%dma_wait3A_795 : memref<50x32xf32, #tpu.memory_space<vmem>>)
      %dma_wait3A_802 = arith.constant 2 : i32
      %dma_wait3A_803 = arith.constant 2 : i32
      %dma_wait3A_804 = arith.constant 0 : i32
      %dma_wait3A_805 = arith.constant 0 : i32
      %dma_wait3A_806 = tpu.memref_slice %arg6[%dma_wait3A_803, %dma_wait3A_804, %dma_wait3A_805] : memref<64x50x32xf32, #tpu.memory_space<vmem>> -> memref<1x50x32xf32, #tpu.memory_space<vmem>>
      %dma_wait3A_807 = tpu.memref_squeeze %dma_wait3A_806 : memref<1x50x32xf32, #tpu.memory_space<vmem>> -> memref<50x32xf32, #tpu.memory_space<vmem>>
      %dma_wait3A_808 = arith.constant 0 : i32
      %dma_wait3A_809 = tpu.memref_slice %arg5[%dma_wait3A_802, %dma_wait3A_808] : memref<64x50xi32, #tpu.memory_space<vmem>> -> memref<1x50xi32, #tpu.memory_space<vmem>>
      %dma_wait3A_810 = tpu.memref_squeeze %dma_wait3A_809 : memref<1x50xi32, #tpu.memory_space<vmem>> -> memref<50xi32, #tpu.memory_space<vmem>>
      %dma_wait3A_811 = arith.constant 0 : i32
      %dma_wait3A_812 = arith.constant 0 : i32
      %dma_wait3A_813 = tpu.memref_slice %arg3[%dma_wait3A_811, %dma_wait3A_812] : memref<1000000x32xf32, #tpu.memory_space<hbm>> -> memref<1000000x32xf32, #tpu.memory_space<hbm>>
      tpu.wait_indirect_dma semaphore(%arg7 : memref<!tpu.dma_semaphore, #tpu.memory_space<semaphore_mem>>) src(%dma_wait3A_813 : memref<1000000x32xf32, #tpu.memory_space<hbm>>) dst(%dma_wait3A_807 : memref<50x32xf32, #tpu.memory_space<vmem>>)
      %dma_wait3A_814 = arith.constant 3 : i32
      %dma_wait3A_815 = arith.constant 3 : i32
      %dma_wait3A_816 = arith.constant 0 : i32
      %dma_wait3A_817 = arith.constant 0 : i32
      %dma_wait3A_818 = tpu.memref_slice %arg6[%dma_wait3A_815, %dma_wait3A_816, %dma_wait3A_817] : memref<64x50x32xf32, #tpu.memory_space<vmem>> -> memref<1x50x32xf32, #tpu.memory_space<vmem>>
      %dma_wait3A_819 = tpu.memref_squeeze %dma_wait3A_818 : memref<1x50x32xf32, #tpu.memory_space<vmem>> -> memref<50x32xf32, #tpu.memory_space<vmem>>
      %dma_wait3A_820 = arith.constant 0 : i32
      %dma_wait3A_821 = tpu.memref_slice %arg5[%dma_wait3A_814, %dma_wait3A_820] : memref<64x50xi32, #tpu.memory_space<vmem>> -> memref<1x50xi32, #tpu.memory_space<vmem>>
      %dma_wait3A_822 = tpu.memref_squeeze %dma_wait3A_821 : memref<1x50xi32, #tpu.memory_space<vmem>> -> memref<50xi32, #tpu.memory_space<vmem>>
      %dma_wait3A_823 = arith.constant 0 : i32
      %dma_wait3A_824 = arith.constant 0 : i32
      %dma_wait3A_825 = tpu.memref_slice %arg3[%dma_wait3A_823, %dma_wait3A_824] : memref<1000000x32xf32, #tpu.memory_space<hbm>> -> memref<1000000x32xf32, #tpu.memory_space<hbm>>
      tpu.wait_indirect_dma semaphore(%arg7 : memref<!tpu.dma_semaphore, #tpu.memory_space<semaphore_mem>>) src(%dma_wait3A_825 : memref<1000000x32xf32, #tpu.memory_space<hbm>>) dst(%dma_wait3A_819 : memref<50x32xf32, #tpu.memory_space<vmem>>)
      %dma_wait3A_826 = arith.constant 4 : i32
      %dma_wait3A_827 = arith.constant 4 : i32
      %dma_wait3A_828 = arith.constant 0 : i32
      %dma_wait3A_829 = arith.constant 0 : i32
      %dma_wait3A_830 = tpu.memref_slice %arg6[%dma_wait3A_827, %dma_wait3A_828, %dma_wait3A_829] : memref<64x50x32xf32, #tpu.memory_space<vmem>> -> memref<1x50x32xf32, #tpu.memory_space<vmem>>
      %dma_wait3A_831 = tpu.memref_squeeze %dma_wait3A_830 : memref<1x50x32xf32, #tpu.memory_space<vmem>> -> memref<50x32xf32, #tpu.memory_space<vmem>>
      %dma_wait3A_832 = arith.constant 0 : i32
      %dma_wait3A_833 = tpu.memref_slice %arg5[%dma_wait3A_826, %dma_wait3A_832] : memref<64x50xi32, #tpu.memory_space<vmem>> -> memref<1x50xi32, #tpu.memory_space<vmem>>
      %dma_wait3A_834 = tpu.memref_squeeze %dma_wait3A_833 : memref<1x50xi32, #tpu.memory_space<vmem>> -> memref<50xi32, #tpu.memory_space<vmem>>
      %dma_wait3A_835 = arith.constant 0 : i32
      %dma_wait3A_836 = arith.constant 0 : i32
      %dma_wait3A_837 = tpu.memref_slice %arg3[%dma_wait3A_835, %dma_wait3A_836] : memref<1000000x32xf32, #tpu.memory_space<hbm>> -> memref<1000000x32xf32, #tpu.memory_space<hbm>>
      tpu.wait_indirect_dma semaphore(%arg7 : memref<!tpu.dma_semaphore, #tpu.memory_space<semaphore_mem>>) src(%dma_wait3A_837 : memref<1000000x32xf32, #tpu.memory_space<hbm>>) dst(%dma_wait3A_831 : memref<50x32xf32, #tpu.memory_space<vmem>>)
      %dma_wait3A_838 = arith.constant 5 : i32
      %dma_wait3A_839 = arith.constant 5 : i32
      %dma_wait3A_840 = arith.constant 0 : i32
      %dma_wait3A_841 = arith.constant 0 : i32
      %dma_wait3A_842 = tpu.memref_slice %arg6[%dma_wait3A_839, %dma_wait3A_840, %dma_wait3A_841] : memref<64x50x32xf32, #tpu.memory_space<vmem>> -> memref<1x50x32xf32, #tpu.memory_space<vmem>>
      %dma_wait3A_843 = tpu.memref_squeeze %dma_wait3A_842 : memref<1x50x32xf32, #tpu.memory_space<vmem>> -> memref<50x32xf32, #tpu.memory_space<vmem>>
      %dma_wait3A_844 = arith.constant 0 : i32
      %dma_wait3A_845 = tpu.memref_slice %arg5[%dma_wait3A_838, %dma_wait3A_844] : memref<64x50xi32, #tpu.memory_space<vmem>> -> memref<1x50xi32, #tpu.memory_space<vmem>>
      %dma_wait3A_846 = tpu.memref_squeeze %dma_wait3A_845 : memref<1x50xi32, #tpu.memory_space<vmem>> -> memref<50xi32, #tpu.memory_space<vmem>>
      %dma_wait3A_847 = arith.constant 0 : i32
      %dma_wait3A_848 = arith.constant 0 : i32
      %dma_wait3A_849 = tpu.memref_slice %arg3[%dma_wait3A_847, %dma_wait3A_848] : memref<1000000x32xf32, #tpu.memory_space<hbm>> -> memref<1000000x32xf32, #tpu.memory_space<hbm>>
      tpu.wait_indirect_dma semaphore(%arg7 : memref<!tpu.dma_semaphore, #tpu.memory_space<semaphore_mem>>) src(%dma_wait3A_849 : memref<1000000x32xf32, #tpu.memory_space<hbm>>) dst(%dma_wait3A_843 : memref<50x32xf32, #tpu.memory_space<vmem>>)
      %dma_wait3A_850 = arith.constant 6 : i32
      %dma_wait3A_851 = arith.constant 6 : i32
      %dma_wait3A_852 = arith.constant 0 : i32
      %dma_wait3A_853 = arith.constant 0 : i32
      %dma_wait3A_854 = tpu.memref_slice %arg6[%dma_wait3A_851, %dma_wait3A_852, %dma_wait3A_853] : memref<64x50x32xf32, #tpu.memory_space<vmem>> -> memref<1x50x32xf32, #tpu.memory_space<vmem>>
      %dma_wait3A_855 = tpu.memref_squeeze %dma_wait3A_854 : memref<1x50x32xf32, #tpu.memory_space<vmem>> -> memref<50x32xf32, #tpu.memory_space<vmem>>
      %dma_wait3A_856 = arith.constant 0 : i32
      %dma_wait3A_857 = tpu.memref_slice %arg5[%dma_wait3A_850, %dma_wait3A_856] : memref<64x50xi32, #tpu.memory_space<vmem>> -> memref<1x50xi32, #tpu.memory_space<vmem>>
      %dma_wait3A_858 = tpu.memref_squeeze %dma_wait3A_857 : memref<1x50xi32, #tpu.memory_space<vmem>> -> memref<50xi32, #tpu.memory_space<vmem>>
      %dma_wait3A_859 = arith.constant 0 : i32
      %dma_wait3A_860 = arith.constant 0 : i32
      %dma_wait3A_861 = tpu.memref_slice %arg3[%dma_wait3A_859, %dma_wait3A_860] : memref<1000000x32xf32, #tpu.memory_space<hbm>> -> memref<1000000x32xf32, #tpu.memory_space<hbm>>
      tpu.wait_indirect_dma semaphore(%arg7 : memref<!tpu.dma_semaphore, #tpu.memory_space<semaphore_mem>>) src(%dma_wait3A_861 : memref<1000000x32xf32, #tpu.memory_space<hbm>>) dst(%dma_wait3A_855 : memref<50x32xf32, #tpu.memory_space<vmem>>)
      %dma_wait3A_862 = arith.constant 7 : i32
      %dma_wait3A_863 = arith.constant 7 : i32
      %dma_wait3A_864 = arith.constant 0 : i32
      %dma_wait3A_865 = arith.constant 0 : i32
      %dma_wait3A_866 = tpu.memref_slice %arg6[%dma_wait3A_863, %dma_wait3A_864, %dma_wait3A_865] : memref<64x50x32xf32, #tpu.memory_space<vmem>> -> memref<1x50x32xf32, #tpu.memory_space<vmem>>
      %dma_wait3A_867 = tpu.memref_squeeze %dma_wait3A_866 : memref<1x50x32xf32, #tpu.memory_space<vmem>> -> memref<50x32xf32, #tpu.memory_space<vmem>>
      %dma_wait3A_868 = arith.constant 0 : i32
      %dma_wait3A_869 = tpu.memref_slice %arg5[%dma_wait3A_862, %dma_wait3A_868] : memref<64x50xi32, #tpu.memory_space<vmem>> -> memref<1x50xi32, #tpu.memory_space<vmem>>
      %dma_wait3A_870 = tpu.memref_squeeze %dma_wait3A_869 : memref<1x50xi32, #tpu.memory_space<vmem>> -> memref<50xi32, #tpu.memory_space<vmem>>
      %dma_wait3A_871 = arith.constant 0 : i32
      %dma_wait3A_872 = arith.constant 0 : i32
      %dma_wait3A_873 = tpu.memref_slice %arg3[%dma_wait3A_871, %dma_wait3A_872] : memref<1000000x32xf32, #tpu.memory_space<hbm>> -> memref<1000000x32xf32, #tpu.memory_space<hbm>>
      tpu.wait_indirect_dma semaphore(%arg7 : memref<!tpu.dma_semaphore, #tpu.memory_space<semaphore_mem>>) src(%dma_wait3A_873 : memref<1000000x32xf32, #tpu.memory_space<hbm>>) dst(%dma_wait3A_867 : memref<50x32xf32, #tpu.memory_space<vmem>>)
      %dma_wait3A_874 = arith.constant 8 : i32
      %dma_wait3A_875 = arith.constant 8 : i32
      %dma_wait3A_876 = arith.constant 0 : i32
      %dma_wait3A_877 = arith.constant 0 : i32
      %dma_wait3A_878 = tpu.memref_slice %arg6[%dma_wait3A_875, %dma_wait3A_876, %dma_wait3A_877] : memref<64x50x32xf32, #tpu.memory_space<vmem>> -> memref<1x50x32xf32, #tpu.memory_space<vmem>>
      %dma_wait3A_879 = tpu.memref_squeeze %dma_wait3A_878 : memref<1x50x32xf32, #tpu.memory_space<vmem>> -> memref<50x32xf32, #tpu.memory_space<vmem>>
      %dma_wait3A_880 = arith.constant 0 : i32
      %dma_wait3A_881 = tpu.memref_slice %arg5[%dma_wait3A_874, %dma_wait3A_880] : memref<64x50xi32, #tpu.memory_space<vmem>> -> memref<1x50xi32, #tpu.memory_space<vmem>>
      %dma_wait3A_882 = tpu.memref_squeeze %dma_wait3A_881 : memref<1x50xi32, #tpu.memory_space<vmem>> -> memref<50xi32, #tpu.memory_space<vmem>>
      %dma_wait3A_883 = arith.constant 0 : i32
      %dma_wait3A_884 = arith.constant 0 : i32
      %dma_wait3A_885 = tpu.memref_slice %arg3[%dma_wait3A_883, %dma_wait3A_884] : memref<1000000x32xf32, #tpu.memory_space<hbm>> -> memref<1000000x32xf32, #tpu.memory_space<hbm>>
      tpu.wait_indirect_dma semaphore(%arg7 : memref<!tpu.dma_semaphore, #tpu.memory_space<semaphore_mem>>) src(%dma_wait3A_885 : memref<1000000x32xf32, #tpu.memory_space<hbm>>) dst(%dma_wait3A_879 : memref<50x32xf32, #tpu.memory_space<vmem>>)
      %dma_wait3A_886 = arith.constant 9 : i32
      %dma_wait3A_887 = arith.constant 9 : i32
      %dma_wait3A_888 = arith.constant 0 : i32
      %dma_wait3A_889 = arith.constant 0 : i32
      %dma_wait3A_890 = tpu.memref_slice %arg6[%dma_wait3A_887, %dma_wait3A_888, %dma_wait3A_889] : memref<64x50x32xf32, #tpu.memory_space<vmem>> -> memref<1x50x32xf32, #tpu.memory_space<vmem>>
      %dma_wait3A_891 = tpu.memref_squeeze %dma_wait3A_890 : memref<1x50x32xf32, #tpu.memory_space<vmem>> -> memref<50x32xf32, #tpu.memory_space<vmem>>
      %dma_wait3A_892 = arith.constant 0 : i32
      %dma_wait3A_893 = tpu.memref_slice %arg5[%dma_wait3A_886, %dma_wait3A_892] : memref<64x50xi32, #tpu.memory_space<vmem>> -> memref<1x50xi32, #tpu.memory_space<vmem>>
      %dma_wait3A_894 = tpu.memref_squeeze %dma_wait3A_893 : memref<1x50xi32, #tpu.memory_space<vmem>> -> memref<50xi32, #tpu.memory_space<vmem>>
      %dma_wait3A_895 = arith.constant 0 : i32
      %dma_wait3A_896 = arith.constant 0 : i32
      %dma_wait3A_897 = tpu.memref_slice %arg3[%dma_wait3A_895, %dma_wait3A_896] : memref<1000000x32xf32, #tpu.memory_space<hbm>> -> memref<1000000x32xf32, #tpu.memory_space<hbm>>
      tpu.wait_indirect_dma semaphore(%arg7 : memref<!tpu.dma_semaphore, #tpu.memory_space<semaphore_mem>>) src(%dma_wait3A_897 : memref<1000000x32xf32, #tpu.memory_space<hbm>>) dst(%dma_wait3A_891 : memref<50x32xf32, #tpu.memory_space<vmem>>)
      %dma_wait3A_898 = arith.constant 10 : i32
      %dma_wait3A_899 = arith.constant 10 : i32
      %dma_wait3A_900 = arith.constant 0 : i32
      %dma_wait3A_901 = arith.constant 0 : i32
      %dma_wait3A_902 = tpu.memref_slice %arg6[%dma_wait3A_899, %dma_wait3A_900, %dma_wait3A_901] : memref<64x50x32xf32, #tpu.memory_space<vmem>> -> memref<1x50x32xf32, #tpu.memory_space<vmem>>
      %dma_wait3A_903 = tpu.memref_squeeze %dma_wait3A_902 : memref<1x50x32xf32, #tpu.memory_space<vmem>> -> memref<50x32xf32, #tpu.memory_space<vmem>>
      %dma_wait3A_904 = arith.constant 0 : i32
      %dma_wait3A_905 = tpu.memref_slice %arg5[%dma_wait3A_898, %dma_wait3A_904] : memref<64x50xi32, #tpu.memory_space<vmem>> -> memref<1x50xi32, #tpu.memory_space<vmem>>
      %dma_wait3A_906 = tpu.memref_squeeze %dma_wait3A_905 : memref<1x50xi32, #tpu.memory_space<vmem>> -> memref<50xi32, #tpu.memory_space<vmem>>
      %dma_wait3A_907 = arith.constant 0 : i32
      %dma_wait3A_908 = arith.constant 0 : i32
      %dma_wait3A_909 = tpu.memref_slice %arg3[%dma_wait3A_907, %dma_wait3A_908] : memref<1000000x32xf32, #tpu.memory_space<hbm>> -> memref<1000000x32xf32, #tpu.memory_space<hbm>>
      tpu.wait_indirect_dma semaphore(%arg7 : memref<!tpu.dma_semaphore, #tpu.memory_space<semaphore_mem>>) src(%dma_wait3A_909 : memref<1000000x32xf32, #tpu.memory_space<hbm>>) dst(%dma_wait3A_903 : memref<50x32xf32, #tpu.memory_space<vmem>>)
      %dma_wait3A_910 = arith.constant 11 : i32
      %dma_wait3A_911 = arith.constant 11 : i32
      %dma_wait3A_912 = arith.constant 0 : i32
      %dma_wait3A_913 = arith.constant 0 : i32
      %dma_wait3A_914 = tpu.memref_slice %arg6[%dma_wait3A_911, %dma_wait3A_912, %dma_wait3A_913] : memref<64x50x32xf32, #tpu.memory_space<vmem>> -> memref<1x50x32xf32, #tpu.memory_space<vmem>>
      %dma_wait3A_915 = tpu.memref_squeeze %dma_wait3A_914 : memref<1x50x32xf32, #tpu.memory_space<vmem>> -> memref<50x32xf32, #tpu.memory_space<vmem>>
      %dma_wait3A_916 = arith.constant 0 : i32
      %dma_wait3A_917 = tpu.memref_slice %arg5[%dma_wait3A_910, %dma_wait3A_916] : memref<64x50xi32, #tpu.memory_space<vmem>> -> memref<1x50xi32, #tpu.memory_space<vmem>>
      %dma_wait3A_918 = tpu.memref_squeeze %dma_wait3A_917 : memref<1x50xi32, #tpu.memory_space<vmem>> -> memref<50xi32, #tpu.memory_space<vmem>>
      %dma_wait3A_919 = arith.constant 0 : i32
      %dma_wait3A_920 = arith.constant 0 : i32
      %dma_wait3A_921 = tpu.memref_slice %arg3[%dma_wait3A_919, %dma_wait3A_920] : memref<1000000x32xf32, #tpu.memory_space<hbm>> -> memref<1000000x32xf32, #tpu.memory_space<hbm>>
      tpu.wait_indirect_dma semaphore(%arg7 : memref<!tpu.dma_semaphore, #tpu.memory_space<semaphore_mem>>) src(%dma_wait3A_921 : memref<1000000x32xf32, #tpu.memory_space<hbm>>) dst(%dma_wait3A_915 : memref<50x32xf32, #tpu.memory_space<vmem>>)
      %dma_wait3A_922 = arith.constant 12 : i32
      %dma_wait3A_923 = arith.constant 12 : i32
      %dma_wait3A_924 = arith.constant 0 : i32
      %dma_wait3A_925 = arith.constant 0 : i32
      %dma_wait3A_926 = tpu.memref_slice %arg6[%dma_wait3A_923, %dma_wait3A_924, %dma_wait3A_925] : memref<64x50x32xf32, #tpu.memory_space<vmem>> -> memref<1x50x32xf32, #tpu.memory_space<vmem>>
      %dma_wait3A_927 = tpu.memref_squeeze %dma_wait3A_926 : memref<1x50x32xf32, #tpu.memory_space<vmem>> -> memref<50x32xf32, #tpu.memory_space<vmem>>
      %dma_wait3A_928 = arith.constant 0 : i32
      %dma_wait3A_929 = tpu.memref_slice %arg5[%dma_wait3A_922, %dma_wait3A_928] : memref<64x50xi32, #tpu.memory_space<vmem>> -> memref<1x50xi32, #tpu.memory_space<vmem>>
      %dma_wait3A_930 = tpu.memref_squeeze %dma_wait3A_929 : memref<1x50xi32, #tpu.memory_space<vmem>> -> memref<50xi32, #tpu.memory_space<vmem>>
      %dma_wait3A_931 = arith.constant 0 : i32
      %dma_wait3A_932 = arith.constant 0 : i32
      %dma_wait3A_933 = tpu.memref_slice %arg3[%dma_wait3A_931, %dma_wait3A_932] : memref<1000000x32xf32, #tpu.memory_space<hbm>> -> memref<1000000x32xf32, #tpu.memory_space<hbm>>
      tpu.wait_indirect_dma semaphore(%arg7 : memref<!tpu.dma_semaphore, #tpu.memory_space<semaphore_mem>>) src(%dma_wait3A_933 : memref<1000000x32xf32, #tpu.memory_space<hbm>>) dst(%dma_wait3A_927 : memref<50x32xf32, #tpu.memory_space<vmem>>)
      %dma_wait3A_934 = arith.constant 13 : i32
      %dma_wait3A_935 = arith.constant 13 : i32
      %dma_wait3A_936 = arith.constant 0 : i32
      %dma_wait3A_937 = arith.constant 0 : i32
      %dma_wait3A_938 = tpu.memref_slice %arg6[%dma_wait3A_935, %dma_wait3A_936, %dma_wait3A_937] : memref<64x50x32xf32, #tpu.memory_space<vmem>> -> memref<1x50x32xf32, #tpu.memory_space<vmem>>
      %dma_wait3A_939 = tpu.memref_squeeze %dma_wait3A_938 : memref<1x50x32xf32, #tpu.memory_space<vmem>> -> memref<50x32xf32, #tpu.memory_space<vmem>>
      %dma_wait3A_940 = arith.constant 0 : i32
      %dma_wait3A_941 = tpu.memref_slice %arg5[%dma_wait3A_934, %dma_wait3A_940] : memref<64x50xi32, #tpu.memory_space<vmem>> -> memref<1x50xi32, #tpu.memory_space<vmem>>
      %dma_wait3A_942 = tpu.memref_squeeze %dma_wait3A_941 : memref<1x50xi32, #tpu.memory_space<vmem>> -> memref<50xi32, #tpu.memory_space<vmem>>
      %dma_wait3A_943 = arith.constant 0 : i32
      %dma_wait3A_944 = arith.constant 0 : i32
      %dma_wait3A_945 = tpu.memref_slice %arg3[%dma_wait3A_943, %dma_wait3A_944] : memref<1000000x32xf32, #tpu.memory_space<hbm>> -> memref<1000000x32xf32, #tpu.memory_space<hbm>>
      tpu.wait_indirect_dma semaphore(%arg7 : memref<!tpu.dma_semaphore, #tpu.memory_space<semaphore_mem>>) src(%dma_wait3A_945 : memref<1000000x32xf32, #tpu.memory_space<hbm>>) dst(%dma_wait3A_939 : memref<50x32xf32, #tpu.memory_space<vmem>>)
      %dma_wait3A_946 = arith.constant 14 : i32
      %dma_wait3A_947 = arith.constant 14 : i32
      %dma_wait3A_948 = arith.constant 0 : i32
      %dma_wait3A_949 = arith.constant 0 : i32
      %dma_wait3A_950 = tpu.memref_slice %arg6[%dma_wait3A_947, %dma_wait3A_948, %dma_wait3A_949] : memref<64x50x32xf32, #tpu.memory_space<vmem>> -> memref<1x50x32xf32, #tpu.memory_space<vmem>>
      %dma_wait3A_951 = tpu.memref_squeeze %dma_wait3A_950 : memref<1x50x32xf32, #tpu.memory_space<vmem>> -> memref<50x32xf32, #tpu.memory_space<vmem>>
      %dma_wait3A_952 = arith.constant 0 : i32
      %dma_wait3A_953 = tpu.memref_slice %arg5[%dma_wait3A_946, %dma_wait3A_952] : memref<64x50xi32, #tpu.memory_space<vmem>> -> memref<1x50xi32, #tpu.memory_space<vmem>>
      %dma_wait3A_954 = tpu.memref_squeeze %dma_wait3A_953 : memref<1x50xi32, #tpu.memory_space<vmem>> -> memref<50xi32, #tpu.memory_space<vmem>>
      %dma_wait3A_955 = arith.constant 0 : i32
      %dma_wait3A_956 = arith.constant 0 : i32
      %dma_wait3A_957 = tpu.memref_slice %arg3[%dma_wait3A_955, %dma_wait3A_956] : memref<1000000x32xf32, #tpu.memory_space<hbm>> -> memref<1000000x32xf32, #tpu.memory_space<hbm>>
      tpu.wait_indirect_dma semaphore(%arg7 : memref<!tpu.dma_semaphore, #tpu.memory_space<semaphore_mem>>) src(%dma_wait3A_957 : memref<1000000x32xf32, #tpu.memory_space<hbm>>) dst(%dma_wait3A_951 : memref<50x32xf32, #tpu.memory_space<vmem>>)
      %dma_wait3A_958 = arith.constant 15 : i32
      %dma_wait3A_959 = arith.constant 15 : i32
      %dma_wait3A_960 = arith.constant 0 : i32
      %dma_wait3A_961 = arith.constant 0 : i32
      %dma_wait3A_962 = tpu.memref_slice %arg6[%dma_wait3A_959, %dma_wait3A_960, %dma_wait3A_961] : memref<64x50x32xf32, #tpu.memory_space<vmem>> -> memref<1x50x32xf32, #tpu.memory_space<vmem>>
      %dma_wait3A_963 = tpu.memref_squeeze %dma_wait3A_962 : memref<1x50x32xf32, #tpu.memory_space<vmem>> -> memref<50x32xf32, #tpu.memory_space<vmem>>
      %dma_wait3A_964 = arith.constant 0 : i32
      %dma_wait3A_965 = tpu.memref_slice %arg5[%dma_wait3A_958, %dma_wait3A_964] : memref<64x50xi32, #tpu.memory_space<vmem>> -> memref<1x50xi32, #tpu.memory_space<vmem>>
      %dma_wait3A_966 = tpu.memref_squeeze %dma_wait3A_965 : memref<1x50xi32, #tpu.memory_space<vmem>> -> memref<50xi32, #tpu.memory_space<vmem>>
      %dma_wait3A_967 = arith.constant 0 : i32
      %dma_wait3A_968 = arith.constant 0 : i32
      %dma_wait3A_969 = tpu.memref_slice %arg3[%dma_wait3A_967, %dma_wait3A_968] : memref<1000000x32xf32, #tpu.memory_space<hbm>> -> memref<1000000x32xf32, #tpu.memory_space<hbm>>
      tpu.wait_indirect_dma semaphore(%arg7 : memref<!tpu.dma_semaphore, #tpu.memory_space<semaphore_mem>>) src(%dma_wait3A_969 : memref<1000000x32xf32, #tpu.memory_space<hbm>>) dst(%dma_wait3A_963 : memref<50x32xf32, #tpu.memory_space<vmem>>)
      %dma_wait3A_970 = arith.constant 16 : i32
      %dma_wait3A_971 = arith.constant 16 : i32
      %dma_wait3A_972 = arith.constant 0 : i32
      %dma_wait3A_973 = arith.constant 0 : i32
      %dma_wait3A_974 = tpu.memref_slice %arg6[%dma_wait3A_971, %dma_wait3A_972, %dma_wait3A_973] : memref<64x50x32xf32, #tpu.memory_space<vmem>> -> memref<1x50x32xf32, #tpu.memory_space<vmem>>
      %dma_wait3A_975 = tpu.memref_squeeze %dma_wait3A_974 : memref<1x50x32xf32, #tpu.memory_space<vmem>> -> memref<50x32xf32, #tpu.memory_space<vmem>>
      %dma_wait3A_976 = arith.constant 0 : i32
      %dma_wait3A_977 = tpu.memref_slice %arg5[%dma_wait3A_970, %dma_wait3A_976] : memref<64x50xi32, #tpu.memory_space<vmem>> -> memref<1x50xi32, #tpu.memory_space<vmem>>
      %dma_wait3A_978 = tpu.memref_squeeze %dma_wait3A_977 : memref<1x50xi32, #tpu.memory_space<vmem>> -> memref<50xi32, #tpu.memory_space<vmem>>
      %dma_wait3A_979 = arith.constant 0 : i32
      %dma_wait3A_980 = arith.constant 0 : i32
      %dma_wait3A_981 = tpu.memref_slice %arg3[%dma_wait3A_979, %dma_wait3A_980] : memref<1000000x32xf32, #tpu.memory_space<hbm>> -> memref<1000000x32xf32, #tpu.memory_space<hbm>>
      tpu.wait_indirect_dma semaphore(%arg7 : memref<!tpu.dma_semaphore, #tpu.memory_space<semaphore_mem>>) src(%dma_wait3A_981 : memref<1000000x32xf32, #tpu.memory_space<hbm>>) dst(%dma_wait3A_975 : memref<50x32xf32, #tpu.memory_space<vmem>>)
      %dma_wait3A_982 = arith.constant 17 : i32
      %dma_wait3A_983 = arith.constant 17 : i32
      %dma_wait3A_984 = arith.constant 0 : i32
      %dma_wait3A_985 = arith.constant 0 : i32
      %dma_wait3A_986 = tpu.memref_slice %arg6[%dma_wait3A_983, %dma_wait3A_984, %dma_wait3A_985] : memref<64x50x32xf32, #tpu.memory_space<vmem>> -> memref<1x50x32xf32, #tpu.memory_space<vmem>>
      %dma_wait3A_987 = tpu.memref_squeeze %dma_wait3A_986 : memref<1x50x32xf32, #tpu.memory_space<vmem>> -> memref<50x32xf32, #tpu.memory_space<vmem>>
      %dma_wait3A_988 = arith.constant 0 : i32
      %dma_wait3A_989 = tpu.memref_slice %arg5[%dma_wait3A_982, %dma_wait3A_988] : memref<64x50xi32, #tpu.memory_space<vmem>> -> memref<1x50xi32, #tpu.memory_space<vmem>>
      %dma_wait3A_990 = tpu.memref_squeeze %dma_wait3A_989 : memref<1x50xi32, #tpu.memory_space<vmem>> -> memref<50xi32, #tpu.memory_space<vmem>>
      %dma_wait3A_991 = arith.constant 0 : i32
      %dma_wait3A_992 = arith.constant 0 : i32
      %dma_wait3A_993 = tpu.memref_slice %arg3[%dma_wait3A_991, %dma_wait3A_992] : memref<1000000x32xf32, #tpu.memory_space<hbm>> -> memref<1000000x32xf32, #tpu.memory_space<hbm>>
      tpu.wait_indirect_dma semaphore(%arg7 : memref<!tpu.dma_semaphore, #tpu.memory_space<semaphore_mem>>) src(%dma_wait3A_993 : memref<1000000x32xf32, #tpu.memory_space<hbm>>) dst(%dma_wait3A_987 : memref<50x32xf32, #tpu.memory_space<vmem>>)
      %dma_wait3A_994 = arith.constant 18 : i32
      %dma_wait3A_995 = arith.constant 18 : i32
      %dma_wait3A_996 = arith.constant 0 : i32
      %dma_wait3A_997 = arith.constant 0 : i32
      %dma_wait3A_998 = tpu.memref_slice %arg6[%dma_wait3A_995, %dma_wait3A_996, %dma_wait3A_997] : memref<64x50x32xf32, #tpu.memory_space<vmem>> -> memref<1x50x32xf32, #tpu.memory_space<vmem>>
      %dma_wait3A_999 = tpu.memref_squeeze %dma_wait3A_998 : memref<1x50x32xf32, #tpu.memory_space<vmem>> -> memref<50x32xf32, #tpu.memory_space<vmem>>
      %dma_wait3A_1000 = arith.constant 0 : i32
      %dma_wait3A_1001 = tpu.memref_slice %arg5[%dma_wait3A_994, %dma_wait3A_1000] : memref<64x50xi32, #tpu.memory_space<vmem>> -> memref<1x50xi32, #tpu.memory_space<vmem>>
      %dma_wait3A_1002 = tpu.memref_squeeze %dma_wait3A_1001 : memref<1x50xi32, #tpu.memory_space<vmem>> -> memref<50xi32, #tpu.memory_space<vmem>>
      %dma_wait3A_1003 = arith.constant 0 : i32
      %dma_wait3A_1004 = arith.constant 0 : i32
      %dma_wait3A_1005 = tpu.memref_slice %arg3[%dma_wait3A_1003, %dma_wait3A_1004] : memref<1000000x32xf32, #tpu.memory_space<hbm>> -> memref<1000000x32xf32, #tpu.memory_space<hbm>>
      tpu.wait_indirect_dma semaphore(%arg7 : memref<!tpu.dma_semaphore, #tpu.memory_space<semaphore_mem>>) src(%dma_wait3A_1005 : memref<1000000x32xf32, #tpu.memory_space<hbm>>) dst(%dma_wait3A_999 : memref<50x32xf32, #tpu.memory_space<vmem>>)
      %dma_wait3A_1006 = arith.constant 19 : i32
      %dma_wait3A_1007 = arith.constant 19 : i32
      %dma_wait3A_1008 = arith.constant 0 : i32
      %dma_wait3A_1009 = arith.constant 0 : i32
      %dma_wait3A_1010 = tpu.memref_slice %arg6[%dma_wait3A_1007, %dma_wait3A_1008, %dma_wait3A_1009] : memref<64x50x32xf32, #tpu.memory_space<vmem>> -> memref<1x50x32xf32, #tpu.memory_space<vmem>>
      %dma_wait3A_1011 = tpu.memref_squeeze %dma_wait3A_1010 : memref<1x50x32xf32, #tpu.memory_space<vmem>> -> memref<50x32xf32, #tpu.memory_space<vmem>>
      %dma_wait3A_1012 = arith.constant 0 : i32
      %dma_wait3A_1013 = tpu.memref_slice %arg5[%dma_wait3A_1006, %dma_wait3A_1012] : memref<64x50xi32, #tpu.memory_space<vmem>> -> memref<1x50xi32, #tpu.memory_space<vmem>>
      %dma_wait3A_1014 = tpu.memref_squeeze %dma_wait3A_1013 : memref<1x50xi32, #tpu.memory_space<vmem>> -> memref<50xi32, #tpu.memory_space<vmem>>
      %dma_wait3A_1015 = arith.constant 0 : i32
      %dma_wait3A_1016 = arith.constant 0 : i32
      %dma_wait3A_1017 = tpu.memref_slice %arg3[%dma_wait3A_1015, %dma_wait3A_1016] : memref<1000000x32xf32, #tpu.memory_space<hbm>> -> memref<1000000x32xf32, #tpu.memory_space<hbm>>
      tpu.wait_indirect_dma semaphore(%arg7 : memref<!tpu.dma_semaphore, #tpu.memory_space<semaphore_mem>>) src(%dma_wait3A_1017 : memref<1000000x32xf32, #tpu.memory_space<hbm>>) dst(%dma_wait3A_1011 : memref<50x32xf32, #tpu.memory_space<vmem>>)
      %dma_wait3A_1018 = arith.constant 20 : i32
      %dma_wait3A_1019 = arith.constant 20 : i32
      %dma_wait3A_1020 = arith.constant 0 : i32
      %dma_wait3A_1021 = arith.constant 0 : i32
      %dma_wait3A_1022 = tpu.memref_slice %arg6[%dma_wait3A_1019, %dma_wait3A_1020, %dma_wait3A_1021] : memref<64x50x32xf32, #tpu.memory_space<vmem>> -> memref<1x50x32xf32, #tpu.memory_space<vmem>>
      %dma_wait3A_1023 = tpu.memref_squeeze %dma_wait3A_1022 : memref<1x50x32xf32, #tpu.memory_space<vmem>> -> memref<50x32xf32, #tpu.memory_space<vmem>>
      %dma_wait3A_1024 = arith.constant 0 : i32
      %dma_wait3A_1025 = tpu.memref_slice %arg5[%dma_wait3A_1018, %dma_wait3A_1024] : memref<64x50xi32, #tpu.memory_space<vmem>> -> memref<1x50xi32, #tpu.memory_space<vmem>>
      %dma_wait3A_1026 = tpu.memref_squeeze %dma_wait3A_1025 : memref<1x50xi32, #tpu.memory_space<vmem>> -> memref<50xi32, #tpu.memory_space<vmem>>
      %dma_wait3A_1027 = arith.constant 0 : i32
      %dma_wait3A_1028 = arith.constant 0 : i32
      %dma_wait3A_1029 = tpu.memref_slice %arg3[%dma_wait3A_1027, %dma_wait3A_1028] : memref<1000000x32xf32, #tpu.memory_space<hbm>> -> memref<1000000x32xf32, #tpu.memory_space<hbm>>
      tpu.wait_indirect_dma semaphore(%arg7 : memref<!tpu.dma_semaphore, #tpu.memory_space<semaphore_mem>>) src(%dma_wait3A_1029 : memref<1000000x32xf32, #tpu.memory_space<hbm>>) dst(%dma_wait3A_1023 : memref<50x32xf32, #tpu.memory_space<vmem>>)
      %dma_wait3A_1030 = arith.constant 21 : i32
      %dma_wait3A_1031 = arith.constant 21 : i32
      %dma_wait3A_1032 = arith.constant 0 : i32
      %dma_wait3A_1033 = arith.constant 0 : i32
      %dma_wait3A_1034 = tpu.memref_slice %arg6[%dma_wait3A_1031, %dma_wait3A_1032, %dma_wait3A_1033] : memref<64x50x32xf32, #tpu.memory_space<vmem>> -> memref<1x50x32xf32, #tpu.memory_space<vmem>>
      %dma_wait3A_1035 = tpu.memref_squeeze %dma_wait3A_1034 : memref<1x50x32xf32, #tpu.memory_space<vmem>> -> memref<50x32xf32, #tpu.memory_space<vmem>>
      %dma_wait3A_1036 = arith.constant 0 : i32
      %dma_wait3A_1037 = tpu.memref_slice %arg5[%dma_wait3A_1030, %dma_wait3A_1036] : memref<64x50xi32, #tpu.memory_space<vmem>> -> memref<1x50xi32, #tpu.memory_space<vmem>>
      %dma_wait3A_1038 = tpu.memref_squeeze %dma_wait3A_1037 : memref<1x50xi32, #tpu.memory_space<vmem>> -> memref<50xi32, #tpu.memory_space<vmem>>
      %dma_wait3A_1039 = arith.constant 0 : i32
      %dma_wait3A_1040 = arith.constant 0 : i32
      %dma_wait3A_1041 = tpu.memref_slice %arg3[%dma_wait3A_1039, %dma_wait3A_1040] : memref<1000000x32xf32, #tpu.memory_space<hbm>> -> memref<1000000x32xf32, #tpu.memory_space<hbm>>
      tpu.wait_indirect_dma semaphore(%arg7 : memref<!tpu.dma_semaphore, #tpu.memory_space<semaphore_mem>>) src(%dma_wait3A_1041 : memref<1000000x32xf32, #tpu.memory_space<hbm>>) dst(%dma_wait3A_1035 : memref<50x32xf32, #tpu.memory_space<vmem>>)
      %dma_wait3A_1042 = arith.constant 22 : i32
      %dma_wait3A_1043 = arith.constant 22 : i32
      %dma_wait3A_1044 = arith.constant 0 : i32
      %dma_wait3A_1045 = arith.constant 0 : i32
      %dma_wait3A_1046 = tpu.memref_slice %arg6[%dma_wait3A_1043, %dma_wait3A_1044, %dma_wait3A_1045] : memref<64x50x32xf32, #tpu.memory_space<vmem>> -> memref<1x50x32xf32, #tpu.memory_space<vmem>>
      %dma_wait3A_1047 = tpu.memref_squeeze %dma_wait3A_1046 : memref<1x50x32xf32, #tpu.memory_space<vmem>> -> memref<50x32xf32, #tpu.memory_space<vmem>>
      %dma_wait3A_1048 = arith.constant 0 : i32
      %dma_wait3A_1049 = tpu.memref_slice %arg5[%dma_wait3A_1042, %dma_wait3A_1048] : memref<64x50xi32, #tpu.memory_space<vmem>> -> memref<1x50xi32, #tpu.memory_space<vmem>>
      %dma_wait3A_1050 = tpu.memref_squeeze %dma_wait3A_1049 : memref<1x50xi32, #tpu.memory_space<vmem>> -> memref<50xi32, #tpu.memory_space<vmem>>
      %dma_wait3A_1051 = arith.constant 0 : i32
      %dma_wait3A_1052 = arith.constant 0 : i32
      %dma_wait3A_1053 = tpu.memref_slice %arg3[%dma_wait3A_1051, %dma_wait3A_1052] : memref<1000000x32xf32, #tpu.memory_space<hbm>> -> memref<1000000x32xf32, #tpu.memory_space<hbm>>
      tpu.wait_indirect_dma semaphore(%arg7 : memref<!tpu.dma_semaphore, #tpu.memory_space<semaphore_mem>>) src(%dma_wait3A_1053 : memref<1000000x32xf32, #tpu.memory_space<hbm>>) dst(%dma_wait3A_1047 : memref<50x32xf32, #tpu.memory_space<vmem>>)
      %dma_wait3A_1054 = arith.constant 23 : i32
      %dma_wait3A_1055 = arith.constant 23 : i32
      %dma_wait3A_1056 = arith.constant 0 : i32
      %dma_wait3A_1057 = arith.constant 0 : i32
      %dma_wait3A_1058 = tpu.memref_slice %arg6[%dma_wait3A_1055, %dma_wait3A_1056, %dma_wait3A_1057] : memref<64x50x32xf32, #tpu.memory_space<vmem>> -> memref<1x50x32xf32, #tpu.memory_space<vmem>>
      %dma_wait3A_1059 = tpu.memref_squeeze %dma_wait3A_1058 : memref<1x50x32xf32, #tpu.memory_space<vmem>> -> memref<50x32xf32, #tpu.memory_space<vmem>>
      %dma_wait3A_1060 = arith.constant 0 : i32
      %dma_wait3A_1061 = tpu.memref_slice %arg5[%dma_wait3A_1054, %dma_wait3A_1060] : memref<64x50xi32, #tpu.memory_space<vmem>> -> memref<1x50xi32, #tpu.memory_space<vmem>>
      %dma_wait3A_1062 = tpu.memref_squeeze %dma_wait3A_1061 : memref<1x50xi32, #tpu.memory_space<vmem>> -> memref<50xi32, #tpu.memory_space<vmem>>
      %dma_wait3A_1063 = arith.constant 0 : i32
      %dma_wait3A_1064 = arith.constant 0 : i32
      %dma_wait3A_1065 = tpu.memref_slice %arg3[%dma_wait3A_1063, %dma_wait3A_1064] : memref<1000000x32xf32, #tpu.memory_space<hbm>> -> memref<1000000x32xf32, #tpu.memory_space<hbm>>
      tpu.wait_indirect_dma semaphore(%arg7 : memref<!tpu.dma_semaphore, #tpu.memory_space<semaphore_mem>>) src(%dma_wait3A_1065 : memref<1000000x32xf32, #tpu.memory_space<hbm>>) dst(%dma_wait3A_1059 : memref<50x32xf32, #tpu.memory_space<vmem>>)
      %dma_wait3A_1066 = arith.constant 24 : i32
      %dma_wait3A_1067 = arith.constant 24 : i32
      %dma_wait3A_1068 = arith.constant 0 : i32
      %dma_wait3A_1069 = arith.constant 0 : i32
      %dma_wait3A_1070 = tpu.memref_slice %arg6[%dma_wait3A_1067, %dma_wait3A_1068, %dma_wait3A_1069] : memref<64x50x32xf32, #tpu.memory_space<vmem>> -> memref<1x50x32xf32, #tpu.memory_space<vmem>>
      %dma_wait3A_1071 = tpu.memref_squeeze %dma_wait3A_1070 : memref<1x50x32xf32, #tpu.memory_space<vmem>> -> memref<50x32xf32, #tpu.memory_space<vmem>>
      %dma_wait3A_1072 = arith.constant 0 : i32
      %dma_wait3A_1073 = tpu.memref_slice %arg5[%dma_wait3A_1066, %dma_wait3A_1072] : memref<64x50xi32, #tpu.memory_space<vmem>> -> memref<1x50xi32, #tpu.memory_space<vmem>>
      %dma_wait3A_1074 = tpu.memref_squeeze %dma_wait3A_1073 : memref<1x50xi32, #tpu.memory_space<vmem>> -> memref<50xi32, #tpu.memory_space<vmem>>
      %dma_wait3A_1075 = arith.constant 0 : i32
      %dma_wait3A_1076 = arith.constant 0 : i32
      %dma_wait3A_1077 = tpu.memref_slice %arg3[%dma_wait3A_1075, %dma_wait3A_1076] : memref<1000000x32xf32, #tpu.memory_space<hbm>> -> memref<1000000x32xf32, #tpu.memory_space<hbm>>
      tpu.wait_indirect_dma semaphore(%arg7 : memref<!tpu.dma_semaphore, #tpu.memory_space<semaphore_mem>>) src(%dma_wait3A_1077 : memref<1000000x32xf32, #tpu.memory_space<hbm>>) dst(%dma_wait3A_1071 : memref<50x32xf32, #tpu.memory_space<vmem>>)
      %dma_wait3A_1078 = arith.constant 25 : i32
      %dma_wait3A_1079 = arith.constant 25 : i32
      %dma_wait3A_1080 = arith.constant 0 : i32
      %dma_wait3A_1081 = arith.constant 0 : i32
      %dma_wait3A_1082 = tpu.memref_slice %arg6[%dma_wait3A_1079, %dma_wait3A_1080, %dma_wait3A_1081] : memref<64x50x32xf32, #tpu.memory_space<vmem>> -> memref<1x50x32xf32, #tpu.memory_space<vmem>>
      %dma_wait3A_1083 = tpu.memref_squeeze %dma_wait3A_1082 : memref<1x50x32xf32, #tpu.memory_space<vmem>> -> memref<50x32xf32, #tpu.memory_space<vmem>>
      %dma_wait3A_1084 = arith.constant 0 : i32
      %dma_wait3A_1085 = tpu.memref_slice %arg5[%dma_wait3A_1078, %dma_wait3A_1084] : memref<64x50xi32, #tpu.memory_space<vmem>> -> memref<1x50xi32, #tpu.memory_space<vmem>>
      %dma_wait3A_1086 = tpu.memref_squeeze %dma_wait3A_1085 : memref<1x50xi32, #tpu.memory_space<vmem>> -> memref<50xi32, #tpu.memory_space<vmem>>
      %dma_wait3A_1087 = arith.constant 0 : i32
      %dma_wait3A_1088 = arith.constant 0 : i32
      %dma_wait3A_1089 = tpu.memref_slice %arg3[%dma_wait3A_1087, %dma_wait3A_1088] : memref<1000000x32xf32, #tpu.memory_space<hbm>> -> memref<1000000x32xf32, #tpu.memory_space<hbm>>
      tpu.wait_indirect_dma semaphore(%arg7 : memref<!tpu.dma_semaphore, #tpu.memory_space<semaphore_mem>>) src(%dma_wait3A_1089 : memref<1000000x32xf32, #tpu.memory_space<hbm>>) dst(%dma_wait3A_1083 : memref<50x32xf32, #tpu.memory_space<vmem>>)
      %dma_wait3A_1090 = arith.constant 26 : i32
      %dma_wait3A_1091 = arith.constant 26 : i32
      %dma_wait3A_1092 = arith.constant 0 : i32
      %dma_wait3A_1093 = arith.constant 0 : i32
      %dma_wait3A_1094 = tpu.memref_slice %arg6[%dma_wait3A_1091, %dma_wait3A_1092, %dma_wait3A_1093] : memref<64x50x32xf32, #tpu.memory_space<vmem>> -> memref<1x50x32xf32, #tpu.memory_space<vmem>>
      %dma_wait3A_1095 = tpu.memref_squeeze %dma_wait3A_1094 : memref<1x50x32xf32, #tpu.memory_space<vmem>> -> memref<50x32xf32, #tpu.memory_space<vmem>>
      %dma_wait3A_1096 = arith.constant 0 : i32
      %dma_wait3A_1097 = tpu.memref_slice %arg5[%dma_wait3A_1090, %dma_wait3A_1096] : memref<64x50xi32, #tpu.memory_space<vmem>> -> memref<1x50xi32, #tpu.memory_space<vmem>>
      %dma_wait3A_1098 = tpu.memref_squeeze %dma_wait3A_1097 : memref<1x50xi32, #tpu.memory_space<vmem>> -> memref<50xi32, #tpu.memory_space<vmem>>
      %dma_wait3A_1099 = arith.constant 0 : i32
      %dma_wait3A_1100 = arith.constant 0 : i32
      %dma_wait3A_1101 = tpu.memref_slice %arg3[%dma_wait3A_1099, %dma_wait3A_1100] : memref<1000000x32xf32, #tpu.memory_space<hbm>> -> memref<1000000x32xf32, #tpu.memory_space<hbm>>
      tpu.wait_indirect_dma semaphore(%arg7 : memref<!tpu.dma_semaphore, #tpu.memory_space<semaphore_mem>>) src(%dma_wait3A_1101 : memref<1000000x32xf32, #tpu.memory_space<hbm>>) dst(%dma_wait3A_1095 : memref<50x32xf32, #tpu.memory_space<vmem>>)
      %dma_wait3A_1102 = arith.constant 27 : i32
      %dma_wait3A_1103 = arith.constant 27 : i32
      %dma_wait3A_1104 = arith.constant 0 : i32
      %dma_wait3A_1105 = arith.constant 0 : i32
      %dma_wait3A_1106 = tpu.memref_slice %arg6[%dma_wait3A_1103, %dma_wait3A_1104, %dma_wait3A_1105] : memref<64x50x32xf32, #tpu.memory_space<vmem>> -> memref<1x50x32xf32, #tpu.memory_space<vmem>>
      %dma_wait3A_1107 = tpu.memref_squeeze %dma_wait3A_1106 : memref<1x50x32xf32, #tpu.memory_space<vmem>> -> memref<50x32xf32, #tpu.memory_space<vmem>>
      %dma_wait3A_1108 = arith.constant 0 : i32
      %dma_wait3A_1109 = tpu.memref_slice %arg5[%dma_wait3A_1102, %dma_wait3A_1108] : memref<64x50xi32, #tpu.memory_space<vmem>> -> memref<1x50xi32, #tpu.memory_space<vmem>>
      %dma_wait3A_1110 = tpu.memref_squeeze %dma_wait3A_1109 : memref<1x50xi32, #tpu.memory_space<vmem>> -> memref<50xi32, #tpu.memory_space<vmem>>
      %dma_wait3A_1111 = arith.constant 0 : i32
      %dma_wait3A_1112 = arith.constant 0 : i32
      %dma_wait3A_1113 = tpu.memref_slice %arg3[%dma_wait3A_1111, %dma_wait3A_1112] : memref<1000000x32xf32, #tpu.memory_space<hbm>> -> memref<1000000x32xf32, #tpu.memory_space<hbm>>
      tpu.wait_indirect_dma semaphore(%arg7 : memref<!tpu.dma_semaphore, #tpu.memory_space<semaphore_mem>>) src(%dma_wait3A_1113 : memref<1000000x32xf32, #tpu.memory_space<hbm>>) dst(%dma_wait3A_1107 : memref<50x32xf32, #tpu.memory_space<vmem>>)
      %dma_wait3A_1114 = arith.constant 28 : i32
      %dma_wait3A_1115 = arith.constant 28 : i32
      %dma_wait3A_1116 = arith.constant 0 : i32
      %dma_wait3A_1117 = arith.constant 0 : i32
      %dma_wait3A_1118 = tpu.memref_slice %arg6[%dma_wait3A_1115, %dma_wait3A_1116, %dma_wait3A_1117] : memref<64x50x32xf32, #tpu.memory_space<vmem>> -> memref<1x50x32xf32, #tpu.memory_space<vmem>>
      %dma_wait3A_1119 = tpu.memref_squeeze %dma_wait3A_1118 : memref<1x50x32xf32, #tpu.memory_space<vmem>> -> memref<50x32xf32, #tpu.memory_space<vmem>>
      %dma_wait3A_1120 = arith.constant 0 : i32
      %dma_wait3A_1121 = tpu.memref_slice %arg5[%dma_wait3A_1114, %dma_wait3A_1120] : memref<64x50xi32, #tpu.memory_space<vmem>> -> memref<1x50xi32, #tpu.memory_space<vmem>>
      %dma_wait3A_1122 = tpu.memref_squeeze %dma_wait3A_1121 : memref<1x50xi32, #tpu.memory_space<vmem>> -> memref<50xi32, #tpu.memory_space<vmem>>
      %dma_wait3A_1123 = arith.constant 0 : i32
      %dma_wait3A_1124 = arith.constant 0 : i32
      %dma_wait3A_1125 = tpu.memref_slice %arg3[%dma_wait3A_1123, %dma_wait3A_1124] : memref<1000000x32xf32, #tpu.memory_space<hbm>> -> memref<1000000x32xf32, #tpu.memory_space<hbm>>
      tpu.wait_indirect_dma semaphore(%arg7 : memref<!tpu.dma_semaphore, #tpu.memory_space<semaphore_mem>>) src(%dma_wait3A_1125 : memref<1000000x32xf32, #tpu.memory_space<hbm>>) dst(%dma_wait3A_1119 : memref<50x32xf32, #tpu.memory_space<vmem>>)
      %dma_wait3A_1126 = arith.constant 29 : i32
      %dma_wait3A_1127 = arith.constant 29 : i32
      %dma_wait3A_1128 = arith.constant 0 : i32
      %dma_wait3A_1129 = arith.constant 0 : i32
      %dma_wait3A_1130 = tpu.memref_slice %arg6[%dma_wait3A_1127, %dma_wait3A_1128, %dma_wait3A_1129] : memref<64x50x32xf32, #tpu.memory_space<vmem>> -> memref<1x50x32xf32, #tpu.memory_space<vmem>>
      %dma_wait3A_1131 = tpu.memref_squeeze %dma_wait3A_1130 : memref<1x50x32xf32, #tpu.memory_space<vmem>> -> memref<50x32xf32, #tpu.memory_space<vmem>>
      %dma_wait3A_1132 = arith.constant 0 : i32
      %dma_wait3A_1133 = tpu.memref_slice %arg5[%dma_wait3A_1126, %dma_wait3A_1132] : memref<64x50xi32, #tpu.memory_space<vmem>> -> memref<1x50xi32, #tpu.memory_space<vmem>>
      %dma_wait3A_1134 = tpu.memref_squeeze %dma_wait3A_1133 : memref<1x50xi32, #tpu.memory_space<vmem>> -> memref<50xi32, #tpu.memory_space<vmem>>
      %dma_wait3A_1135 = arith.constant 0 : i32
      %dma_wait3A_1136 = arith.constant 0 : i32
      %dma_wait3A_1137 = tpu.memref_slice %arg3[%dma_wait3A_1135, %dma_wait3A_1136] : memref<1000000x32xf32, #tpu.memory_space<hbm>> -> memref<1000000x32xf32, #tpu.memory_space<hbm>>
      tpu.wait_indirect_dma semaphore(%arg7 : memref<!tpu.dma_semaphore, #tpu.memory_space<semaphore_mem>>) src(%dma_wait3A_1137 : memref<1000000x32xf32, #tpu.memory_space<hbm>>) dst(%dma_wait3A_1131 : memref<50x32xf32, #tpu.memory_space<vmem>>)
      %dma_wait3A_1138 = arith.constant 30 : i32
      %dma_wait3A_1139 = arith.constant 30 : i32
      %dma_wait3A_1140 = arith.constant 0 : i32
      %dma_wait3A_1141 = arith.constant 0 : i32
      %dma_wait3A_1142 = tpu.memref_slice %arg6[%dma_wait3A_1139, %dma_wait3A_1140, %dma_wait3A_1141] : memref<64x50x32xf32, #tpu.memory_space<vmem>> -> memref<1x50x32xf32, #tpu.memory_space<vmem>>
      %dma_wait3A_1143 = tpu.memref_squeeze %dma_wait3A_1142 : memref<1x50x32xf32, #tpu.memory_space<vmem>> -> memref<50x32xf32, #tpu.memory_space<vmem>>
      %dma_wait3A_1144 = arith.constant 0 : i32
      %dma_wait3A_1145 = tpu.memref_slice %arg5[%dma_wait3A_1138, %dma_wait3A_1144] : memref<64x50xi32, #tpu.memory_space<vmem>> -> memref<1x50xi32, #tpu.memory_space<vmem>>
      %dma_wait3A_1146 = tpu.memref_squeeze %dma_wait3A_1145 : memref<1x50xi32, #tpu.memory_space<vmem>> -> memref<50xi32, #tpu.memory_space<vmem>>
      %dma_wait3A_1147 = arith.constant 0 : i32
      %dma_wait3A_1148 = arith.constant 0 : i32
      %dma_wait3A_1149 = tpu.memref_slice %arg3[%dma_wait3A_1147, %dma_wait3A_1148] : memref<1000000x32xf32, #tpu.memory_space<hbm>> -> memref<1000000x32xf32, #tpu.memory_space<hbm>>
      tpu.wait_indirect_dma semaphore(%arg7 : memref<!tpu.dma_semaphore, #tpu.memory_space<semaphore_mem>>) src(%dma_wait3A_1149 : memref<1000000x32xf32, #tpu.memory_space<hbm>>) dst(%dma_wait3A_1143 : memref<50x32xf32, #tpu.memory_space<vmem>>)
      %dma_wait3A_1150 = arith.constant 31 : i32
      %dma_wait3A_1151 = arith.constant 31 : i32
      %dma_wait3A_1152 = arith.constant 0 : i32
      %dma_wait3A_1153 = arith.constant 0 : i32
      %dma_wait3A_1154 = tpu.memref_slice %arg6[%dma_wait3A_1151, %dma_wait3A_1152, %dma_wait3A_1153] : memref<64x50x32xf32, #tpu.memory_space<vmem>> -> memref<1x50x32xf32, #tpu.memory_space<vmem>>
      %dma_wait3A_1155 = tpu.memref_squeeze %dma_wait3A_1154 : memref<1x50x32xf32, #tpu.memory_space<vmem>> -> memref<50x32xf32, #tpu.memory_space<vmem>>
      %dma_wait3A_1156 = arith.constant 0 : i32
      %dma_wait3A_1157 = tpu.memref_slice %arg5[%dma_wait3A_1150, %dma_wait3A_1156] : memref<64x50xi32, #tpu.memory_space<vmem>> -> memref<1x50xi32, #tpu.memory_space<vmem>>
      %dma_wait3A_1158 = tpu.memref_squeeze %dma_wait3A_1157 : memref<1x50xi32, #tpu.memory_space<vmem>> -> memref<50xi32, #tpu.memory_space<vmem>>
      %dma_wait3A_1159 = arith.constant 0 : i32
      %dma_wait3A_1160 = arith.constant 0 : i32
      %dma_wait3A_1161 = tpu.memref_slice %arg3[%dma_wait3A_1159, %dma_wait3A_1160] : memref<1000000x32xf32, #tpu.memory_space<hbm>> -> memref<1000000x32xf32, #tpu.memory_space<hbm>>
      tpu.wait_indirect_dma semaphore(%arg7 : memref<!tpu.dma_semaphore, #tpu.memory_space<semaphore_mem>>) src(%dma_wait3A_1161 : memref<1000000x32xf32, #tpu.memory_space<hbm>>) dst(%dma_wait3A_1155 : memref<50x32xf32, #tpu.memory_space<vmem>>)
      %dma_wait3A_1162 = arith.constant 32 : i32
      %dma_wait3A_1163 = arith.constant 32 : i32
      %dma_wait3A_1164 = arith.constant 0 : i32
      %dma_wait3A_1165 = arith.constant 0 : i32
      %dma_wait3A_1166 = tpu.memref_slice %arg6[%dma_wait3A_1163, %dma_wait3A_1164, %dma_wait3A_1165] : memref<64x50x32xf32, #tpu.memory_space<vmem>> -> memref<1x50x32xf32, #tpu.memory_space<vmem>>
      %dma_wait3A_1167 = tpu.memref_squeeze %dma_wait3A_1166 : memref<1x50x32xf32, #tpu.memory_space<vmem>> -> memref<50x32xf32, #tpu.memory_space<vmem>>
      %dma_wait3A_1168 = arith.constant 0 : i32
      %dma_wait3A_1169 = tpu.memref_slice %arg5[%dma_wait3A_1162, %dma_wait3A_1168] : memref<64x50xi32, #tpu.memory_space<vmem>> -> memref<1x50xi32, #tpu.memory_space<vmem>>
      %dma_wait3A_1170 = tpu.memref_squeeze %dma_wait3A_1169 : memref<1x50xi32, #tpu.memory_space<vmem>> -> memref<50xi32, #tpu.memory_space<vmem>>
      %dma_wait3A_1171 = arith.constant 0 : i32
      %dma_wait3A_1172 = arith.constant 0 : i32
      %dma_wait3A_1173 = tpu.memref_slice %arg3[%dma_wait3A_1171, %dma_wait3A_1172] : memref<1000000x32xf32, #tpu.memory_space<hbm>> -> memref<1000000x32xf32, #tpu.memory_space<hbm>>
      tpu.wait_indirect_dma semaphore(%arg7 : memref<!tpu.dma_semaphore, #tpu.memory_space<semaphore_mem>>) src(%dma_wait3A_1173 : memref<1000000x32xf32, #tpu.memory_space<hbm>>) dst(%dma_wait3A_1167 : memref<50x32xf32, #tpu.memory_space<vmem>>)
      %dma_wait3A_1174 = arith.constant 33 : i32
      %dma_wait3A_1175 = arith.constant 33 : i32
      %dma_wait3A_1176 = arith.constant 0 : i32
      %dma_wait3A_1177 = arith.constant 0 : i32
      %dma_wait3A_1178 = tpu.memref_slice %arg6[%dma_wait3A_1175, %dma_wait3A_1176, %dma_wait3A_1177] : memref<64x50x32xf32, #tpu.memory_space<vmem>> -> memref<1x50x32xf32, #tpu.memory_space<vmem>>
      %dma_wait3A_1179 = tpu.memref_squeeze %dma_wait3A_1178 : memref<1x50x32xf32, #tpu.memory_space<vmem>> -> memref<50x32xf32, #tpu.memory_space<vmem>>
      %dma_wait3A_1180 = arith.constant 0 : i32
      %dma_wait3A_1181 = tpu.memref_slice %arg5[%dma_wait3A_1174, %dma_wait3A_1180] : memref<64x50xi32, #tpu.memory_space<vmem>> -> memref<1x50xi32, #tpu.memory_space<vmem>>
      %dma_wait3A_1182 = tpu.memref_squeeze %dma_wait3A_1181 : memref<1x50xi32, #tpu.memory_space<vmem>> -> memref<50xi32, #tpu.memory_space<vmem>>
      %dma_wait3A_1183 = arith.constant 0 : i32
      %dma_wait3A_1184 = arith.constant 0 : i32
      %dma_wait3A_1185 = tpu.memref_slice %arg3[%dma_wait3A_1183, %dma_wait3A_1184] : memref<1000000x32xf32, #tpu.memory_space<hbm>> -> memref<1000000x32xf32, #tpu.memory_space<hbm>>
      tpu.wait_indirect_dma semaphore(%arg7 : memref<!tpu.dma_semaphore, #tpu.memory_space<semaphore_mem>>) src(%dma_wait3A_1185 : memref<1000000x32xf32, #tpu.memory_space<hbm>>) dst(%dma_wait3A_1179 : memref<50x32xf32, #tpu.memory_space<vmem>>)
      %dma_wait3A_1186 = arith.constant 34 : i32
      %dma_wait3A_1187 = arith.constant 34 : i32
      %dma_wait3A_1188 = arith.constant 0 : i32
      %dma_wait3A_1189 = arith.constant 0 : i32
      %dma_wait3A_1190 = tpu.memref_slice %arg6[%dma_wait3A_1187, %dma_wait3A_1188, %dma_wait3A_1189] : memref<64x50x32xf32, #tpu.memory_space<vmem>> -> memref<1x50x32xf32, #tpu.memory_space<vmem>>
      %dma_wait3A_1191 = tpu.memref_squeeze %dma_wait3A_1190 : memref<1x50x32xf32, #tpu.memory_space<vmem>> -> memref<50x32xf32, #tpu.memory_space<vmem>>
      %dma_wait3A_1192 = arith.constant 0 : i32
      %dma_wait3A_1193 = tpu.memref_slice %arg5[%dma_wait3A_1186, %dma_wait3A_1192] : memref<64x50xi32, #tpu.memory_space<vmem>> -> memref<1x50xi32, #tpu.memory_space<vmem>>
      %dma_wait3A_1194 = tpu.memref_squeeze %dma_wait3A_1193 : memref<1x50xi32, #tpu.memory_space<vmem>> -> memref<50xi32, #tpu.memory_space<vmem>>
      %dma_wait3A_1195 = arith.constant 0 : i32
      %dma_wait3A_1196 = arith.constant 0 : i32
      %dma_wait3A_1197 = tpu.memref_slice %arg3[%dma_wait3A_1195, %dma_wait3A_1196] : memref<1000000x32xf32, #tpu.memory_space<hbm>> -> memref<1000000x32xf32, #tpu.memory_space<hbm>>
      tpu.wait_indirect_dma semaphore(%arg7 : memref<!tpu.dma_semaphore, #tpu.memory_space<semaphore_mem>>) src(%dma_wait3A_1197 : memref<1000000x32xf32, #tpu.memory_space<hbm>>) dst(%dma_wait3A_1191 : memref<50x32xf32, #tpu.memory_space<vmem>>)
      %dma_wait3A_1198 = arith.constant 35 : i32
      %dma_wait3A_1199 = arith.constant 35 : i32
      %dma_wait3A_1200 = arith.constant 0 : i32
      %dma_wait3A_1201 = arith.constant 0 : i32
      %dma_wait3A_1202 = tpu.memref_slice %arg6[%dma_wait3A_1199, %dma_wait3A_1200, %dma_wait3A_1201] : memref<64x50x32xf32, #tpu.memory_space<vmem>> -> memref<1x50x32xf32, #tpu.memory_space<vmem>>
      %dma_wait3A_1203 = tpu.memref_squeeze %dma_wait3A_1202 : memref<1x50x32xf32, #tpu.memory_space<vmem>> -> memref<50x32xf32, #tpu.memory_space<vmem>>
      %dma_wait3A_1204 = arith.constant 0 : i32
      %dma_wait3A_1205 = tpu.memref_slice %arg5[%dma_wait3A_1198, %dma_wait3A_1204] : memref<64x50xi32, #tpu.memory_space<vmem>> -> memref<1x50xi32, #tpu.memory_space<vmem>>
      %dma_wait3A_1206 = tpu.memref_squeeze %dma_wait3A_1205 : memref<1x50xi32, #tpu.memory_space<vmem>> -> memref<50xi32, #tpu.memory_space<vmem>>
      %dma_wait3A_1207 = arith.constant 0 : i32
      %dma_wait3A_1208 = arith.constant 0 : i32
      %dma_wait3A_1209 = tpu.memref_slice %arg3[%dma_wait3A_1207, %dma_wait3A_1208] : memref<1000000x32xf32, #tpu.memory_space<hbm>> -> memref<1000000x32xf32, #tpu.memory_space<hbm>>
      tpu.wait_indirect_dma semaphore(%arg7 : memref<!tpu.dma_semaphore, #tpu.memory_space<semaphore_mem>>) src(%dma_wait3A_1209 : memref<1000000x32xf32, #tpu.memory_space<hbm>>) dst(%dma_wait3A_1203 : memref<50x32xf32, #tpu.memory_space<vmem>>)
      %dma_wait3A_1210 = arith.constant 36 : i32
      %dma_wait3A_1211 = arith.constant 36 : i32
      %dma_wait3A_1212 = arith.constant 0 : i32
      %dma_wait3A_1213 = arith.constant 0 : i32
      %dma_wait3A_1214 = tpu.memref_slice %arg6[%dma_wait3A_1211, %dma_wait3A_1212, %dma_wait3A_1213] : memref<64x50x32xf32, #tpu.memory_space<vmem>> -> memref<1x50x32xf32, #tpu.memory_space<vmem>>
      %dma_wait3A_1215 = tpu.memref_squeeze %dma_wait3A_1214 : memref<1x50x32xf32, #tpu.memory_space<vmem>> -> memref<50x32xf32, #tpu.memory_space<vmem>>
      %dma_wait3A_1216 = arith.constant 0 : i32
      %dma_wait3A_1217 = tpu.memref_slice %arg5[%dma_wait3A_1210, %dma_wait3A_1216] : memref<64x50xi32, #tpu.memory_space<vmem>> -> memref<1x50xi32, #tpu.memory_space<vmem>>
      %dma_wait3A_1218 = tpu.memref_squeeze %dma_wait3A_1217 : memref<1x50xi32, #tpu.memory_space<vmem>> -> memref<50xi32, #tpu.memory_space<vmem>>
      %dma_wait3A_1219 = arith.constant 0 : i32
      %dma_wait3A_1220 = arith.constant 0 : i32
      %dma_wait3A_1221 = tpu.memref_slice %arg3[%dma_wait3A_1219, %dma_wait3A_1220] : memref<1000000x32xf32, #tpu.memory_space<hbm>> -> memref<1000000x32xf32, #tpu.memory_space<hbm>>
      tpu.wait_indirect_dma semaphore(%arg7 : memref<!tpu.dma_semaphore, #tpu.memory_space<semaphore_mem>>) src(%dma_wait3A_1221 : memref<1000000x32xf32, #tpu.memory_space<hbm>>) dst(%dma_wait3A_1215 : memref<50x32xf32, #tpu.memory_space<vmem>>)
      %dma_wait3A_1222 = arith.constant 37 : i32
      %dma_wait3A_1223 = arith.constant 37 : i32
      %dma_wait3A_1224 = arith.constant 0 : i32
      %dma_wait3A_1225 = arith.constant 0 : i32
      %dma_wait3A_1226 = tpu.memref_slice %arg6[%dma_wait3A_1223, %dma_wait3A_1224, %dma_wait3A_1225] : memref<64x50x32xf32, #tpu.memory_space<vmem>> -> memref<1x50x32xf32, #tpu.memory_space<vmem>>
      %dma_wait3A_1227 = tpu.memref_squeeze %dma_wait3A_1226 : memref<1x50x32xf32, #tpu.memory_space<vmem>> -> memref<50x32xf32, #tpu.memory_space<vmem>>
      %dma_wait3A_1228 = arith.constant 0 : i32
      %dma_wait3A_1229 = tpu.memref_slice %arg5[%dma_wait3A_1222, %dma_wait3A_1228] : memref<64x50xi32, #tpu.memory_space<vmem>> -> memref<1x50xi32, #tpu.memory_space<vmem>>
      %dma_wait3A_1230 = tpu.memref_squeeze %dma_wait3A_1229 : memref<1x50xi32, #tpu.memory_space<vmem>> -> memref<50xi32, #tpu.memory_space<vmem>>
      %dma_wait3A_1231 = arith.constant 0 : i32
      %dma_wait3A_1232 = arith.constant 0 : i32
      %dma_wait3A_1233 = tpu.memref_slice %arg3[%dma_wait3A_1231, %dma_wait3A_1232] : memref<1000000x32xf32, #tpu.memory_space<hbm>> -> memref<1000000x32xf32, #tpu.memory_space<hbm>>
      tpu.wait_indirect_dma semaphore(%arg7 : memref<!tpu.dma_semaphore, #tpu.memory_space<semaphore_mem>>) src(%dma_wait3A_1233 : memref<1000000x32xf32, #tpu.memory_space<hbm>>) dst(%dma_wait3A_1227 : memref<50x32xf32, #tpu.memory_space<vmem>>)
      %dma_wait3A_1234 = arith.constant 38 : i32
      %dma_wait3A_1235 = arith.constant 38 : i32
      %dma_wait3A_1236 = arith.constant 0 : i32
      %dma_wait3A_1237 = arith.constant 0 : i32
      %dma_wait3A_1238 = tpu.memref_slice %arg6[%dma_wait3A_1235, %dma_wait3A_1236, %dma_wait3A_1237] : memref<64x50x32xf32, #tpu.memory_space<vmem>> -> memref<1x50x32xf32, #tpu.memory_space<vmem>>
      %dma_wait3A_1239 = tpu.memref_squeeze %dma_wait3A_1238 : memref<1x50x32xf32, #tpu.memory_space<vmem>> -> memref<50x32xf32, #tpu.memory_space<vmem>>
      %dma_wait3A_1240 = arith.constant 0 : i32
      %dma_wait3A_1241 = tpu.memref_slice %arg5[%dma_wait3A_1234, %dma_wait3A_1240] : memref<64x50xi32, #tpu.memory_space<vmem>> -> memref<1x50xi32, #tpu.memory_space<vmem>>
      %dma_wait3A_1242 = tpu.memref_squeeze %dma_wait3A_1241 : memref<1x50xi32, #tpu.memory_space<vmem>> -> memref<50xi32, #tpu.memory_space<vmem>>
      %dma_wait3A_1243 = arith.constant 0 : i32
      %dma_wait3A_1244 = arith.constant 0 : i32
      %dma_wait3A_1245 = tpu.memref_slice %arg3[%dma_wait3A_1243, %dma_wait3A_1244] : memref<1000000x32xf32, #tpu.memory_space<hbm>> -> memref<1000000x32xf32, #tpu.memory_space<hbm>>
      tpu.wait_indirect_dma semaphore(%arg7 : memref<!tpu.dma_semaphore, #tpu.memory_space<semaphore_mem>>) src(%dma_wait3A_1245 : memref<1000000x32xf32, #tpu.memory_space<hbm>>) dst(%dma_wait3A_1239 : memref<50x32xf32, #tpu.memory_space<vmem>>)
      %dma_wait3A_1246 = arith.constant 39 : i32
      %dma_wait3A_1247 = arith.constant 39 : i32
      %dma_wait3A_1248 = arith.constant 0 : i32
      %dma_wait3A_1249 = arith.constant 0 : i32
      %dma_wait3A_1250 = tpu.memref_slice %arg6[%dma_wait3A_1247, %dma_wait3A_1248, %dma_wait3A_1249] : memref<64x50x32xf32, #tpu.memory_space<vmem>> -> memref<1x50x32xf32, #tpu.memory_space<vmem>>
      %dma_wait3A_1251 = tpu.memref_squeeze %dma_wait3A_1250 : memref<1x50x32xf32, #tpu.memory_space<vmem>> -> memref<50x32xf32, #tpu.memory_space<vmem>>
      %dma_wait3A_1252 = arith.constant 0 : i32
      %dma_wait3A_1253 = tpu.memref_slice %arg5[%dma_wait3A_1246, %dma_wait3A_1252] : memref<64x50xi32, #tpu.memory_space<vmem>> -> memref<1x50xi32, #tpu.memory_space<vmem>>
      %dma_wait3A_1254 = tpu.memref_squeeze %dma_wait3A_1253 : memref<1x50xi32, #tpu.memory_space<vmem>> -> memref<50xi32, #tpu.memory_space<vmem>>
      %dma_wait3A_1255 = arith.constant 0 : i32
      %dma_wait3A_1256 = arith.constant 0 : i32
      %dma_wait3A_1257 = tpu.memref_slice %arg3[%dma_wait3A_1255, %dma_wait3A_1256] : memref<1000000x32xf32, #tpu.memory_space<hbm>> -> memref<1000000x32xf32, #tpu.memory_space<hbm>>
      tpu.wait_indirect_dma semaphore(%arg7 : memref<!tpu.dma_semaphore, #tpu.memory_space<semaphore_mem>>) src(%dma_wait3A_1257 : memref<1000000x32xf32, #tpu.memory_space<hbm>>) dst(%dma_wait3A_1251 : memref<50x32xf32, #tpu.memory_space<vmem>>)
      %dma_wait3A_1258 = arith.constant 40 : i32
      %dma_wait3A_1259 = arith.constant 40 : i32
      %dma_wait3A_1260 = arith.constant 0 : i32
      %dma_wait3A_1261 = arith.constant 0 : i32
      %dma_wait3A_1262 = tpu.memref_slice %arg6[%dma_wait3A_1259, %dma_wait3A_1260, %dma_wait3A_1261] : memref<64x50x32xf32, #tpu.memory_space<vmem>> -> memref<1x50x32xf32, #tpu.memory_space<vmem>>
      %dma_wait3A_1263 = tpu.memref_squeeze %dma_wait3A_1262 : memref<1x50x32xf32, #tpu.memory_space<vmem>> -> memref<50x32xf32, #tpu.memory_space<vmem>>
      %dma_wait3A_1264 = arith.constant 0 : i32
      %dma_wait3A_1265 = tpu.memref_slice %arg5[%dma_wait3A_1258, %dma_wait3A_1264] : memref<64x50xi32, #tpu.memory_space<vmem>> -> memref<1x50xi32, #tpu.memory_space<vmem>>
      %dma_wait3A_1266 = tpu.memref_squeeze %dma_wait3A_1265 : memref<1x50xi32, #tpu.memory_space<vmem>> -> memref<50xi32, #tpu.memory_space<vmem>>
      %dma_wait3A_1267 = arith.constant 0 : i32
      %dma_wait3A_1268 = arith.constant 0 : i32
      %dma_wait3A_1269 = tpu.memref_slice %arg3[%dma_wait3A_1267, %dma_wait3A_1268] : memref<1000000x32xf32, #tpu.memory_space<hbm>> -> memref<1000000x32xf32, #tpu.memory_space<hbm>>
      tpu.wait_indirect_dma semaphore(%arg7 : memref<!tpu.dma_semaphore, #tpu.memory_space<semaphore_mem>>) src(%dma_wait3A_1269 : memref<1000000x32xf32, #tpu.memory_space<hbm>>) dst(%dma_wait3A_1263 : memref<50x32xf32, #tpu.memory_space<vmem>>)
      %dma_wait3A_1270 = arith.constant 41 : i32
      %dma_wait3A_1271 = arith.constant 41 : i32
      %dma_wait3A_1272 = arith.constant 0 : i32
      %dma_wait3A_1273 = arith.constant 0 : i32
      %dma_wait3A_1274 = tpu.memref_slice %arg6[%dma_wait3A_1271, %dma_wait3A_1272, %dma_wait3A_1273] : memref<64x50x32xf32, #tpu.memory_space<vmem>> -> memref<1x50x32xf32, #tpu.memory_space<vmem>>
      %dma_wait3A_1275 = tpu.memref_squeeze %dma_wait3A_1274 : memref<1x50x32xf32, #tpu.memory_space<vmem>> -> memref<50x32xf32, #tpu.memory_space<vmem>>
      %dma_wait3A_1276 = arith.constant 0 : i32
      %dma_wait3A_1277 = tpu.memref_slice %arg5[%dma_wait3A_1270, %dma_wait3A_1276] : memref<64x50xi32, #tpu.memory_space<vmem>> -> memref<1x50xi32, #tpu.memory_space<vmem>>
      %dma_wait3A_1278 = tpu.memref_squeeze %dma_wait3A_1277 : memref<1x50xi32, #tpu.memory_space<vmem>> -> memref<50xi32, #tpu.memory_space<vmem>>
      %dma_wait3A_1279 = arith.constant 0 : i32
      %dma_wait3A_1280 = arith.constant 0 : i32
      %dma_wait3A_1281 = tpu.memref_slice %arg3[%dma_wait3A_1279, %dma_wait3A_1280] : memref<1000000x32xf32, #tpu.memory_space<hbm>> -> memref<1000000x32xf32, #tpu.memory_space<hbm>>
      tpu.wait_indirect_dma semaphore(%arg7 : memref<!tpu.dma_semaphore, #tpu.memory_space<semaphore_mem>>) src(%dma_wait3A_1281 : memref<1000000x32xf32, #tpu.memory_space<hbm>>) dst(%dma_wait3A_1275 : memref<50x32xf32, #tpu.memory_space<vmem>>)
      %dma_wait3A_1282 = arith.constant 42 : i32
      %dma_wait3A_1283 = arith.constant 42 : i32
      %dma_wait3A_1284 = arith.constant 0 : i32
      %dma_wait3A_1285 = arith.constant 0 : i32
      %dma_wait3A_1286 = tpu.memref_slice %arg6[%dma_wait3A_1283, %dma_wait3A_1284, %dma_wait3A_1285] : memref<64x50x32xf32, #tpu.memory_space<vmem>> -> memref<1x50x32xf32, #tpu.memory_space<vmem>>
      %dma_wait3A_1287 = tpu.memref_squeeze %dma_wait3A_1286 : memref<1x50x32xf32, #tpu.memory_space<vmem>> -> memref<50x32xf32, #tpu.memory_space<vmem>>
      %dma_wait3A_1288 = arith.constant 0 : i32
      %dma_wait3A_1289 = tpu.memref_slice %arg5[%dma_wait3A_1282, %dma_wait3A_1288] : memref<64x50xi32, #tpu.memory_space<vmem>> -> memref<1x50xi32, #tpu.memory_space<vmem>>
      %dma_wait3A_1290 = tpu.memref_squeeze %dma_wait3A_1289 : memref<1x50xi32, #tpu.memory_space<vmem>> -> memref<50xi32, #tpu.memory_space<vmem>>
      %dma_wait3A_1291 = arith.constant 0 : i32
      %dma_wait3A_1292 = arith.constant 0 : i32
      %dma_wait3A_1293 = tpu.memref_slice %arg3[%dma_wait3A_1291, %dma_wait3A_1292] : memref<1000000x32xf32, #tpu.memory_space<hbm>> -> memref<1000000x32xf32, #tpu.memory_space<hbm>>
      tpu.wait_indirect_dma semaphore(%arg7 : memref<!tpu.dma_semaphore, #tpu.memory_space<semaphore_mem>>) src(%dma_wait3A_1293 : memref<1000000x32xf32, #tpu.memory_space<hbm>>) dst(%dma_wait3A_1287 : memref<50x32xf32, #tpu.memory_space<vmem>>)
      %dma_wait3A_1294 = arith.constant 43 : i32
      %dma_wait3A_1295 = arith.constant 43 : i32
      %dma_wait3A_1296 = arith.constant 0 : i32
      %dma_wait3A_1297 = arith.constant 0 : i32
      %dma_wait3A_1298 = tpu.memref_slice %arg6[%dma_wait3A_1295, %dma_wait3A_1296, %dma_wait3A_1297] : memref<64x50x32xf32, #tpu.memory_space<vmem>> -> memref<1x50x32xf32, #tpu.memory_space<vmem>>
      %dma_wait3A_1299 = tpu.memref_squeeze %dma_wait3A_1298 : memref<1x50x32xf32, #tpu.memory_space<vmem>> -> memref<50x32xf32, #tpu.memory_space<vmem>>
      %dma_wait3A_1300 = arith.constant 0 : i32
      %dma_wait3A_1301 = tpu.memref_slice %arg5[%dma_wait3A_1294, %dma_wait3A_1300] : memref<64x50xi32, #tpu.memory_space<vmem>> -> memref<1x50xi32, #tpu.memory_space<vmem>>
      %dma_wait3A_1302 = tpu.memref_squeeze %dma_wait3A_1301 : memref<1x50xi32, #tpu.memory_space<vmem>> -> memref<50xi32, #tpu.memory_space<vmem>>
      %dma_wait3A_1303 = arith.constant 0 : i32
      %dma_wait3A_1304 = arith.constant 0 : i32
      %dma_wait3A_1305 = tpu.memref_slice %arg3[%dma_wait3A_1303, %dma_wait3A_1304] : memref<1000000x32xf32, #tpu.memory_space<hbm>> -> memref<1000000x32xf32, #tpu.memory_space<hbm>>
      tpu.wait_indirect_dma semaphore(%arg7 : memref<!tpu.dma_semaphore, #tpu.memory_space<semaphore_mem>>) src(%dma_wait3A_1305 : memref<1000000x32xf32, #tpu.memory_space<hbm>>) dst(%dma_wait3A_1299 : memref<50x32xf32, #tpu.memory_space<vmem>>)
      %dma_wait3A_1306 = arith.constant 44 : i32
      %dma_wait3A_1307 = arith.constant 44 : i32
      %dma_wait3A_1308 = arith.constant 0 : i32
      %dma_wait3A_1309 = arith.constant 0 : i32
      %dma_wait3A_1310 = tpu.memref_slice %arg6[%dma_wait3A_1307, %dma_wait3A_1308, %dma_wait3A_1309] : memref<64x50x32xf32, #tpu.memory_space<vmem>> -> memref<1x50x32xf32, #tpu.memory_space<vmem>>
      %dma_wait3A_1311 = tpu.memref_squeeze %dma_wait3A_1310 : memref<1x50x32xf32, #tpu.memory_space<vmem>> -> memref<50x32xf32, #tpu.memory_space<vmem>>
      %dma_wait3A_1312 = arith.constant 0 : i32
      %dma_wait3A_1313 = tpu.memref_slice %arg5[%dma_wait3A_1306, %dma_wait3A_1312] : memref<64x50xi32, #tpu.memory_space<vmem>> -> memref<1x50xi32, #tpu.memory_space<vmem>>
      %dma_wait3A_1314 = tpu.memref_squeeze %dma_wait3A_1313 : memref<1x50xi32, #tpu.memory_space<vmem>> -> memref<50xi32, #tpu.memory_space<vmem>>
      %dma_wait3A_1315 = arith.constant 0 : i32
      %dma_wait3A_1316 = arith.constant 0 : i32
      %dma_wait3A_1317 = tpu.memref_slice %arg3[%dma_wait3A_1315, %dma_wait3A_1316] : memref<1000000x32xf32, #tpu.memory_space<hbm>> -> memref<1000000x32xf32, #tpu.memory_space<hbm>>
      tpu.wait_indirect_dma semaphore(%arg7 : memref<!tpu.dma_semaphore, #tpu.memory_space<semaphore_mem>>) src(%dma_wait3A_1317 : memref<1000000x32xf32, #tpu.memory_space<hbm>>) dst(%dma_wait3A_1311 : memref<50x32xf32, #tpu.memory_space<vmem>>)
      %dma_wait3A_1318 = arith.constant 45 : i32
      %dma_wait3A_1319 = arith.constant 45 : i32
      %dma_wait3A_1320 = arith.constant 0 : i32
      %dma_wait3A_1321 = arith.constant 0 : i32
      %dma_wait3A_1322 = tpu.memref_slice %arg6[%dma_wait3A_1319, %dma_wait3A_1320, %dma_wait3A_1321] : memref<64x50x32xf32, #tpu.memory_space<vmem>> -> memref<1x50x32xf32, #tpu.memory_space<vmem>>
      %dma_wait3A_1323 = tpu.memref_squeeze %dma_wait3A_1322 : memref<1x50x32xf32, #tpu.memory_space<vmem>> -> memref<50x32xf32, #tpu.memory_space<vmem>>
      %dma_wait3A_1324 = arith.constant 0 : i32
      %dma_wait3A_1325 = tpu.memref_slice %arg5[%dma_wait3A_1318, %dma_wait3A_1324] : memref<64x50xi32, #tpu.memory_space<vmem>> -> memref<1x50xi32, #tpu.memory_space<vmem>>
      %dma_wait3A_1326 = tpu.memref_squeeze %dma_wait3A_1325 : memref<1x50xi32, #tpu.memory_space<vmem>> -> memref<50xi32, #tpu.memory_space<vmem>>
      %dma_wait3A_1327 = arith.constant 0 : i32
      %dma_wait3A_1328 = arith.constant 0 : i32
      %dma_wait3A_1329 = tpu.memref_slice %arg3[%dma_wait3A_1327, %dma_wait3A_1328] : memref<1000000x32xf32, #tpu.memory_space<hbm>> -> memref<1000000x32xf32, #tpu.memory_space<hbm>>
      tpu.wait_indirect_dma semaphore(%arg7 : memref<!tpu.dma_semaphore, #tpu.memory_space<semaphore_mem>>) src(%dma_wait3A_1329 : memref<1000000x32xf32, #tpu.memory_space<hbm>>) dst(%dma_wait3A_1323 : memref<50x32xf32, #tpu.memory_space<vmem>>)
      %dma_wait3A_1330 = arith.constant 46 : i32
      %dma_wait3A_1331 = arith.constant 46 : i32
      %dma_wait3A_1332 = arith.constant 0 : i32
      %dma_wait3A_1333 = arith.constant 0 : i32
      %dma_wait3A_1334 = tpu.memref_slice %arg6[%dma_wait3A_1331, %dma_wait3A_1332, %dma_wait3A_1333] : memref<64x50x32xf32, #tpu.memory_space<vmem>> -> memref<1x50x32xf32, #tpu.memory_space<vmem>>
      %dma_wait3A_1335 = tpu.memref_squeeze %dma_wait3A_1334 : memref<1x50x32xf32, #tpu.memory_space<vmem>> -> memref<50x32xf32, #tpu.memory_space<vmem>>
      %dma_wait3A_1336 = arith.constant 0 : i32
      %dma_wait3A_1337 = tpu.memref_slice %arg5[%dma_wait3A_1330, %dma_wait3A_1336] : memref<64x50xi32, #tpu.memory_space<vmem>> -> memref<1x50xi32, #tpu.memory_space<vmem>>
      %dma_wait3A_1338 = tpu.memref_squeeze %dma_wait3A_1337 : memref<1x50xi32, #tpu.memory_space<vmem>> -> memref<50xi32, #tpu.memory_space<vmem>>
      %dma_wait3A_1339 = arith.constant 0 : i32
      %dma_wait3A_1340 = arith.constant 0 : i32
      %dma_wait3A_1341 = tpu.memref_slice %arg3[%dma_wait3A_1339, %dma_wait3A_1340] : memref<1000000x32xf32, #tpu.memory_space<hbm>> -> memref<1000000x32xf32, #tpu.memory_space<hbm>>
      tpu.wait_indirect_dma semaphore(%arg7 : memref<!tpu.dma_semaphore, #tpu.memory_space<semaphore_mem>>) src(%dma_wait3A_1341 : memref<1000000x32xf32, #tpu.memory_space<hbm>>) dst(%dma_wait3A_1335 : memref<50x32xf32, #tpu.memory_space<vmem>>)
      %dma_wait3A_1342 = arith.constant 47 : i32
      %dma_wait3A_1343 = arith.constant 47 : i32
      %dma_wait3A_1344 = arith.constant 0 : i32
      %dma_wait3A_1345 = arith.constant 0 : i32
      %dma_wait3A_1346 = tpu.memref_slice %arg6[%dma_wait3A_1343, %dma_wait3A_1344, %dma_wait3A_1345] : memref<64x50x32xf32, #tpu.memory_space<vmem>> -> memref<1x50x32xf32, #tpu.memory_space<vmem>>
      %dma_wait3A_1347 = tpu.memref_squeeze %dma_wait3A_1346 : memref<1x50x32xf32, #tpu.memory_space<vmem>> -> memref<50x32xf32, #tpu.memory_space<vmem>>
      %dma_wait3A_1348 = arith.constant 0 : i32
      %dma_wait3A_1349 = tpu.memref_slice %arg5[%dma_wait3A_1342, %dma_wait3A_1348] : memref<64x50xi32, #tpu.memory_space<vmem>> -> memref<1x50xi32, #tpu.memory_space<vmem>>
      %dma_wait3A_1350 = tpu.memref_squeeze %dma_wait3A_1349 : memref<1x50xi32, #tpu.memory_space<vmem>> -> memref<50xi32, #tpu.memory_space<vmem>>
      %dma_wait3A_1351 = arith.constant 0 : i32
      %dma_wait3A_1352 = arith.constant 0 : i32
      %dma_wait3A_1353 = tpu.memref_slice %arg3[%dma_wait3A_1351, %dma_wait3A_1352] : memref<1000000x32xf32, #tpu.memory_space<hbm>> -> memref<1000000x32xf32, #tpu.memory_space<hbm>>
      tpu.wait_indirect_dma semaphore(%arg7 : memref<!tpu.dma_semaphore, #tpu.memory_space<semaphore_mem>>) src(%dma_wait3A_1353 : memref<1000000x32xf32, #tpu.memory_space<hbm>>) dst(%dma_wait3A_1347 : memref<50x32xf32, #tpu.memory_space<vmem>>)
      %dma_wait3A_1354 = arith.constant 48 : i32
      %dma_wait3A_1355 = arith.constant 48 : i32
      %dma_wait3A_1356 = arith.constant 0 : i32
      %dma_wait3A_1357 = arith.constant 0 : i32
      %dma_wait3A_1358 = tpu.memref_slice %arg6[%dma_wait3A_1355, %dma_wait3A_1356, %dma_wait3A_1357] : memref<64x50x32xf32, #tpu.memory_space<vmem>> -> memref<1x50x32xf32, #tpu.memory_space<vmem>>
      %dma_wait3A_1359 = tpu.memref_squeeze %dma_wait3A_1358 : memref<1x50x32xf32, #tpu.memory_space<vmem>> -> memref<50x32xf32, #tpu.memory_space<vmem>>
      %dma_wait3A_1360 = arith.constant 0 : i32
      %dma_wait3A_1361 = tpu.memref_slice %arg5[%dma_wait3A_1354, %dma_wait3A_1360] : memref<64x50xi32, #tpu.memory_space<vmem>> -> memref<1x50xi32, #tpu.memory_space<vmem>>
      %dma_wait3A_1362 = tpu.memref_squeeze %dma_wait3A_1361 : memref<1x50xi32, #tpu.memory_space<vmem>> -> memref<50xi32, #tpu.memory_space<vmem>>
      %dma_wait3A_1363 = arith.constant 0 : i32
      %dma_wait3A_1364 = arith.constant 0 : i32
      %dma_wait3A_1365 = tpu.memref_slice %arg3[%dma_wait3A_1363, %dma_wait3A_1364] : memref<1000000x32xf32, #tpu.memory_space<hbm>> -> memref<1000000x32xf32, #tpu.memory_space<hbm>>
      tpu.wait_indirect_dma semaphore(%arg7 : memref<!tpu.dma_semaphore, #tpu.memory_space<semaphore_mem>>) src(%dma_wait3A_1365 : memref<1000000x32xf32, #tpu.memory_space<hbm>>) dst(%dma_wait3A_1359 : memref<50x32xf32, #tpu.memory_space<vmem>>)
      %dma_wait3A_1366 = arith.constant 49 : i32
      %dma_wait3A_1367 = arith.constant 49 : i32
      %dma_wait3A_1368 = arith.constant 0 : i32
      %dma_wait3A_1369 = arith.constant 0 : i32
      %dma_wait3A_1370 = tpu.memref_slice %arg6[%dma_wait3A_1367, %dma_wait3A_1368, %dma_wait3A_1369] : memref<64x50x32xf32, #tpu.memory_space<vmem>> -> memref<1x50x32xf32, #tpu.memory_space<vmem>>
      %dma_wait3A_1371 = tpu.memref_squeeze %dma_wait3A_1370 : memref<1x50x32xf32, #tpu.memory_space<vmem>> -> memref<50x32xf32, #tpu.memory_space<vmem>>
      %dma_wait3A_1372 = arith.constant 0 : i32
      %dma_wait3A_1373 = tpu.memref_slice %arg5[%dma_wait3A_1366, %dma_wait3A_1372] : memref<64x50xi32, #tpu.memory_space<vmem>> -> memref<1x50xi32, #tpu.memory_space<vmem>>
      %dma_wait3A_1374 = tpu.memref_squeeze %dma_wait3A_1373 : memref<1x50xi32, #tpu.memory_space<vmem>> -> memref<50xi32, #tpu.memory_space<vmem>>
      %dma_wait3A_1375 = arith.constant 0 : i32
      %dma_wait3A_1376 = arith.constant 0 : i32
      %dma_wait3A_1377 = tpu.memref_slice %arg3[%dma_wait3A_1375, %dma_wait3A_1376] : memref<1000000x32xf32, #tpu.memory_space<hbm>> -> memref<1000000x32xf32, #tpu.memory_space<hbm>>
      tpu.wait_indirect_dma semaphore(%arg7 : memref<!tpu.dma_semaphore, #tpu.memory_space<semaphore_mem>>) src(%dma_wait3A_1377 : memref<1000000x32xf32, #tpu.memory_space<hbm>>) dst(%dma_wait3A_1371 : memref<50x32xf32, #tpu.memory_space<vmem>>)
      %dma_wait3A_1378 = arith.constant 50 : i32
      %dma_wait3A_1379 = arith.constant 50 : i32
      %dma_wait3A_1380 = arith.constant 0 : i32
      %dma_wait3A_1381 = arith.constant 0 : i32
      %dma_wait3A_1382 = tpu.memref_slice %arg6[%dma_wait3A_1379, %dma_wait3A_1380, %dma_wait3A_1381] : memref<64x50x32xf32, #tpu.memory_space<vmem>> -> memref<1x50x32xf32, #tpu.memory_space<vmem>>
      %dma_wait3A_1383 = tpu.memref_squeeze %dma_wait3A_1382 : memref<1x50x32xf32, #tpu.memory_space<vmem>> -> memref<50x32xf32, #tpu.memory_space<vmem>>
      %dma_wait3A_1384 = arith.constant 0 : i32
      %dma_wait3A_1385 = tpu.memref_slice %arg5[%dma_wait3A_1378, %dma_wait3A_1384] : memref<64x50xi32, #tpu.memory_space<vmem>> -> memref<1x50xi32, #tpu.memory_space<vmem>>
      %dma_wait3A_1386 = tpu.memref_squeeze %dma_wait3A_1385 : memref<1x50xi32, #tpu.memory_space<vmem>> -> memref<50xi32, #tpu.memory_space<vmem>>
      %dma_wait3A_1387 = arith.constant 0 : i32
      %dma_wait3A_1388 = arith.constant 0 : i32
      %dma_wait3A_1389 = tpu.memref_slice %arg3[%dma_wait3A_1387, %dma_wait3A_1388] : memref<1000000x32xf32, #tpu.memory_space<hbm>> -> memref<1000000x32xf32, #tpu.memory_space<hbm>>
      tpu.wait_indirect_dma semaphore(%arg7 : memref<!tpu.dma_semaphore, #tpu.memory_space<semaphore_mem>>) src(%dma_wait3A_1389 : memref<1000000x32xf32, #tpu.memory_space<hbm>>) dst(%dma_wait3A_1383 : memref<50x32xf32, #tpu.memory_space<vmem>>)
      %dma_wait3A_1390 = arith.constant 51 : i32
      %dma_wait3A_1391 = arith.constant 51 : i32
      %dma_wait3A_1392 = arith.constant 0 : i32
      %dma_wait3A_1393 = arith.constant 0 : i32
      %dma_wait3A_1394 = tpu.memref_slice %arg6[%dma_wait3A_1391, %dma_wait3A_1392, %dma_wait3A_1393] : memref<64x50x32xf32, #tpu.memory_space<vmem>> -> memref<1x50x32xf32, #tpu.memory_space<vmem>>
      %dma_wait3A_1395 = tpu.memref_squeeze %dma_wait3A_1394 : memref<1x50x32xf32, #tpu.memory_space<vmem>> -> memref<50x32xf32, #tpu.memory_space<vmem>>
      %dma_wait3A_1396 = arith.constant 0 : i32
      %dma_wait3A_1397 = tpu.memref_slice %arg5[%dma_wait3A_1390, %dma_wait3A_1396] : memref<64x50xi32, #tpu.memory_space<vmem>> -> memref<1x50xi32, #tpu.memory_space<vmem>>
      %dma_wait3A_1398 = tpu.memref_squeeze %dma_wait3A_1397 : memref<1x50xi32, #tpu.memory_space<vmem>> -> memref<50xi32, #tpu.memory_space<vmem>>
      %dma_wait3A_1399 = arith.constant 0 : i32
      %dma_wait3A_1400 = arith.constant 0 : i32
      %dma_wait3A_1401 = tpu.memref_slice %arg3[%dma_wait3A_1399, %dma_wait3A_1400] : memref<1000000x32xf32, #tpu.memory_space<hbm>> -> memref<1000000x32xf32, #tpu.memory_space<hbm>>
      tpu.wait_indirect_dma semaphore(%arg7 : memref<!tpu.dma_semaphore, #tpu.memory_space<semaphore_mem>>) src(%dma_wait3A_1401 : memref<1000000x32xf32, #tpu.memory_space<hbm>>) dst(%dma_wait3A_1395 : memref<50x32xf32, #tpu.memory_space<vmem>>)
      %dma_wait3A_1402 = arith.constant 52 : i32
      %dma_wait3A_1403 = arith.constant 52 : i32
      %dma_wait3A_1404 = arith.constant 0 : i32
      %dma_wait3A_1405 = arith.constant 0 : i32
      %dma_wait3A_1406 = tpu.memref_slice %arg6[%dma_wait3A_1403, %dma_wait3A_1404, %dma_wait3A_1405] : memref<64x50x32xf32, #tpu.memory_space<vmem>> -> memref<1x50x32xf32, #tpu.memory_space<vmem>>
      %dma_wait3A_1407 = tpu.memref_squeeze %dma_wait3A_1406 : memref<1x50x32xf32, #tpu.memory_space<vmem>> -> memref<50x32xf32, #tpu.memory_space<vmem>>
      %dma_wait3A_1408 = arith.constant 0 : i32
      %dma_wait3A_1409 = tpu.memref_slice %arg5[%dma_wait3A_1402, %dma_wait3A_1408] : memref<64x50xi32, #tpu.memory_space<vmem>> -> memref<1x50xi32, #tpu.memory_space<vmem>>
      %dma_wait3A_1410 = tpu.memref_squeeze %dma_wait3A_1409 : memref<1x50xi32, #tpu.memory_space<vmem>> -> memref<50xi32, #tpu.memory_space<vmem>>
      %dma_wait3A_1411 = arith.constant 0 : i32
      %dma_wait3A_1412 = arith.constant 0 : i32
      %dma_wait3A_1413 = tpu.memref_slice %arg3[%dma_wait3A_1411, %dma_wait3A_1412] : memref<1000000x32xf32, #tpu.memory_space<hbm>> -> memref<1000000x32xf32, #tpu.memory_space<hbm>>
      tpu.wait_indirect_dma semaphore(%arg7 : memref<!tpu.dma_semaphore, #tpu.memory_space<semaphore_mem>>) src(%dma_wait3A_1413 : memref<1000000x32xf32, #tpu.memory_space<hbm>>) dst(%dma_wait3A_1407 : memref<50x32xf32, #tpu.memory_space<vmem>>)
      %dma_wait3A_1414 = arith.constant 53 : i32
      %dma_wait3A_1415 = arith.constant 53 : i32
      %dma_wait3A_1416 = arith.constant 0 : i32
      %dma_wait3A_1417 = arith.constant 0 : i32
      %dma_wait3A_1418 = tpu.memref_slice %arg6[%dma_wait3A_1415, %dma_wait3A_1416, %dma_wait3A_1417] : memref<64x50x32xf32, #tpu.memory_space<vmem>> -> memref<1x50x32xf32, #tpu.memory_space<vmem>>
      %dma_wait3A_1419 = tpu.memref_squeeze %dma_wait3A_1418 : memref<1x50x32xf32, #tpu.memory_space<vmem>> -> memref<50x32xf32, #tpu.memory_space<vmem>>
      %dma_wait3A_1420 = arith.constant 0 : i32
      %dma_wait3A_1421 = tpu.memref_slice %arg5[%dma_wait3A_1414, %dma_wait3A_1420] : memref<64x50xi32, #tpu.memory_space<vmem>> -> memref<1x50xi32, #tpu.memory_space<vmem>>
      %dma_wait3A_1422 = tpu.memref_squeeze %dma_wait3A_1421 : memref<1x50xi32, #tpu.memory_space<vmem>> -> memref<50xi32, #tpu.memory_space<vmem>>
      %dma_wait3A_1423 = arith.constant 0 : i32
      %dma_wait3A_1424 = arith.constant 0 : i32
      %dma_wait3A_1425 = tpu.memref_slice %arg3[%dma_wait3A_1423, %dma_wait3A_1424] : memref<1000000x32xf32, #tpu.memory_space<hbm>> -> memref<1000000x32xf32, #tpu.memory_space<hbm>>
      tpu.wait_indirect_dma semaphore(%arg7 : memref<!tpu.dma_semaphore, #tpu.memory_space<semaphore_mem>>) src(%dma_wait3A_1425 : memref<1000000x32xf32, #tpu.memory_space<hbm>>) dst(%dma_wait3A_1419 : memref<50x32xf32, #tpu.memory_space<vmem>>)
      %dma_wait3A_1426 = arith.constant 54 : i32
      %dma_wait3A_1427 = arith.constant 54 : i32
      %dma_wait3A_1428 = arith.constant 0 : i32
      %dma_wait3A_1429 = arith.constant 0 : i32
      %dma_wait3A_1430 = tpu.memref_slice %arg6[%dma_wait3A_1427, %dma_wait3A_1428, %dma_wait3A_1429] : memref<64x50x32xf32, #tpu.memory_space<vmem>> -> memref<1x50x32xf32, #tpu.memory_space<vmem>>
      %dma_wait3A_1431 = tpu.memref_squeeze %dma_wait3A_1430 : memref<1x50x32xf32, #tpu.memory_space<vmem>> -> memref<50x32xf32, #tpu.memory_space<vmem>>
      %dma_wait3A_1432 = arith.constant 0 : i32
      %dma_wait3A_1433 = tpu.memref_slice %arg5[%dma_wait3A_1426, %dma_wait3A_1432] : memref<64x50xi32, #tpu.memory_space<vmem>> -> memref<1x50xi32, #tpu.memory_space<vmem>>
      %dma_wait3A_1434 = tpu.memref_squeeze %dma_wait3A_1433 : memref<1x50xi32, #tpu.memory_space<vmem>> -> memref<50xi32, #tpu.memory_space<vmem>>
      %dma_wait3A_1435 = arith.constant 0 : i32
      %dma_wait3A_1436 = arith.constant 0 : i32
      %dma_wait3A_1437 = tpu.memref_slice %arg3[%dma_wait3A_1435, %dma_wait3A_1436] : memref<1000000x32xf32, #tpu.memory_space<hbm>> -> memref<1000000x32xf32, #tpu.memory_space<hbm>>
      tpu.wait_indirect_dma semaphore(%arg7 : memref<!tpu.dma_semaphore, #tpu.memory_space<semaphore_mem>>) src(%dma_wait3A_1437 : memref<1000000x32xf32, #tpu.memory_space<hbm>>) dst(%dma_wait3A_1431 : memref<50x32xf32, #tpu.memory_space<vmem>>)
      %dma_wait3A_1438 = arith.constant 55 : i32
      %dma_wait3A_1439 = arith.constant 55 : i32
      %dma_wait3A_1440 = arith.constant 0 : i32
      %dma_wait3A_1441 = arith.constant 0 : i32
      %dma_wait3A_1442 = tpu.memref_slice %arg6[%dma_wait3A_1439, %dma_wait3A_1440, %dma_wait3A_1441] : memref<64x50x32xf32, #tpu.memory_space<vmem>> -> memref<1x50x32xf32, #tpu.memory_space<vmem>>
      %dma_wait3A_1443 = tpu.memref_squeeze %dma_wait3A_1442 : memref<1x50x32xf32, #tpu.memory_space<vmem>> -> memref<50x32xf32, #tpu.memory_space<vmem>>
      %dma_wait3A_1444 = arith.constant 0 : i32
      %dma_wait3A_1445 = tpu.memref_slice %arg5[%dma_wait3A_1438, %dma_wait3A_1444] : memref<64x50xi32, #tpu.memory_space<vmem>> -> memref<1x50xi32, #tpu.memory_space<vmem>>
      %dma_wait3A_1446 = tpu.memref_squeeze %dma_wait3A_1445 : memref<1x50xi32, #tpu.memory_space<vmem>> -> memref<50xi32, #tpu.memory_space<vmem>>
      %dma_wait3A_1447 = arith.constant 0 : i32
      %dma_wait3A_1448 = arith.constant 0 : i32
      %dma_wait3A_1449 = tpu.memref_slice %arg3[%dma_wait3A_1447, %dma_wait3A_1448] : memref<1000000x32xf32, #tpu.memory_space<hbm>> -> memref<1000000x32xf32, #tpu.memory_space<hbm>>
      tpu.wait_indirect_dma semaphore(%arg7 : memref<!tpu.dma_semaphore, #tpu.memory_space<semaphore_mem>>) src(%dma_wait3A_1449 : memref<1000000x32xf32, #tpu.memory_space<hbm>>) dst(%dma_wait3A_1443 : memref<50x32xf32, #tpu.memory_space<vmem>>)
      %dma_wait3A_1450 = arith.constant 56 : i32
      %dma_wait3A_1451 = arith.constant 56 : i32
      %dma_wait3A_1452 = arith.constant 0 : i32
      %dma_wait3A_1453 = arith.constant 0 : i32
      %dma_wait3A_1454 = tpu.memref_slice %arg6[%dma_wait3A_1451, %dma_wait3A_1452, %dma_wait3A_1453] : memref<64x50x32xf32, #tpu.memory_space<vmem>> -> memref<1x50x32xf32, #tpu.memory_space<vmem>>
      %dma_wait3A_1455 = tpu.memref_squeeze %dma_wait3A_1454 : memref<1x50x32xf32, #tpu.memory_space<vmem>> -> memref<50x32xf32, #tpu.memory_space<vmem>>
      %dma_wait3A_1456 = arith.constant 0 : i32
      %dma_wait3A_1457 = tpu.memref_slice %arg5[%dma_wait3A_1450, %dma_wait3A_1456] : memref<64x50xi32, #tpu.memory_space<vmem>> -> memref<1x50xi32, #tpu.memory_space<vmem>>
      %dma_wait3A_1458 = tpu.memref_squeeze %dma_wait3A_1457 : memref<1x50xi32, #tpu.memory_space<vmem>> -> memref<50xi32, #tpu.memory_space<vmem>>
      %dma_wait3A_1459 = arith.constant 0 : i32
      %dma_wait3A_1460 = arith.constant 0 : i32
      %dma_wait3A_1461 = tpu.memref_slice %arg3[%dma_wait3A_1459, %dma_wait3A_1460] : memref<1000000x32xf32, #tpu.memory_space<hbm>> -> memref<1000000x32xf32, #tpu.memory_space<hbm>>
      tpu.wait_indirect_dma semaphore(%arg7 : memref<!tpu.dma_semaphore, #tpu.memory_space<semaphore_mem>>) src(%dma_wait3A_1461 : memref<1000000x32xf32, #tpu.memory_space<hbm>>) dst(%dma_wait3A_1455 : memref<50x32xf32, #tpu.memory_space<vmem>>)
      %dma_wait3A_1462 = arith.constant 57 : i32
      %dma_wait3A_1463 = arith.constant 57 : i32
      %dma_wait3A_1464 = arith.constant 0 : i32
      %dma_wait3A_1465 = arith.constant 0 : i32
      %dma_wait3A_1466 = tpu.memref_slice %arg6[%dma_wait3A_1463, %dma_wait3A_1464, %dma_wait3A_1465] : memref<64x50x32xf32, #tpu.memory_space<vmem>> -> memref<1x50x32xf32, #tpu.memory_space<vmem>>
      %dma_wait3A_1467 = tpu.memref_squeeze %dma_wait3A_1466 : memref<1x50x32xf32, #tpu.memory_space<vmem>> -> memref<50x32xf32, #tpu.memory_space<vmem>>
      %dma_wait3A_1468 = arith.constant 0 : i32
      %dma_wait3A_1469 = tpu.memref_slice %arg5[%dma_wait3A_1462, %dma_wait3A_1468] : memref<64x50xi32, #tpu.memory_space<vmem>> -> memref<1x50xi32, #tpu.memory_space<vmem>>
      %dma_wait3A_1470 = tpu.memref_squeeze %dma_wait3A_1469 : memref<1x50xi32, #tpu.memory_space<vmem>> -> memref<50xi32, #tpu.memory_space<vmem>>
      %dma_wait3A_1471 = arith.constant 0 : i32
      %dma_wait3A_1472 = arith.constant 0 : i32
      %dma_wait3A_1473 = tpu.memref_slice %arg3[%dma_wait3A_1471, %dma_wait3A_1472] : memref<1000000x32xf32, #tpu.memory_space<hbm>> -> memref<1000000x32xf32, #tpu.memory_space<hbm>>
      tpu.wait_indirect_dma semaphore(%arg7 : memref<!tpu.dma_semaphore, #tpu.memory_space<semaphore_mem>>) src(%dma_wait3A_1473 : memref<1000000x32xf32, #tpu.memory_space<hbm>>) dst(%dma_wait3A_1467 : memref<50x32xf32, #tpu.memory_space<vmem>>)
      %dma_wait3A_1474 = arith.constant 58 : i32
      %dma_wait3A_1475 = arith.constant 58 : i32
      %dma_wait3A_1476 = arith.constant 0 : i32
      %dma_wait3A_1477 = arith.constant 0 : i32
      %dma_wait3A_1478 = tpu.memref_slice %arg6[%dma_wait3A_1475, %dma_wait3A_1476, %dma_wait3A_1477] : memref<64x50x32xf32, #tpu.memory_space<vmem>> -> memref<1x50x32xf32, #tpu.memory_space<vmem>>
      %dma_wait3A_1479 = tpu.memref_squeeze %dma_wait3A_1478 : memref<1x50x32xf32, #tpu.memory_space<vmem>> -> memref<50x32xf32, #tpu.memory_space<vmem>>
      %dma_wait3A_1480 = arith.constant 0 : i32
      %dma_wait3A_1481 = tpu.memref_slice %arg5[%dma_wait3A_1474, %dma_wait3A_1480] : memref<64x50xi32, #tpu.memory_space<vmem>> -> memref<1x50xi32, #tpu.memory_space<vmem>>
      %dma_wait3A_1482 = tpu.memref_squeeze %dma_wait3A_1481 : memref<1x50xi32, #tpu.memory_space<vmem>> -> memref<50xi32, #tpu.memory_space<vmem>>
      %dma_wait3A_1483 = arith.constant 0 : i32
      %dma_wait3A_1484 = arith.constant 0 : i32
      %dma_wait3A_1485 = tpu.memref_slice %arg3[%dma_wait3A_1483, %dma_wait3A_1484] : memref<1000000x32xf32, #tpu.memory_space<hbm>> -> memref<1000000x32xf32, #tpu.memory_space<hbm>>
      tpu.wait_indirect_dma semaphore(%arg7 : memref<!tpu.dma_semaphore, #tpu.memory_space<semaphore_mem>>) src(%dma_wait3A_1485 : memref<1000000x32xf32, #tpu.memory_space<hbm>>) dst(%dma_wait3A_1479 : memref<50x32xf32, #tpu.memory_space<vmem>>)
      %dma_wait3A_1486 = arith.constant 59 : i32
      %dma_wait3A_1487 = arith.constant 59 : i32
      %dma_wait3A_1488 = arith.constant 0 : i32
      %dma_wait3A_1489 = arith.constant 0 : i32
      %dma_wait3A_1490 = tpu.memref_slice %arg6[%dma_wait3A_1487, %dma_wait3A_1488, %dma_wait3A_1489] : memref<64x50x32xf32, #tpu.memory_space<vmem>> -> memref<1x50x32xf32, #tpu.memory_space<vmem>>
      %dma_wait3A_1491 = tpu.memref_squeeze %dma_wait3A_1490 : memref<1x50x32xf32, #tpu.memory_space<vmem>> -> memref<50x32xf32, #tpu.memory_space<vmem>>
      %dma_wait3A_1492 = arith.constant 0 : i32
      %dma_wait3A_1493 = tpu.memref_slice %arg5[%dma_wait3A_1486, %dma_wait3A_1492] : memref<64x50xi32, #tpu.memory_space<vmem>> -> memref<1x50xi32, #tpu.memory_space<vmem>>
      %dma_wait3A_1494 = tpu.memref_squeeze %dma_wait3A_1493 : memref<1x50xi32, #tpu.memory_space<vmem>> -> memref<50xi32, #tpu.memory_space<vmem>>
      %dma_wait3A_1495 = arith.constant 0 : i32
      %dma_wait3A_1496 = arith.constant 0 : i32
      %dma_wait3A_1497 = tpu.memref_slice %arg3[%dma_wait3A_1495, %dma_wait3A_1496] : memref<1000000x32xf32, #tpu.memory_space<hbm>> -> memref<1000000x32xf32, #tpu.memory_space<hbm>>
      tpu.wait_indirect_dma semaphore(%arg7 : memref<!tpu.dma_semaphore, #tpu.memory_space<semaphore_mem>>) src(%dma_wait3A_1497 : memref<1000000x32xf32, #tpu.memory_space<hbm>>) dst(%dma_wait3A_1491 : memref<50x32xf32, #tpu.memory_space<vmem>>)
      %dma_wait3A_1498 = arith.constant 60 : i32
      %dma_wait3A_1499 = arith.constant 60 : i32
      %dma_wait3A_1500 = arith.constant 0 : i32
      %dma_wait3A_1501 = arith.constant 0 : i32
      %dma_wait3A_1502 = tpu.memref_slice %arg6[%dma_wait3A_1499, %dma_wait3A_1500, %dma_wait3A_1501] : memref<64x50x32xf32, #tpu.memory_space<vmem>> -> memref<1x50x32xf32, #tpu.memory_space<vmem>>
      %dma_wait3A_1503 = tpu.memref_squeeze %dma_wait3A_1502 : memref<1x50x32xf32, #tpu.memory_space<vmem>> -> memref<50x32xf32, #tpu.memory_space<vmem>>
      %dma_wait3A_1504 = arith.constant 0 : i32
      %dma_wait3A_1505 = tpu.memref_slice %arg5[%dma_wait3A_1498, %dma_wait3A_1504] : memref<64x50xi32, #tpu.memory_space<vmem>> -> memref<1x50xi32, #tpu.memory_space<vmem>>
      %dma_wait3A_1506 = tpu.memref_squeeze %dma_wait3A_1505 : memref<1x50xi32, #tpu.memory_space<vmem>> -> memref<50xi32, #tpu.memory_space<vmem>>
      %dma_wait3A_1507 = arith.constant 0 : i32
      %dma_wait3A_1508 = arith.constant 0 : i32
      %dma_wait3A_1509 = tpu.memref_slice %arg3[%dma_wait3A_1507, %dma_wait3A_1508] : memref<1000000x32xf32, #tpu.memory_space<hbm>> -> memref<1000000x32xf32, #tpu.memory_space<hbm>>
      tpu.wait_indirect_dma semaphore(%arg7 : memref<!tpu.dma_semaphore, #tpu.memory_space<semaphore_mem>>) src(%dma_wait3A_1509 : memref<1000000x32xf32, #tpu.memory_space<hbm>>) dst(%dma_wait3A_1503 : memref<50x32xf32, #tpu.memory_space<vmem>>)
      %dma_wait3A_1510 = arith.constant 61 : i32
      %dma_wait3A_1511 = arith.constant 61 : i32
      %dma_wait3A_1512 = arith.constant 0 : i32
      %dma_wait3A_1513 = arith.constant 0 : i32
      %dma_wait3A_1514 = tpu.memref_slice %arg6[%dma_wait3A_1511, %dma_wait3A_1512, %dma_wait3A_1513] : memref<64x50x32xf32, #tpu.memory_space<vmem>> -> memref<1x50x32xf32, #tpu.memory_space<vmem>>
      %dma_wait3A_1515 = tpu.memref_squeeze %dma_wait3A_1514 : memref<1x50x32xf32, #tpu.memory_space<vmem>> -> memref<50x32xf32, #tpu.memory_space<vmem>>
      %dma_wait3A_1516 = arith.constant 0 : i32
      %dma_wait3A_1517 = tpu.memref_slice %arg5[%dma_wait3A_1510, %dma_wait3A_1516] : memref<64x50xi32, #tpu.memory_space<vmem>> -> memref<1x50xi32, #tpu.memory_space<vmem>>
      %dma_wait3A_1518 = tpu.memref_squeeze %dma_wait3A_1517 : memref<1x50xi32, #tpu.memory_space<vmem>> -> memref<50xi32, #tpu.memory_space<vmem>>
      %dma_wait3A_1519 = arith.constant 0 : i32
      %dma_wait3A_1520 = arith.constant 0 : i32
      %dma_wait3A_1521 = tpu.memref_slice %arg3[%dma_wait3A_1519, %dma_wait3A_1520] : memref<1000000x32xf32, #tpu.memory_space<hbm>> -> memref<1000000x32xf32, #tpu.memory_space<hbm>>
      tpu.wait_indirect_dma semaphore(%arg7 : memref<!tpu.dma_semaphore, #tpu.memory_space<semaphore_mem>>) src(%dma_wait3A_1521 : memref<1000000x32xf32, #tpu.memory_space<hbm>>) dst(%dma_wait3A_1515 : memref<50x32xf32, #tpu.memory_space<vmem>>)
      %dma_wait3A_1522 = arith.constant 62 : i32
      %dma_wait3A_1523 = arith.constant 62 : i32
      %dma_wait3A_1524 = arith.constant 0 : i32
      %dma_wait3A_1525 = arith.constant 0 : i32
      %dma_wait3A_1526 = tpu.memref_slice %arg6[%dma_wait3A_1523, %dma_wait3A_1524, %dma_wait3A_1525] : memref<64x50x32xf32, #tpu.memory_space<vmem>> -> memref<1x50x32xf32, #tpu.memory_space<vmem>>
      %dma_wait3A_1527 = tpu.memref_squeeze %dma_wait3A_1526 : memref<1x50x32xf32, #tpu.memory_space<vmem>> -> memref<50x32xf32, #tpu.memory_space<vmem>>
      %dma_wait3A_1528 = arith.constant 0 : i32
      %dma_wait3A_1529 = tpu.memref_slice %arg5[%dma_wait3A_1522, %dma_wait3A_1528] : memref<64x50xi32, #tpu.memory_space<vmem>> -> memref<1x50xi32, #tpu.memory_space<vmem>>
      %dma_wait3A_1530 = tpu.memref_squeeze %dma_wait3A_1529 : memref<1x50xi32, #tpu.memory_space<vmem>> -> memref<50xi32, #tpu.memory_space<vmem>>
      %dma_wait3A_1531 = arith.constant 0 : i32
      %dma_wait3A_1532 = arith.constant 0 : i32
      %dma_wait3A_1533 = tpu.memref_slice %arg3[%dma_wait3A_1531, %dma_wait3A_1532] : memref<1000000x32xf32, #tpu.memory_space<hbm>> -> memref<1000000x32xf32, #tpu.memory_space<hbm>>
      tpu.wait_indirect_dma semaphore(%arg7 : memref<!tpu.dma_semaphore, #tpu.memory_space<semaphore_mem>>) src(%dma_wait3A_1533 : memref<1000000x32xf32, #tpu.memory_space<hbm>>) dst(%dma_wait3A_1527 : memref<50x32xf32, #tpu.memory_space<vmem>>)
      %dma_wait3A_1534 = arith.constant 63 : i32
      %dma_wait3A_1535 = arith.constant 63 : i32
      %dma_wait3A_1536 = arith.constant 0 : i32
      %dma_wait3A_1537 = arith.constant 0 : i32
      %dma_wait3A_1538 = tpu.memref_slice %arg6[%dma_wait3A_1535, %dma_wait3A_1536, %dma_wait3A_1537] : memref<64x50x32xf32, #tpu.memory_space<vmem>> -> memref<1x50x32xf32, #tpu.memory_space<vmem>>
      %dma_wait3A_1539 = tpu.memref_squeeze %dma_wait3A_1538 : memref<1x50x32xf32, #tpu.memory_space<vmem>> -> memref<50x32xf32, #tpu.memory_space<vmem>>
      %dma_wait3A_1540 = arith.constant 0 : i32
      %dma_wait3A_1541 = tpu.memref_slice %arg5[%dma_wait3A_1534, %dma_wait3A_1540] : memref<64x50xi32, #tpu.memory_space<vmem>> -> memref<1x50xi32, #tpu.memory_space<vmem>>
      %dma_wait3A_1542 = tpu.memref_squeeze %dma_wait3A_1541 : memref<1x50xi32, #tpu.memory_space<vmem>> -> memref<50xi32, #tpu.memory_space<vmem>>
      %dma_wait3A_1543 = arith.constant 0 : i32
      %dma_wait3A_1544 = arith.constant 0 : i32
      %dma_wait3A_1545 = tpu.memref_slice %arg3[%dma_wait3A_1543, %dma_wait3A_1544] : memref<1000000x32xf32, #tpu.memory_space<hbm>> -> memref<1000000x32xf32, #tpu.memory_space<hbm>>
      tpu.wait_indirect_dma semaphore(%arg7 : memref<!tpu.dma_semaphore, #tpu.memory_space<semaphore_mem>>) src(%dma_wait3A_1545 : memref<1000000x32xf32, #tpu.memory_space<hbm>>) dst(%dma_wait3A_1539 : memref<50x32xf32, #tpu.memory_space<vmem>>)
      %dma_start3A_1546 = arith.constant 0 : i32
      %dma_start3A_1547 = arith.constant 0 : i32
      %dma_start3A_1548 = tpu.memref_slice %arg4[%add3A_11, %dma_start3A_1546, %dma_start3A_1547] : memref<16384x50x32xf32, #tpu.memory_space<hbm>> -> memref<64x50x32xf32, #tpu.memory_space<hbm>>
      %dma_start3A_1549 = arith.constant 0 : i32
      %dma_start3A_1550 = arith.constant 0 : i32
      %dma_start3A_1551 = tpu.memref_slice %arg4[%add3A_11, %dma_start3A_1549, %dma_start3A_1550] : memref<16384x50x32xf32, #tpu.memory_space<hbm>> -> memref<64x50x32xf32, #tpu.memory_space<hbm>>
      tpu.enqueue_dma source(%arg6 : memref<64x50x32xf32, #tpu.memory_space<vmem>>) target(%dma_start3A_1551 : memref<64x50x32xf32, #tpu.memory_space<hbm>>) target_semaphore(%arg8 : memref<!tpu.dma_semaphore, #tpu.memory_space<semaphore_mem>>)
      %dma_wait3A_1552 = arith.constant 0 : i32
      %dma_wait3A_1553 = arith.constant 0 : i32
      %dma_wait3A_1554 = tpu.memref_slice %arg4[%add3A_11, %dma_wait3A_1552, %dma_wait3A_1553] : memref<16384x50x32xf32, #tpu.memory_space<hbm>> -> memref<64x50x32xf32, #tpu.memory_space<hbm>>
      %dma_wait3A_1555 = arith.constant 0 : i32
      %dma_wait3A_1556 = arith.constant 0 : i32
      %dma_wait3A_1557 = tpu.memref_slice %arg4[%add3A_11, %dma_wait3A_1555, %dma_wait3A_1556] : memref<16384x50x32xf32, #tpu.memory_space<hbm>> -> memref<64x50x32xf32, #tpu.memory_space<hbm>>
      tpu.wait_dma2 semaphore(%arg8 : memref<!tpu.dma_semaphore, #tpu.memory_space<semaphore_mem>>) src(%arg6 : memref<64x50x32xf32, #tpu.memory_space<vmem>>) dst(%dma_wait3A_1557 : memref<64x50x32xf32, #tpu.memory_space<hbm>>)
    }
    %scan3A_7 = arith.constant 8 : i32
    return
  }
}

</mosaic_0001>

<sc_bundles>
// kernel: kernel.3.cloned.1.call-start
scs
__scs_entry_jumppad:
0x0: {  	(pc) =	sbr.rel $0x88, $3  }
0x1: {  	(tag) =	ssettag $0x0;
	lr =	simm.s32 $0x1  }
0x2: {  	[smem:$0x3F9F] =	sst lr;
	_ =	strace $0xD0000000  }
0x3: {  	_ = 	snop  }
0x4: {  	_ = 	snop  }
0x5: {  	_ = 	snop  }
0x6: {  	_ = 	snop  }
0x7: {  	_ = 	snop  }
__scs_overlays_trampoline_lowered:
0x8: {  	[smem:$0x3FAE] =	sst s0  }
0x9: {  	[smem:$0x3FAF] =	sst s1  }
0xa: {  	[smem:$0x3FB0] =	sst s2  }
0xb: {  	[smem:$0x3FB1] =	sst s3  }
0xc: {  	[smem:$0x3FB2] =	sst s4  }
0xd: {  	[smem:$0x3FB3] =	sst s5  }
0xe: {  	[smem:$0x3FB4] =	sst s6  }
0xf: {  	[smem:$0x3FB5] =	sst s7  }
0x10: {  	[smem:$0x3FB6] =	sst s8  }
0x11: {  	[smem:$0x3FB7] =	sst s9;
	s0 =	simm.s32 @!p0 $0x0  }
0x12: {  	s1 =	sld [smem:$0x3F9D];
	s0 =	simm.s32 @p0 $0x1  }
0x13: {  	[smem:$0x3FB8] =	sst s0;
	s0 =	simm.s32 @!p1 $0x0  }
0x14: {  	s2 =	sld [smem:$0x3F9C];
	s0 =	simm.s32 @p1 $0x1  }
0x15: {  	[smem:$0x3FB9] =	sst s0;
	s0 =	simm.s32 @!p2 $0x0  }
0x16: {  	s3 =	sld [smem:$0x3FDB];
	s0 =	simm.s32 @p2 $0x1  }
0x17: {  	s4 =	simm.s32 $0x1BF5;
	[smem:$0x3FBB] =	sst s0  }
0x18: {  	s0 =	sld [smem:$0x3F9E];
	_ =	swait.ge [sflag:s4], $0x0  }
0x19: {  	s7 =	sld [smem:$0x3F9F]  }
0x1a: {  	s8 =	sadd.s32 $0xFFFFE003, lr  }
0x1b: {  	s9 =	sadd.s32 $0xFFFFFEF7, lr;
	s5 =	simm.s32 $0xFFFFFFFF;
	p2 =	slt.u32 s8, $0xFFFFF086  }
0x1c: {  	p1 =	slt.u32 s9, $0xF7A;
	s5 =	simm.s32 @!p2 $0x0  }
0x1d: {  	s5 =	simm.s32 @p1 $0x1;
	p0 =	seq.s32 s7, s2  }
0x1e: {  	s7 =	smul.u32 @!p0 $0xF7A, s2;
	p2 =	seq.s32 @!p0 s5, $0x0  }
0x1f: {  	s9 =	smul.u32 $0xF7A, s1;
	s8 =	simm.s32 @!p0 $0x1BF5;
	p2 =	por !p2, p0  }
0x20: {  	[sflag:s8] =	ssyncset.s32 @!p0 $0xFFFFF086;
	s6 =	sadd.s32 @!p0 s3, s7;
	s7 =	simm.s32 @!p0 $0x108  }
0x21: {  	s3 =	sadd.s32 s3, s9;
	s6 =	sadd.s32 @!p0 $0x88, s6;
	s7 =	simm.s32 @p2 $0x1082  }
0x22: {  	[simem:s7], [sflag:s8] =	dma.local @!p0 [hbm:s6], $0xF7A  }
0x23: {  	s9 =	sor.u32 $0xD0000000, s2;
	s6 =	simm.s32 $0x108;
	_ =	swait.ge @!p0 [sflag:s8], $0x0  }
0x24: {  	s3 =	sadd.s32 $0x88, s3;
	s6 =	simm.s32 @!p1 $0x1082;
	[sflag:s4] =	ssyncset.s32 $0xFFFFF086  }
0x25: {  	[simem:s6], [sflag:s4] =	dma.local [hbm:s3], $0xF7A  }
0x26: {  	[smem:$0x3F9F] =	sst s1;
	(tag) =	ssettag s2;
	_ =	strace s9  }
0x27: {  	s1 =	sld [smem:$0x3FAF]  }
0x28: {  	s2 =	sld [smem:$0x3FB0]  }
0x29: {  	s4 =	sld [smem:$0x3FB2]  }
0x2a: {  	p0 =	seq.s32 s5, $0x0;
	s5 =	sld [smem:$0x3FB3]  }
0x2b: {  	s6 =	sld [smem:$0x3FB4]  }
0x2c: {  	s7 =	sld [smem:$0x3FB5]  }
0x2d: {  	s3 =	simm.s32 $0x108;
	s8 =	sld [smem:$0x3FB6]  }
0x2e: {  	s3 =	simm.s32 @!p0 $0x1082;
	s9 =	sld [smem:$0x3FB7]  }
0x2f: {  	lr =	sadd.s32 s0, s3;
	s0 =	sld [smem:$0x3FAE]  }
0x30: {  	s3 =	sld [smem:$0x3FB1]  }
0x31: {  	[smem:$0x3FBA] =	sst s10  }
0x32: {  	s10 =	sld [smem:$0x3FB8];
	_ =	sdelay $0x3  }
0x33: {  	p0 =	seq.s32 s10, $0x1;
	s10 =	sld [smem:$0x3FBA];
	_ =	sdelay $0x3  }
0x34: {  	[smem:$0x3FBA] =	sst s10  }
0x35: {  	s10 =	sld [smem:$0x3FB9];
	_ =	sdelay $0x3  }
0x36: {  	p1 =	seq.s32 s10, $0x1;
	s10 =	sld [smem:$0x3FBA];
	_ =	sdelay $0x3  }
0x37: {  	[smem:$0x3FBA] =	sst s10  }
0x38: {  	s10 =	sld [smem:$0x3FBB]  }
0x39: {  	_ = 	snop;
	(pc) =	sbr.ind lr, $3  }
0x3a: {  	_ = 	snop  }
0x3b: {  	_ = 	snop  }
0x3c: {  	p2 =	seq.s32 s10, $0x1;
	s10 =	sld [smem:$0x3FBA]  }
0x3d: {  	_ =	shalt  }
0x3e: {  	_ =	shalt  }
0x3f: {  	_ =	shalt  }
0x40: {  	_ =	shalt  }
0x41: {  	_ =	shalt  }
0x42: {  	_ =	shalt  }
0x43: {  	_ =	shalt  }
0x44: {  	_ =	shalt  }
0x45: {  	_ =	shalt  }
0x46: {  	_ =	shalt  }
0x47: {  	_ =	shalt  }
0x48: {  	_ =	shalt  }
0x49: {  	_ =	shalt  }
0x4a: {  	_ =	shalt  }
0x4b: {  	_ =	shalt  }
0x4c: {  	_ =	shalt  }
0x4d: {  	_ =	shalt  }
0x4e: {  	_ =	shalt  }
0x4f: {  	_ =	shalt  }
0x50: {  	_ =	shalt  }
0x51: {  	_ =	shalt  }
0x52: {  	_ =	shalt  }
0x53: {  	_ =	shalt  }
0x54: {  	_ =	shalt  }
0x55: {  	_ =	shalt  }
0x56: {  	_ =	shalt  }
0x57: {  	_ =	shalt  }
0x58: {  	_ =	shalt  }
0x59: {  	_ =	shalt  }
0x5a: {  	_ =	shalt  }
0x5b: {  	_ =	shalt  }
0x5c: {  	_ =	shalt  }
0x5d: {  	_ =	shalt  }
0x5e: {  	_ =	shalt  }
0x5f: {  	_ =	shalt  }
0x60: {  	_ =	shalt  }
0x61: {  	_ =	shalt  }
0x62: {  	_ =	shalt  }
0x63: {  	_ =	shalt  }
0x64: {  	_ =	shalt  }
0x65: {  	_ =	shalt  }
0x66: {  	_ =	shalt  }
0x67: {  	_ =	shalt  }
0x68: {  	_ =	shalt  }
0x69: {  	_ =	shalt  }
0x6a: {  	_ =	shalt  }
0x6b: {  	_ =	shalt  }
0x6c: {  	_ =	shalt  }
0x6d: {  	_ =	shalt  }
0x6e: {  	_ =	shalt  }
0x6f: {  	_ =	shalt  }
0x70: {  	_ =	shalt  }
0x71: {  	_ =	shalt  }
0x72: {  	_ =	shalt  }
0x73: {  	_ =	shalt  }
0x74: {  	_ =	shalt  }
0x75: {  	_ =	shalt  }
0x76: {  	_ =	shalt  }
0x77: {  	_ =	shalt  }
0x78: {  	_ =	shalt  }
0x79: {  	_ =	shalt  }
0x7a: {  	_ =	shalt  }
0x7b: {  	_ =	shalt  }
0x7c: {  	_ =	shalt  }
0x7d: {  	_ =	shalt  }
0x7e: {  	_ =	shalt  }
0x7f: {  	_ =	shalt  }
0x80: {  	_ =	shalt  }
0x81: {  	_ =	shalt  }
0x82: {  	_ =	shalt  }
0x83: {  	_ =	shalt  }
0x84: {  	_ =	shalt  }
0x85: {  	_ =	shalt  }
0x86: {  	_ =	shalt  }
0x87: {  	_ =	shalt  }
.Lfunc_end0:
.L_simem_size_0:
called_computation.1_lowered:
.L_overlay_start_0:
0x88: {  	s2 =	sld [smem:$0x3FD9]  }
0x89: {  	s3 =	sld [smem:$0x3FFE];
	_ =	sdelay $0x1  }
0x8a: {  	s1 =	srdreg.scid  }
0x8b: {  	s0 =	sand.u32 $0x1, s1  }
0x8c: {  	s17 =	sshll.u32 s0, $0xA;
	s2 =	sadd.s32 s3, s2  }
0x8d: {  	s2 =	sadd.s32 s2, s17  }
0x8e: {  	[smem:$0x3FC6] =	sst s2  }
0x8f: {  	_ = 	snop  }
0x90: {  	s2 =	sld [smem:$0x3FD0];
	(tm) =	ssettm $0x1  }
0x91: {  	s18 =	sld [smem:$0x3FFB];
	_ =	sdelay $0x3  }
0x92: {  	_ =	strace s18  }
0x93: {  	s3 =	sld [smem:$0x3FFC];
	_ =	sdelay $0x3  }
0x94: {  	_ =	strace s3  }
0x95: {  	s3 =	sld [smem:$0x3FFD];
	_ =	sdelay $0x3  }
0x96: {  	_ =	strace s3  }
0x97: {  	_ =	strace $0x8FFFFFFF  }
0x98: {  	s19 =	sld [smem:$0x3FDB];
	_ =	sdelay $0x1  }
0x99: {  	s4 =	simm.s32 $_scs_section_size  }
0x9a: {  	s5 =	simm.s32 $_size__tile_overlayer_lowered;
	s6 =	simm.s32 $_tile_overlayer_lowered  }
0x9b: {  	s22 =	simm.s32 $0x1BFF;
	s21 =	sshll.u32 s6, $0x1;
	s3 =	sadd.s32 s4, s19  }
0x9c: {  	s7 =	simm.s32 $0x0;
	s20 =	sshll.u32 s5, $0x1;
	s5 =	sadd.s32 s21, s3  }
0x9d: {  	[timem:s7], [sflag:s22] =	dma.local [hbm:s5], s20  }
0x9e: {  	_ =	swait.ge [sflag:s22], s20  }
0x9f: {  	s4 =	ssub.s32 $0x0, s20;
	[sflag:s22] =	ssyncset.done $0x0  }
0xa0: {  	[sflag:s22] =	ssyncadd.s32 s4;
	_ =	sdelay $0x1  }
0xa1: {  	s23 =	simm.s32 $0x1B8B  }
0xa2: {  	_ =	swait.ge [sflag:s23], $0x1  }
0xa3: {  	[sflag:s23] =	ssyncset.done $0x0  }
0xa4: {  	s25 =	simm.s32 $0x1B8E;
	s24 =	sld [smem:$0x3FFE];
	[sflag:s23] =	ssyncadd.s32 $0xFFFFFFFF  }
0xa5: {  	s26 =	simm.s32 $execute0_lowered;
	[smem:$0x3FD2] =	sst s25  }
0xa6: {  	s5 =	sshll.u32 s26, $0x1;
	_ =	strace $0x80000046;
	[dreg:$0x1] =	wrdreg $0xFFFFFFFF  }
0xa7: {  	s28 =	simm.s32 $_size_execute0_lowered;
	s3 =	sadd.s32 s3, s5;
	[dreg:$0x0] =	wrdreg $0x0  }
0xa8: {  	s5 =	sshll.u32 s28, $0x1;
	[dreg:$0x2] =	wrdreg s3  }
0xa9: {  	[dreg:$0x3] =	wrdreg s5  }
0xaa: {  	[dreg:$0x4] =	wrdreg $0xC0  }
0xab: {  	_ =	task [dreg:s7], $0x5FFFF  }
0xac: {  	[dreg:$0x1] =	wrdreg $0xFFFFFFFF  }
0xad: {  	[dreg:$0x0] =	wrdreg $0x60  }
0xae: {  	[dreg:$0x2] =	wrdreg s24  }
0xaf: {  	[dreg:$0x3] =	wrdreg s2  }
0xb0: {  	[dreg:$0x4] =	wrdreg $0x9  }
0xb1: {  	_ =	task.clear_ibuf [dreg:s7], $0x5FFFF;
	_ =	strace $0x90000046  }
0xb2: {  	s29 =	simm.s32 $0x9;
	_ =	strace $0x80000048  }
0xb3: {  	_ =	swait.ge [sflag:s29], $0x1  }
0xb4: {  	[sflag:s29] =	ssyncadd.s32 $0xFFFFFFFF  }
0xb5: {  	_ =	strace $0x90000048  }
0xb6: {  	_ =	sfence  }
0xb7: {  	s30 =	sld [smem:$0x0];
	_ =	sdelay $0x2  }
0xb8: {  	s31 =	sshll.u32 s1, $0xD;
	s1 =	sshrl.u32 s1, $0x2  }
0xb9: {  	s3 =	sand.u32 $0x4000, s31;
	s1 =	sadd.s32 s1, s30  }
0xba: {  	s0 =	sor.u32 s3, s0;
	s1 =	sshll.u32 s1, $0x11  }
0xbb: {  	s0 =	sor.u32 s1, s0  }
0xbc: {  	s0 =	sadd.s32 $0x8F2B, s0  }
0xbd: {  	[sflag:s0] =	ssyncadd.remote.s32 $0x1  }
0xbe: {  	_ =	sfence.sel $0xFFFF  }
0xbf: {  	[dreg:$0x0] =	wrdreg $0xFFFFFFFF;
	(pc) =	sbr.abs _section_cstart, $3  }
0xc0: {  	[dreg:$0x1] =	wrdreg $0xFFFFFFFF  }
0xc1: {  	_ =	task.clear_ibuf [dreg:s7], $0x2FFFF;
	_ =	strace $0x9FFFFFFF  }
0xc2: {  	(tm) =	ssettm $0x7FFFFFFF  }
0xc3: {  	_ =	shalt  }
tec
execute0_lowered:
.L_overlay_start_1:
0x0: {  	(tag) =	ssettag $0x1  }
0x1: {  	s0 =	srdreg.scid;
	s3 =	rddreg [dreg:$0x0]  }
0x2: {  	s2 =	simm.s32 $0x0;
	s1 =	sand.u32 $0x1, s0;
	s0 =	rddreg [dreg:$0x1]  }
0x3: {  	s6 =	simm.s32 $0x1440;
	[smem:$0x7FF] =	sst s2  }
0x4: {  	s8 =	simm.s32 $0x70;
	_ =	strace $0x80000047;
	[dreg:$0x5] =	wrdreg s6  }
0x5: {  	s9 =	simm.s32 $0x1A80;
	[dreg:$0x6] =	wrdreg s8  }
0x6: {  	s10 =	simm.s32 $0xA8;
	[dreg:$0x7] =	wrdreg s9  }
0x7: {  	s11 =	simm.s32 $0x20C0;
	[dreg:$0x8] =	wrdreg s10  }
0x8: {  	s12 =	simm.s32 $0xE0;
	[dreg:$0x9] =	wrdreg s11  }
0x9: {  	s13 =	simm.s32 $0x2700;
	[dreg:$0xa] =	wrdreg s12  }
0xa: {  	s14 =	simm.s32 $0x118;
	[dreg:$0xb] =	wrdreg s13  }
0xb: {  	s15 =	simm.s32 $0x2D40;
	[dreg:$0xc] =	wrdreg s14  }
0xc: {  	s16 =	simm.s32 $0x150;
	[dreg:$0xd] =	wrdreg s15  }
0xd: {  	s17 =	simm.s32 $0x3380;
	[dreg:$0xe] =	wrdreg s16  }
0xe: {  	s18 =	simm.s32 $0x188;
	[dreg:$0xf] =	wrdreg s17  }
0xf: {  	s19 =	simm.s32 $0x39C0;
	[dreg:$0x10] =	wrdreg s18  }
0x10: {  	s20 =	simm.s32 $0x1C0;
	[dreg:$0x11] =	wrdreg s19  }
0x11: {  	s21 =	simm.s32 $0x4000;
	[dreg:$0x12] =	wrdreg s20  }
0x12: {  	s22 =	simm.s32 $0x1F8;
	[dreg:$0x13] =	wrdreg s21  }
0x13: {  	s23 =	simm.s32 $0x4640;
	[dreg:$0x14] =	wrdreg s22  }
0x14: {  	s24 =	simm.s32 $0x230;
	[dreg:$0x15] =	wrdreg s23  }
0x15: {  	s25 =	simm.s32 $0x4C80;
	[dreg:$0x16] =	wrdreg s24  }
0x16: {  	s26 =	simm.s32 $0x268;
	[dreg:$0x17] =	wrdreg s25  }
0x17: {  	s31 =	simm.s32 $0x52C0;
	[dreg:$0x18] =	wrdreg s26  }
0x18: {  	[dreg:$0x19] =	wrdreg s31;
	s6 =	simm.s32 $0x5900  }
0x19: {  	s8 =	simm.s32 $0x2D8;
	[dreg:$0x1b] =	wrdreg s6  }
0x1a: {  	s9 =	simm.s32 $0x5F40;
	[dreg:$0x1c] =	wrdreg s8  }
0x1b: {  	s10 =	simm.s32 $0x310;
	[dreg:$0x1d] =	wrdreg s9  }
0x1c: {  	s11 =	simm.s32 $0x6580;
	[dreg:$0x1e] =	wrdreg s10  }
0x1d: {  	s12 =	simm.s32 $0x348;
	[dreg:$0x1f] =	wrdreg s11  }
0x1e: {  	s13 =	simm.s32 $0x6BC0;
	[smem:$0x7AD] =	sst s12  }
0x1f: {  	s14 =	simm.s32 $0x380;
	[smem:$0x7AE] =	sst s13  }
0x20: {  	s15 =	simm.s32 $0x7200;
	[smem:$0x7AF] =	sst s14  }
0x21: {  	s16 =	simm.s32 $0x3B8;
	[smem:$0x7B0] =	sst s15  }
0x22: {  	s17 =	simm.s32 $0x7840;
	[smem:$0x7B1] =	sst s16  }
0x23: {  	s18 =	simm.s32 $0x3F0;
	[smem:$0x7B2] =	sst s17  }
0x24: {  	s19 =	simm.s32 $0x7E80;
	[smem:$0x7B3] =	sst s18  }
0x25: {  	s20 =	simm.s32 $0x428;
	[smem:$0x7B4] =	sst s19  }
0x26: {  	s21 =	simm.s32 $0x84C0;
	[smem:$0x7B5] =	sst s20  }
0x27: {  	s22 =	simm.s32 $0x460;
	[smem:$0x7B6] =	sst s21  }
0x28: {  	s23 =	simm.s32 $0x8B00;
	[smem:$0x7B7] =	sst s22  }
0x29: {  	s24 =	simm.s32 $0x498;
	[smem:$0x7B8] =	sst s23  }
0x2a: {  	s25 =	simm.s32 $0x9140;
	[smem:$0x7B9] =	sst s24  }
0x2b: {  	s26 =	simm.s32 $0x4D0;
	[smem:$0x7BA] =	sst s25  }
0x2c: {  	s31 =	simm.s32 $0x9780;
	[smem:$0x7BB] =	sst s26  }
0x2d: {  	[smem:$0x7BC] =	sst s31;
	s6 =	simm.s32 $0x9DC0  }
0x2e: {  	s8 =	simm.s32 $0x540;
	[smem:$0x7BE] =	sst s6  }
0x2f: {  	s9 =	simm.s32 $0xA400;
	[smem:$0x7BF] =	sst s8  }
0x30: {  	s10 =	simm.s32 $0x578;
	[smem:$0x7C0] =	sst s9  }
0x31: {  	s11 =	simm.s32 $0xAA40;
	[smem:$0x7C1] =	sst s10  }
0x32: {  	s12 =	simm.s32 $0x5B0;
	[smem:$0x7C2] =	sst s11  }
0x33: {  	s13 =	simm.s32 $0xB080;
	[smem:$0x7C3] =	sst s12  }
0x34: {  	s14 =	simm.s32 $0x5E8;
	[smem:$0x7C4] =	sst s13  }
0x35: {  	s15 =	simm.s32 $0xB6C0;
	[smem:$0x7C5] =	sst s14  }
0x36: {  	s16 =	simm.s32 $0x620;
	[smem:$0x7C6] =	sst s15  }
0x37: {  	s17 =	simm.s32 $0xBD00;
	[smem:$0x7C7] =	sst s16  }
0x38: {  	s18 =	simm.s32 $0x658;
	[smem:$0x7C8] =	sst s17  }
0x39: {  	s19 =	simm.s32 $0xC340;
	[smem:$0x7C9] =	sst s18  }
0x3a: {  	s20 =	simm.s32 $0x690;
	[smem:$0x7CA] =	sst s19  }
0x3b: {  	s21 =	simm.s32 $0xC980;
	[smem:$0x7CB] =	sst s20  }
0x3c: {  	s22 =	simm.s32 $0x6C8;
	[smem:$0x7CC] =	sst s21  }
0x3d: {  	s23 =	simm.s32 $0xCFC0;
	[smem:$0x7CD] =	sst s22  }
0x3e: {  	s7 =	stileid.u32;
	s24 =	simm.s32 $0x700;
	[smem:$0x7CE] =	sst s23  }
0x3f: {  	s4 =	smul.u32 $0x1C00, s7;
	s25 =	simm.s32 $0xD600;
	[smem:$0x7CF] =	sst s24  }
0x40: {  	s5 =	smul.u32 $0xE00, s1;
	s26 =	simm.s32 $0x738;
	[smem:$0x7D0] =	sst s25  }
0x41: {  	s4 =	sadd.s32 s4, s3;
	s31 =	simm.s32 $0xDC40;
	[smem:$0x7D1] =	sst s26  }
0x42: {  	s4 =	sadd.s32 s5, s4;
	s5 =	simm.s32 $0x38;
	[smem:$0x7D2] =	sst s31  }
0x43: {  	s6 =	simm.s32 $0xE280;
	[dreg:$0x4] =	wrdreg s5  }
0x44: {  	s8 =	simm.s32 $0x7A8;
	[smem:$0x7D4] =	sst s6  }
0x45: {  	s9 =	simm.s32 $0xE8C0;
	[smem:$0x7D5] =	sst s8  }
0x46: {  	s10 =	simm.s32 $0x7E0;
	[smem:$0x7D6] =	sst s9  }
0x47: {  	s11 =	simm.s32 $0xEF00;
	[smem:$0x7D7] =	sst s10  }
0x48: {  	s12 =	simm.s32 $0x818;
	[smem:$0x7D8] =	sst s11  }
0x49: {  	s13 =	simm.s32 $0xF540;
	[smem:$0x7D9] =	sst s12  }
0x4a: {  	s14 =	simm.s32 $0x850;
	[smem:$0x7DA] =	sst s13  }
0x4b: {  	s15 =	simm.s32 $0xFB80;
	[smem:$0x7DB] =	sst s14  }
0x4c: {  	s16 =	simm.s32 $0x888;
	[smem:$0x7DC] =	sst s15  }
0x4d: {  	s17 =	simm.s32 $0x101C0;
	[smem:$0x7DD] =	sst s16  }
0x4e: {  	s18 =	simm.s32 $0x8C0;
	[smem:$0x7DE] =	sst s17  }
0x4f: {  	s19 =	simm.s32 $0x10800;
	[smem:$0x7DF] =	sst s18  }
0x50: {  	s20 =	simm.s32 $0x8F8;
	[smem:$0x7E0] =	sst s19  }
0x51: {  	s21 =	simm.s32 $0x10E40;
	[smem:$0x7E1] =	sst s20  }
0x52: {  	s22 =	simm.s32 $0x930;
	[smem:$0x7E2] =	sst s21  }
0x53: {  	s23 =	simm.s32 $0x11480;
	[smem:$0x7E3] =	sst s22  }
0x54: {  	s24 =	simm.s32 $0x968;
	[smem:$0x7E4] =	sst s23  }
0x55: {  	s25 =	simm.s32 $0x11AC0;
	[smem:$0x7E5] =	sst s24  }
0x56: {  	s26 =	simm.s32 $0x9A0;
	[smem:$0x7E6] =	sst s25  }
0x57: {  	s31 =	simm.s32 $0x12100;
	[smem:$0x7E7] =	sst s26  }
0x58: {  	s4 =	sadd.s32 $0xA00, s4;
	[smem:$0x7E8] =	sst s31  }
0x59: {  	s5 =	simm.s32 $0x2A0;
	[dreg:$0x3] =	wrdreg s4  }
0x5a: {  	s6 =	simm.s32 $0x12740;
	[dreg:$0x1a] =	wrdreg s5  }
0x5b: {  	s8 =	simm.s32 $0xA10;
	[smem:$0x7EA] =	sst s6  }
0x5c: {  	s9 =	simm.s32 $0x12D80;
	[smem:$0x7EB] =	sst s8  }
0x5d: {  	s10 =	simm.s32 $0xA48;
	[smem:$0x7EC] =	sst s9  }
0x5e: {  	s11 =	simm.s32 $0x133C0;
	[smem:$0x7ED] =	sst s10  }
0x5f: {  	s12 =	simm.s32 $0xA80;
	[smem:$0x7EE] =	sst s11  }
0x60: {  	s13 =	simm.s32 $0x13A00;
	[smem:$0x7EF] =	sst s12  }
0x61: {  	s14 =	simm.s32 $0xAB8;
	[smem:$0x7F0] =	sst s13  }
0x62: {  	s16 =	simm.s32 $0x14040;
	[smem:$0x7F1] =	sst s14  }
0x63: {  	s28 =	simm.s32 $0x197C0;
	s17 =	simm.s32 $0xAF0;
	[smem:$0x7F2] =	sst s16  }
0x64: {  	s29 =	simm.s32 $0x1;
	s18 =	simm.s32 $0x14680;
	[smem:$0x7F3] =	sst s17  }
0x65: {  	s30 =	simm.s32 $0x2;
	s20 =	simm.s32 $0xB28;
	[smem:$0x7F5] =	sst s18  }
0x66: {  	s3 =	sadd.s32 $0xF42E00, s3;
	s22 =	simm.s32 $0x14CC0;
	[smem:$0x7F6] =	sst s20  }
0x67: {  	s15 =	ssub.s32 $0x2, s1;
	s23 =	simm.s32 $0xB60;
	[smem:$0x7F7] =	sst s22  }
0x68: {  	s21 =	smul.u32 $0x32000, s7;
	s24 =	simm.s32 $0x15300;
	[smem:$0x7F8] =	sst s23  }
0x69: {  	s1 =	smul.u32 $0x19000, s1;
	s25 =	simm.s32 $0xB98;
	[smem:$0x7FA] =	sst s24  }
0x6a: {  	s26 =	simm.s32 $0x15940;
	s7 =	simm.s32 $0x32;
	[smem:$0x7FB] =	sst s25  }
0x6b: {  	s31 =	simm.s32 $0xBD0;
	s5 =	simm.s32 $0x508;
	[smem:$0x7FC] =	sst s26  }
0x6c: {  	s6 =	sshrl.u32 s15, $0x1;
	s8 =	simm.s32 $0xE00;
	[smem:$0x7FD] =	sst s31  }
0x6d: {  	s11 =	simm.s32 $0x165C0;
	s12 =	simm.s32 $0xC40;
	s13 =	simm.s32 $0x16C00  }
0x6e: {  	s14 =	simm.s32 $0xC78;
	s16 =	simm.s32 $0xCB0;
	s17 =	simm.s32 $0x17880  }
0x6f: {  	s18 =	simm.s32 $0xCE8;
	s20 =	simm.s32 $0xD20;
	s22 =	simm.s32 $0xD58  }
0x70: {  	s23 =	simm.s32 $0x18B40;
	s24 =	simm.s32 $0xD90;
	s25 =	simm.s32 $0x19180  }
0x71: {  	s26 =	simm.s32 $0xDC8;
	s10 =	simm.s32 $0x15F80;
	[smem:$0x7BD] =	sst s5  }
0x72: {  	s5 =	simm.s32 $0x770;
	s0 =	sadd.s32 s21, s0;
	s21 =	simm.s32 $0x18500  }
0x73: {  	[smem:$0x7D3] =	sst s5;
	s5 =	simm.s32 $0x9D8;
	s0 =	sadd.s32 s1, s0  }
0x74: {  	s1 =	simm.s32 $0x0;
	[smem:$0x7E9] =	sst s5;
	s5 =	ssub.s32 s15, s6  }
0x75: {  	[smem:$0x7F9] =	sst s0;
	s6 =	simm.s32 $0x3;
	s19 =	smax.u32 s5, $0x1  }
0x76: {  	s15 =	simm.s32 $0x17240;
	[smem:$0x7F4] =	sst s19;
	s19 =	simm.s32 $0x17EC0  }
.LBB2_1:
0x77: {  	[smem:$0x7AC] =	sst s1  }
0x78: {  	s5 =	sld [smem:$0x7F9];
	s0 =	simm.s32 $0x0  }
.LBB2_2:
0x79: {  	s4 =	rddreg [dreg:$0x3]  }
0x7a: {  	s4 =	sadd.s32 s0, s4  }
0x7b: {  	[tilespmem:s2], [sflag:$0x3] =	stream.linear.gather [hbm4b:s4+s2], $0xE00, $0x38;
	[tilespmem:$0x19E00] =	vst v63  }
0x7c: {  	_ =	swait.ge [sflag:s6], $0xE00  }
0x7d: {  	s31 =	rddreg [dreg:$0x4]  }
0x7e: {  	[sflag:s6] =	ssyncset.done $0x0;
	s1 =	rddreg [dreg:$0x5]  }
0x7f: {  	s4 =	rddreg [dreg:$0x7];
	[sflag:s6] =	ssyncadd.s32 $0xFFFFF200  }
0x80: {  	[tilespmem:s8], [sflag:$0x1] =	stream.indirect.gather [hbm4b:s3+s7], $0x20, s2, s7, $0xb8;
	[tilespmem:$0x19E00] =	vst v63  }
0x81: {  	s9 =	rddreg [dreg:$0x9]  }
0x82: {  	[tilespmem:s1], [sflag:$0x1] =	stream.indirect.gather [hbm4b:s3+s7], $0x20, s31, s7, $0xb8;
	[tilespmem:$0x19E00] =	vst v63  }
0x83: {  	s1 =	rddreg [dreg:$0x6]  }
0x84: {  	s31 =	rddreg [dreg:$0x8]  }
0x85: {  	[tilespmem:s4], [sflag:$0x1] =	stream.indirect.gather [hbm4b:s3+s7], $0x20, s1, s7, $0xb8;
	[tilespmem:$0x19E00] =	vst v63  }
0x86: {  	s1 =	rddreg [dreg:$0xa]  }
0x87: {  	s4 =	rddreg [dreg:$0xb]  }
0x88: {  	[tilespmem:s9], [sflag:$0x1] =	stream.indirect.gather [hbm4b:s3+s7], $0x20, s31, s7, $0xb8;
	[tilespmem:$0x19E00] =	vst v63  }
0x89: {  	s9 =	rddreg [dreg:$0xc]  }
0x8a: {  	s31 =	rddreg [dreg:$0xd]  }
0x8b: {  	[tilespmem:s4], [sflag:$0x1] =	stream.indirect.gather [hbm4b:s3+s7], $0x20, s1, s7, $0xb8;
	[tilespmem:$0x19E00] =	vst v63  }
0x8c: {  	s1 =	rddreg [dreg:$0xe]  }
0x8d: {  	s4 =	rddreg [dreg:$0xf]  }
0x8e: {  	[tilespmem:s31], [sflag:$0x1] =	stream.indirect.gather [hbm4b:s3+s7], $0x20, s9, s7, $0xb8;
	[tilespmem:$0x19E00] =	vst v63  }
0x8f: {  	s9 =	rddreg [dreg:$0x10]  }
0x90: {  	s31 =	rddreg [dreg:$0x11]  }
0x91: {  	[tilespmem:s4], [sflag:$0x1] =	stream.indirect.gather [hbm4b:s3+s7], $0x20, s1, s7, $0xb8;
	[tilespmem:$0x19E00] =	vst v63  }
0x92: {  	s1 =	rddreg [dreg:$0x12]  }
0x93: {  	s4 =	rddreg [dreg:$0x13]  }
0x94: {  	[tilespmem:s31], [sflag:$0x1] =	stream.indirect.gather [hbm4b:s3+s7], $0x20, s9, s7, $0xb8;
	[tilespmem:$0x19E00] =	vst v63  }
0x95: {  	s9 =	rddreg [dreg:$0x14]  }
0x96: {  	s31 =	rddreg [dreg:$0x15]  }
0x97: {  	[tilespmem:s4], [sflag:$0x1] =	stream.indirect.gather [hbm4b:s3+s7], $0x20, s1, s7, $0xb8;
	[tilespmem:$0x19E00] =	vst v63  }
0x98: {  	s1 =	rddreg [dreg:$0x16]  }
0x99: {  	s4 =	rddreg [dreg:$0x17]  }
0x9a: {  	[tilespmem:s31], [sflag:$0x1] =	stream.indirect.gather [hbm4b:s3+s7], $0x20, s9, s7, $0xb8;
	[tilespmem:$0x19E00] =	vst v63  }
0x9b: {  	s9 =	rddreg [dreg:$0x18]  }
0x9c: {  	s31 =	rddreg [dreg:$0x19]  }
0x9d: {  	[tilespmem:s4], [sflag:$0x1] =	stream.indirect.gather [hbm4b:s3+s7], $0x20, s1, s7, $0xb8;
	[tilespmem:$0x19E00] =	vst v63  }
0x9e: {  	s1 =	rddreg [dreg:$0x1a]  }
0x9f: {  	s4 =	rddreg [dreg:$0x1b]  }
0xa0: {  	[tilespmem:s31], [sflag:$0x1] =	stream.indirect.gather [hbm4b:s3+s7], $0x20, s9, s7, $0xb8;
	[tilespmem:$0x19E00] =	vst v63  }
0xa1: {  	s9 =	rddreg [dreg:$0x1c]  }
0xa2: {  	s31 =	rddreg [dreg:$0x1d]  }
0xa3: {  	[tilespmem:s4], [sflag:$0x1] =	stream.indirect.gather [hbm4b:s3+s7], $0x20, s1, s7, $0xb8;
	[tilespmem:$0x19E00] =	vst v63  }
0xa4: {  	s1 =	rddreg [dreg:$0x1e]  }
0xa5: {  	s4 =	rddreg [dreg:$0x1f]  }
0xa6: {  	[tilespmem:s31], [sflag:$0x1] =	stream.indirect.gather [hbm4b:s3+s7], $0x20, s9, s7, $0xb8;
	[tilespmem:$0x19E00] =	vst v63  }
0xa7: {  	s9 =	sld [smem:$0x7AD]  }
0xa8: {  	s31 =	sld [smem:$0x7AE]  }
0xa9: {  	[tilespmem:s4], [sflag:$0x1] =	stream.indirect.gather [hbm4b:s3+s7], $0x20, s1, s7, $0xb8;
	[tilespmem:$0x19E00] =	vst v63  }
0xaa: {  	s1 =	sld [smem:$0x7AF]  }
0xab: {  	s4 =	sld [smem:$0x7B0]  }
0xac: {  	[tilespmem:s31], [sflag:$0x1] =	stream.indirect.gather [hbm4b:s3+s7], $0x20, s9, s7, $0xb8;
	[tilespmem:$0x19E00] =	vst v63  }
0xad: {  	s9 =	sld [smem:$0x7B1]  }
0xae: {  	s31 =	sld [smem:$0x7B2]  }
0xaf: {  	[tilespmem:s4], [sflag:$0x1] =	stream.indirect.gather [hbm4b:s3+s7], $0x20, s1, s7, $0xb8;
	[tilespmem:$0x19E00] =	vst v63  }
0xb0: {  	s1 =	sld [smem:$0x7B3]  }
0xb1: {  	s4 =	sld [smem:$0x7B4]  }
0xb2: {  	[tilespmem:s31], [sflag:$0x1] =	stream.indirect.gather [hbm4b:s3+s7], $0x20, s9, s7, $0xb8;
	[tilespmem:$0x19E00] =	vst v63  }
0xb3: {  	s9 =	sld [smem:$0x7B5]  }
0xb4: {  	s31 =	sld [smem:$0x7B6]  }
0xb5: {  	[tilespmem:s4], [sflag:$0x1] =	stream.indirect.gather [hbm4b:s3+s7], $0x20, s1, s7, $0xb8;
	[tilespmem:$0x19E00] =	vst v63  }
0xb6: {  	s1 =	sld [smem:$0x7B7]  }
0xb7: {  	s4 =	sld [smem:$0x7B8]  }
0xb8: {  	[tilespmem:s31], [sflag:$0x1] =	stream.indirect.gather [hbm4b:s3+s7], $0x20, s9, s7, $0xb8;
	[tilespmem:$0x19E00] =	vst v63  }
0xb9: {  	s9 =	sld [smem:$0x7B9]  }
0xba: {  	s31 =	sld [smem:$0x7BA]  }
0xbb: {  	[tilespmem:s4], [sflag:$0x1] =	stream.indirect.gather [hbm4b:s3+s7], $0x20, s1, s7, $0xb8;
	[tilespmem:$0x19E00] =	vst v63  }
0xbc: {  	s1 =	sld [smem:$0x7BB]  }
0xbd: {  	s4 =	sld [smem:$0x7BC]  }
0xbe: {  	[tilespmem:s31], [sflag:$0x1] =	stream.indirect.gather [hbm4b:s3+s7], $0x20, s9, s7, $0xb8;
	[tilespmem:$0x19E00] =	vst v63  }
0xbf: {  	s9 =	sld [smem:$0x7BD]  }
0xc0: {  	s31 =	sld [smem:$0x7BE]  }
0xc1: {  	[tilespmem:s4], [sflag:$0x1] =	stream.indirect.gather [hbm4b:s3+s7], $0x20, s1, s7, $0xb8;
	[tilespmem:$0x19E00] =	vst v63  }
0xc2: {  	s1 =	sld [smem:$0x7BF]  }
0xc3: {  	s4 =	sld [smem:$0x7C0]  }
0xc4: {  	[tilespmem:s31], [sflag:$0x1] =	stream.indirect.gather [hbm4b:s3+s7], $0x20, s9, s7, $0xb8;
	[tilespmem:$0x19E00] =	vst v63  }
0xc5: {  	s9 =	sld [smem:$0x7C1]  }
0xc6: {  	s31 =	sld [smem:$0x7C2]  }
0xc7: {  	[tilespmem:s4], [sflag:$0x1] =	stream.indirect.gather [hbm4b:s3+s7], $0x20, s1, s7, $0xb8;
	[tilespmem:$0x19E00] =	vst v63  }
0xc8: {  	s1 =	sld [smem:$0x7C3]  }
0xc9: {  	s4 =	sld [smem:$0x7C4]  }
0xca: {  	[tilespmem:s31], [sflag:$0x1] =	stream.indirect.gather [hbm4b:s3+s7], $0x20, s9, s7, $0xb8;
	[tilespmem:$0x19E00] =	vst v63  }
0xcb: {  	s9 =	sld [smem:$0x7C5]  }
0xcc: {  	s31 =	sld [smem:$0x7C6]  }
0xcd: {  	[tilespmem:s4], [sflag:$0x1] =	stream.indirect.gather [hbm4b:s3+s7], $0x20, s1, s7, $0xb8;
	[tilespmem:$0x19E00] =	vst v63  }
0xce: {  	s1 =	sld [smem:$0x7C7]  }
0xcf: {  	s4 =	sld [smem:$0x7C8]  }
0xd0: {  	[tilespmem:s31], [sflag:$0x1] =	stream.indirect.gather [hbm4b:s3+s7], $0x20, s9, s7, $0xb8;
	[tilespmem:$0x19E00] =	vst v63  }
0xd1: {  	s9 =	sld [smem:$0x7C9]  }
0xd2: {  	s31 =	sld [smem:$0x7CA]  }
0xd3: {  	[tilespmem:s4], [sflag:$0x1] =	stream.indirect.gather [hbm4b:s3+s7], $0x20, s1, s7, $0xb8;
	[tilespmem:$0x19E00] =	vst v63  }
0xd4: {  	s1 =	sld [smem:$0x7CB]  }
0xd5: {  	s4 =	sld [smem:$0x7CC]  }
0xd6: {  	[tilespmem:s31], [sflag:$0x1] =	stream.indirect.gather [hbm4b:s3+s7], $0x20, s9, s7, $0xb8;
	[tilespmem:$0x19E00] =	vst v63  }
0xd7: {  	s9 =	sld [smem:$0x7CD]  }
0xd8: {  	s31 =	sld [smem:$0x7CE]  }
0xd9: {  	[tilespmem:s4], [sflag:$0x1] =	stream.indirect.gather [hbm4b:s3+s7], $0x20, s1, s7, $0xb8;
	[tilespmem:$0x19E00] =	vst v63  }
0xda: {  	s1 =	sld [smem:$0x7CF]  }
0xdb: {  	s4 =	sld [smem:$0x7D0]  }
0xdc: {  	[tilespmem:s31], [sflag:$0x1] =	stream.indirect.gather [hbm4b:s3+s7], $0x20, s9, s7, $0xb8;
	[tilespmem:$0x19E00] =	vst v63  }
0xdd: {  	s9 =	sld [smem:$0x7D1]  }
0xde: {  	s31 =	sld [smem:$0x7D2]  }
0xdf: {  	[tilespmem:s4], [sflag:$0x1] =	stream.indirect.gather [hbm4b:s3+s7], $0x20, s1, s7, $0xb8;
	[tilespmem:$0x19E00] =	vst v63  }
0xe0: {  	s1 =	sld [smem:$0x7D3]  }
0xe1: {  	s4 =	sld [smem:$0x7D4]  }
0xe2: {  	[tilespmem:s31], [sflag:$0x1] =	stream.indirect.gather [hbm4b:s3+s7], $0x20, s9, s7, $0xb8;
	[tilespmem:$0x19E00] =	vst v63  }
0xe3: {  	s9 =	sld [smem:$0x7D5]  }
0xe4: {  	s31 =	sld [smem:$0x7D6]  }
0xe5: {  	[tilespmem:s4], [sflag:$0x1] =	stream.indirect.gather [hbm4b:s3+s7], $0x20, s1, s7, $0xb8;
	[tilespmem:$0x19E00] =	vst v63  }
0xe6: {  	s1 =	sld [smem:$0x7D7]  }
0xe7: {  	s4 =	sld [smem:$0x7D8]  }
0xe8: {  	[tilespmem:s31], [sflag:$0x1] =	stream.indirect.gather [hbm4b:s3+s7], $0x20, s9, s7, $0xb8;
	[tilespmem:$0x19E00] =	vst v63  }
0xe9: {  	s9 =	sld [smem:$0x7D9]  }
0xea: {  	s31 =	sld [smem:$0x7DA]  }
0xeb: {  	[tilespmem:s4], [sflag:$0x1] =	stream.indirect.gather [hbm4b:s3+s7], $0x20, s1, s7, $0xb8;
	[tilespmem:$0x19E00] =	vst v63  }
0xec: {  	s1 =	sld [smem:$0x7DB]  }
0xed: {  	s4 =	sld [smem:$0x7DC]  }
0xee: {  	[tilespmem:s31], [sflag:$0x1] =	stream.indirect.gather [hbm4b:s3+s7], $0x20, s9, s7, $0xb8;
	[tilespmem:$0x19E00] =	vst v63  }
0xef: {  	s9 =	sld [smem:$0x7DD]  }
0xf0: {  	s31 =	sld [smem:$0x7DE]  }
0xf1: {  	[tilespmem:s4], [sflag:$0x1] =	stream.indirect.gather [hbm4b:s3+s7], $0x20, s1, s7, $0xb8;
	[tilespmem:$0x19E00] =	vst v63  }
0xf2: {  	s1 =	sld [smem:$0x7DF]  }
0xf3: {  	s4 =	sld [smem:$0x7E0]  }
0xf4: {  	[tilespmem:s31], [sflag:$0x1] =	stream.indirect.gather [hbm4b:s3+s7], $0x20, s9, s7, $0xb8;
	[tilespmem:$0x19E00] =	vst v63  }
0xf5: {  	s9 =	sld [smem:$0x7E1]  }
0xf6: {  	s31 =	sld [smem:$0x7E2]  }
0xf7: {  	[tilespmem:s4], [sflag:$0x1] =	stream.indirect.gather [hbm4b:s3+s7], $0x20, s1, s7, $0xb8;
	[tilespmem:$0x19E00] =	vst v63  }
0xf8: {  	s1 =	sld [smem:$0x7E3]  }
0xf9: {  	s4 =	sld [smem:$0x7E4]  }
0xfa: {  	[tilespmem:s31], [sflag:$0x1] =	stream.indirect.gather [hbm4b:s3+s7], $0x20, s9, s7, $0xb8;
	[tilespmem:$0x19E00] =	vst v63  }
0xfb: {  	s9 =	sld [smem:$0x7E5]  }
0xfc: {  	s31 =	sld [smem:$0x7E6]  }
0xfd: {  	[tilespmem:s4], [sflag:$0x1] =	stream.indirect.gather [hbm4b:s3+s7], $0x20, s1, s7, $0xb8;
	[tilespmem:$0x19E00] =	vst v63  }
0xfe: {  	s1 =	sld [smem:$0x7E7]  }
0xff: {  	s4 =	sld [smem:$0x7E8]  }
0x100: {  	[tilespmem:s31], [sflag:$0x1] =	stream.indirect.gather [hbm4b:s3+s7], $0x20, s9, s7, $0xb8;
	[tilespmem:$0x19E00] =	vst v63  }
0x101: {  	s9 =	sld [smem:$0x7E9]  }
0x102: {  	s31 =	sld [smem:$0x7EA]  }
0x103: {  	[tilespmem:s4], [sflag:$0x1] =	stream.indirect.gather [hbm4b:s3+s7], $0x20, s1, s7, $0xb8;
	[tilespmem:$0x19E00] =	vst v63  }
0x104: {  	s1 =	sld [smem:$0x7EB]  }
0x105: {  	s4 =	sld [smem:$0x7EC]  }
0x106: {  	[tilespmem:s31], [sflag:$0x1] =	stream.indirect.gather [hbm4b:s3+s7], $0x20, s9, s7, $0xb8;
	[tilespmem:$0x19E00] =	vst v63  }
0x107: {  	s9 =	sld [smem:$0x7ED]  }
0x108: {  	s31 =	sld [smem:$0x7EE]  }
0x109: {  	[tilespmem:s4], [sflag:$0x1] =	stream.indirect.gather [hbm4b:s3+s7], $0x20, s1, s7, $0xb8;
	[tilespmem:$0x19E00] =	vst v63  }
0x10a: {  	s1 =	sld [smem:$0x7EF]  }
0x10b: {  	s4 =	sld [smem:$0x7F0]  }
0x10c: {  	[tilespmem:s31], [sflag:$0x1] =	stream.indirect.gather [hbm4b:s3+s7], $0x20, s9, s7, $0xb8;
	[tilespmem:$0x19E00] =	vst v63  }
0x10d: {  	s9 =	sld [smem:$0x7F1]  }
0x10e: {  	s31 =	sld [smem:$0x7F2]  }
0x10f: {  	[tilespmem:s4], [sflag:$0x1] =	stream.indirect.gather [hbm4b:s3+s7], $0x20, s1, s7, $0xb8;
	[tilespmem:$0x19E00] =	vst v63  }
0x110: {  	s1 =	sld [smem:$0x7F3]  }
0x111: {  	s4 =	sld [smem:$0x7F5]  }
0x112: {  	[tilespmem:s31], [sflag:$0x1] =	stream.indirect.gather [hbm4b:s3+s7], $0x20, s9, s7, $0xb8;
	[tilespmem:$0x19E00] =	vst v63  }
0x113: {  	s9 =	sld [smem:$0x7F6]  }
0x114: {  	s31 =	sld [smem:$0x7F7]  }
0x115: {  	[tilespmem:s4], [sflag:$0x1] =	stream.indirect.gather [hbm4b:s3+s7], $0x20, s1, s7, $0xb8;
	[tilespmem:$0x19E00] =	vst v63  }
0x116: {  	s1 =	sld [smem:$0x7F8]  }
0x117: {  	s4 =	sld [smem:$0x7FA]  }
0x118: {  	[tilespmem:s31], [sflag:$0x1] =	stream.indirect.gather [hbm4b:s3+s7], $0x20, s9, s7, $0xb8;
	[tilespmem:$0x19E00] =	vst v63  }
0x119: {  	s9 =	sld [smem:$0x7FB]  }
0x11a: {  	s31 =	sld [smem:$0x7FC]  }
0x11b: {  	[tilespmem:s4], [sflag:$0x1] =	stream.indirect.gather [hbm4b:s3+s7], $0x20, s1, s7, $0xb8;
	[tilespmem:$0x19E00] =	vst v63  }
0x11c: {  	s4 =	sld [smem:$0x7FD]  }
0x11d: {  	[tilespmem:s31], [sflag:$0x1] =	stream.indirect.gather [hbm4b:s3+s7], $0x20, s9, s7, $0xb8;
	[tilespmem:$0x19E00] =	vst v63  }
0x11e: {  	_ = 	snop  }
0x11f: {  	[tilespmem:s10], [sflag:$0x1] =	stream.indirect.gather [hbm4b:s3+s7], $0x20, s4, s7, $0xb8;
	[tilespmem:$0x19E00] =	vst v63  }
0x120: {  	s31 =	simm.s32 $0xC08  }
0x121: {  	[tilespmem:s11], [sflag:$0x1] =	stream.indirect.gather [hbm4b:s3+s7], $0x20, s31, s7, $0xb8;
	[tilespmem:$0x19E00] =	vst v63  }
0x122: {  	_ = 	snop  }
0x123: {  	[tilespmem:s13], [sflag:$0x1] =	stream.indirect.gather [hbm4b:s3+s7], $0x20, s12, s7, $0xb8;
	[tilespmem:$0x19E00] =	vst v63  }
0x124: {  	_ = 	snop  }
0x125: {  	[tilespmem:s15], [sflag:$0x1] =	stream.indirect.gather [hbm4b:s3+s7], $0x20, s14, s7, $0xb8;
	[tilespmem:$0x19E00] =	vst v63  }
0x126: {  	_ = 	snop  }
0x127: {  	[tilespmem:s17], [sflag:$0x1] =	stream.indirect.gather [hbm4b:s3+s7], $0x20, s16, s7, $0xb8;
	[tilespmem:$0x19E00] =	vst v63  }
0x128: {  	_ = 	snop  }
0x129: {  	[tilespmem:s19], [sflag:$0x1] =	stream.indirect.gather [hbm4b:s3+s7], $0x20, s18, s7, $0xb8;
	[tilespmem:$0x19E00] =	vst v63  }
0x12a: {  	_ = 	snop  }
0x12b: {  	[tilespmem:s21], [sflag:$0x1] =	stream.indirect.gather [hbm4b:s3+s7], $0x20, s20, s7, $0xb8;
	[tilespmem:$0x19E00] =	vst v63  }
0x12c: {  	_ = 	snop  }
0x12d: {  	[tilespmem:s23], [sflag:$0x1] =	stream.indirect.gather [hbm4b:s3+s7], $0x20, s22, s7, $0xb8;
	[tilespmem:$0x19E00] =	vst v63  }
0x12e: {  	_ = 	snop  }
0x12f: {  	[tilespmem:s25], [sflag:$0x1] =	stream.indirect.gather [hbm4b:s3+s7], $0x20, s24, s7, $0xb8;
	[tilespmem:$0x19E00] =	vst v63  }
0x130: {  	_ = 	snop  }
0x131: {  	[tilespmem:s28], [sflag:$0x1] =	stream.indirect.gather [hbm4b:s3+s7], $0x20, s26, s7, $0xb8;
	[tilespmem:$0x19E00] =	vst v63  }
0x132: {  	_ =	swait.ge [sflag:s29], $0x640  }
0x133: {  	[sflag:s29] =	ssyncset.done $0x0  }
0x134: {  	[sflag:s29] =	ssyncadd.s32 $0xFFFFF9C0  }
0x135: {  	_ =	swait.ge [sflag:s29], $0x640  }
0x136: {  	[sflag:s29] =	ssyncset.done $0x0  }
0x137: {  	[sflag:s29] =	ssyncadd.s32 $0xFFFFF9C0  }
0x138: {  	_ =	swait.ge [sflag:s29], $0x640  }
0x139: {  	[sflag:s29] =	ssyncset.done $0x0  }
0x13a: {  	[sflag:s29] =	ssyncadd.s32 $0xFFFFF9C0  }
0x13b: {  	_ =	swait.ge [sflag:s29], $0x640  }
0x13c: {  	[sflag:s29] =	ssyncset.done $0x0  }
0x13d: {  	[sflag:s29] =	ssyncadd.s32 $0xFFFFF9C0  }
0x13e: {  	_ =	swait.ge [sflag:s29], $0x640  }
0x13f: {  	[sflag:s29] =	ssyncset.done $0x0  }
0x140: {  	[sflag:s29] =	ssyncadd.s32 $0xFFFFF9C0  }
0x141: {  	_ =	swait.ge [sflag:s29], $0x640  }
0x142: {  	[sflag:s29] =	ssyncset.done $0x0  }
0x143: {  	[sflag:s29] =	ssyncadd.s32 $0xFFFFF9C0  }
0x144: {  	_ =	swait.ge [sflag:s29], $0x640  }
0x145: {  	[sflag:s29] =	ssyncset.done $0x0  }
0x146: {  	[sflag:s29] =	ssyncadd.s32 $0xFFFFF9C0  }
0x147: {  	_ =	swait.ge [sflag:s29], $0x640  }
0x148: {  	[sflag:s29] =	ssyncset.done $0x0  }
0x149: {  	[sflag:s29] =	ssyncadd.s32 $0xFFFFF9C0  }
0x14a: {  	_ =	swait.ge [sflag:s29], $0x640  }
0x14b: {  	[sflag:s29] =	ssyncset.done $0x0  }
0x14c: {  	[sflag:s29] =	ssyncadd.s32 $0xFFFFF9C0  }
0x14d: {  	_ =	swait.ge [sflag:s29], $0x640  }
0x14e: {  	[sflag:s29] =	ssyncset.done $0x0  }
0x14f: {  	[sflag:s29] =	ssyncadd.s32 $0xFFFFF9C0  }
0x150: {  	_ =	swait.ge [sflag:s29], $0x640  }
0x151: {  	[sflag:s29] =	ssyncset.done $0x0  }
0x152: {  	[sflag:s29] =	ssyncadd.s32 $0xFFFFF9C0  }
0x153: {  	_ =	swait.ge [sflag:s29], $0x640  }
0x154: {  	[sflag:s29] =	ssyncset.done $0x0  }
0x155: {  	[sflag:s29] =	ssyncadd.s32 $0xFFFFF9C0  }
0x156: {  	_ =	swait.ge [sflag:s29], $0x640  }
0x157: {  	[sflag:s29] =	ssyncset.done $0x0  }
0x158: {  	[sflag:s29] =	ssyncadd.s32 $0xFFFFF9C0  }
0x159: {  	_ =	swait.ge [sflag:s29], $0x640  }
0x15a: {  	[sflag:s29] =	ssyncset.done $0x0  }
0x15b: {  	[sflag:s29] =	ssyncadd.s32 $0xFFFFF9C0  }
0x15c: {  	_ =	swait.ge [sflag:s29], $0x640  }
0x15d: {  	[sflag:s29] =	ssyncset.done $0x0  }
0x15e: {  	[sflag:s29] =	ssyncadd.s32 $0xFFFFF9C0  }
0x15f: {  	_ =	swait.ge [sflag:s29], $0x640  }
0x160: {  	[sflag:s29] =	ssyncset.done $0x0  }
0x161: {  	[sflag:s29] =	ssyncadd.s32 $0xFFFFF9C0  }
0x162: {  	_ =	swait.ge [sflag:s29], $0x640  }
0x163: {  	[sflag:s29] =	ssyncset.done $0x0  }
0x164: {  	[sflag:s29] =	ssyncadd.s32 $0xFFFFF9C0  }
0x165: {  	_ =	swait.ge [sflag:s29], $0x640  }
0x166: {  	[sflag:s29] =	ssyncset.done $0x0  }
0x167: {  	[sflag:s29] =	ssyncadd.s32 $0xFFFFF9C0  }
0x168: {  	_ =	swait.ge [sflag:s29], $0x640  }
0x169: {  	[sflag:s29] =	ssyncset.done $0x0  }
0x16a: {  	[sflag:s29] =	ssyncadd.s32 $0xFFFFF9C0  }
0x16b: {  	_ =	swait.ge [sflag:s29], $0x640  }
0x16c: {  	[sflag:s29] =	ssyncset.done $0x0  }
0x16d: {  	[sflag:s29] =	ssyncadd.s32 $0xFFFFF9C0  }
0x16e: {  	_ =	swait.ge [sflag:s29], $0x640  }
0x16f: {  	[sflag:s29] =	ssyncset.done $0x0  }
0x170: {  	[sflag:s29] =	ssyncadd.s32 $0xFFFFF9C0  }
0x171: {  	_ =	swait.ge [sflag:s29], $0x640  }
0x172: {  	[sflag:s29] =	ssyncset.done $0x0  }
0x173: {  	[sflag:s29] =	ssyncadd.s32 $0xFFFFF9C0  }
0x174: {  	_ =	swait.ge [sflag:s29], $0x640  }
0x175: {  	[sflag:s29] =	ssyncset.done $0x0  }
0x176: {  	[sflag:s29] =	ssyncadd.s32 $0xFFFFF9C0  }
0x177: {  	_ =	swait.ge [sflag:s29], $0x640  }
0x178: {  	[sflag:s29] =	ssyncset.done $0x0  }
0x179: {  	[sflag:s29] =	ssyncadd.s32 $0xFFFFF9C0  }
0x17a: {  	_ =	swait.ge [sflag:s29], $0x640  }
0x17b: {  	[sflag:s29] =	ssyncset.done $0x0  }
0x17c: {  	[sflag:s29] =	ssyncadd.s32 $0xFFFFF9C0  }
0x17d: {  	_ =	swait.ge [sflag:s29], $0x640  }
0x17e: {  	[sflag:s29] =	ssyncset.done $0x0  }
0x17f: {  	[sflag:s29] =	ssyncadd.s32 $0xFFFFF9C0  }
0x180: {  	_ =	swait.ge [sflag:s29], $0x640  }
0x181: {  	[sflag:s29] =	ssyncset.done $0x0  }
0x182: {  	[sflag:s29] =	ssyncadd.s32 $0xFFFFF9C0  }
0x183: {  	_ =	swait.ge [sflag:s29], $0x640  }
0x184: {  	[sflag:s29] =	ssyncset.done $0x0  }
0x185: {  	[sflag:s29] =	ssyncadd.s32 $0xFFFFF9C0  }
0x186: {  	_ =	swait.ge [sflag:s29], $0x640  }
0x187: {  	[sflag:s29] =	ssyncset.done $0x0  }
0x188: {  	[sflag:s29] =	ssyncadd.s32 $0xFFFFF9C0  }
0x189: {  	_ =	swait.ge [sflag:s29], $0x640  }
0x18a: {  	[sflag:s29] =	ssyncset.done $0x0  }
0x18b: {  	[sflag:s29] =	ssyncadd.s32 $0xFFFFF9C0  }
0x18c: {  	_ =	swait.ge [sflag:s29], $0x640  }
0x18d: {  	[sflag:s29] =	ssyncset.done $0x0  }
0x18e: {  	[sflag:s29] =	ssyncadd.s32 $0xFFFFF9C0  }
0x18f: {  	_ =	swait.ge [sflag:s29], $0x640  }
0x190: {  	[sflag:s29] =	ssyncset.done $0x0  }
0x191: {  	[sflag:s29] =	ssyncadd.s32 $0xFFFFF9C0  }
0x192: {  	_ =	swait.ge [sflag:s29], $0x640  }
0x193: {  	[sflag:s29] =	ssyncset.done $0x0  }
0x194: {  	[sflag:s29] =	ssyncadd.s32 $0xFFFFF9C0  }
0x195: {  	_ =	swait.ge [sflag:s29], $0x640  }
0x196: {  	[sflag:s29] =	ssyncset.done $0x0  }
0x197: {  	[sflag:s29] =	ssyncadd.s32 $0xFFFFF9C0  }
0x198: {  	_ =	swait.ge [sflag:s29], $0x640  }
0x199: {  	[sflag:s29] =	ssyncset.done $0x0  }
0x19a: {  	[sflag:s29] =	ssyncadd.s32 $0xFFFFF9C0  }
0x19b: {  	_ =	swait.ge [sflag:s29], $0x640  }
0x19c: {  	[sflag:s29] =	ssyncset.done $0x0  }
0x19d: {  	[sflag:s29] =	ssyncadd.s32 $0xFFFFF9C0  }
0x19e: {  	_ =	swait.ge [sflag:s29], $0x640  }
0x19f: {  	[sflag:s29] =	ssyncset.done $0x0  }
0x1a0: {  	[sflag:s29] =	ssyncadd.s32 $0xFFFFF9C0  }
0x1a1: {  	_ =	swait.ge [sflag:s29], $0x640  }
0x1a2: {  	[sflag:s29] =	ssyncset.done $0x0  }
0x1a3: {  	[sflag:s29] =	ssyncadd.s32 $0xFFFFF9C0  }
0x1a4: {  	_ =	swait.ge [sflag:s29], $0x640  }
0x1a5: {  	[sflag:s29] =	ssyncset.done $0x0  }
0x1a6: {  	[sflag:s29] =	ssyncadd.s32 $0xFFFFF9C0  }
0x1a7: {  	_ =	swait.ge [sflag:s29], $0x640  }
0x1a8: {  	[sflag:s29] =	ssyncset.done $0x0  }
0x1a9: {  	[sflag:s29] =	ssyncadd.s32 $0xFFFFF9C0  }
0x1aa: {  	_ =	swait.ge [sflag:s29], $0x640  }
0x1ab: {  	[sflag:s29] =	ssyncset.done $0x0  }
0x1ac: {  	[sflag:s29] =	ssyncadd.s32 $0xFFFFF9C0  }
0x1ad: {  	_ =	swait.ge [sflag:s29], $0x640  }
0x1ae: {  	[sflag:s29] =	ssyncset.done $0x0  }
0x1af: {  	[sflag:s29] =	ssyncadd.s32 $0xFFFFF9C0  }
0x1b0: {  	_ =	swait.ge [sflag:s29], $0x640  }
0x1b1: {  	[sflag:s29] =	ssyncset.done $0x0  }
0x1b2: {  	[sflag:s29] =	ssyncadd.s32 $0xFFFFF9C0  }
0x1b3: {  	_ =	swait.ge [sflag:s29], $0x640  }
0x1b4: {  	[sflag:s29] =	ssyncset.done $0x0  }
0x1b5: {  	[sflag:s29] =	ssyncadd.s32 $0xFFFFF9C0  }
0x1b6: {  	_ =	swait.ge [sflag:s29], $0x640  }
0x1b7: {  	[sflag:s29] =	ssyncset.done $0x0  }
0x1b8: {  	[sflag:s29] =	ssyncadd.s32 $0xFFFFF9C0  }
0x1b9: {  	_ =	swait.ge [sflag:s29], $0x640  }
0x1ba: {  	[sflag:s29] =	ssyncset.done $0x0  }
0x1bb: {  	[sflag:s29] =	ssyncadd.s32 $0xFFFFF9C0  }
0x1bc: {  	_ =	swait.ge [sflag:s29], $0x640  }
0x1bd: {  	[sflag:s29] =	ssyncset.done $0x0  }
0x1be: {  	[sflag:s29] =	ssyncadd.s32 $0xFFFFF9C0  }
0x1bf: {  	_ =	swait.ge [sflag:s29], $0x640  }
0x1c0: {  	[sflag:s29] =	ssyncset.done $0x0  }
0x1c1: {  	[sflag:s29] =	ssyncadd.s32 $0xFFFFF9C0  }
0x1c2: {  	_ =	swait.ge [sflag:s29], $0x640  }
0x1c3: {  	[sflag:s29] =	ssyncset.done $0x0  }
0x1c4: {  	[sflag:s29] =	ssyncadd.s32 $0xFFFFF9C0  }
0x1c5: {  	_ =	swait.ge [sflag:s29], $0x640  }
0x1c6: {  	[sflag:s29] =	ssyncset.done $0x0  }
0x1c7: {  	[sflag:s29] =	ssyncadd.s32 $0xFFFFF9C0  }
0x1c8: {  	_ =	swait.ge [sflag:s29], $0x640  }
0x1c9: {  	[sflag:s29] =	ssyncset.done $0x0  }
0x1ca: {  	[sflag:s29] =	ssyncadd.s32 $0xFFFFF9C0  }
0x1cb: {  	_ =	swait.ge [sflag:s29], $0x640  }
0x1cc: {  	[sflag:s29] =	ssyncset.done $0x0  }
0x1cd: {  	[sflag:s29] =	ssyncadd.s32 $0xFFFFF9C0  }
0x1ce: {  	_ =	swait.ge [sflag:s29], $0x640  }
0x1cf: {  	[sflag:s29] =	ssyncset.done $0x0  }
0x1d0: {  	[sflag:s29] =	ssyncadd.s32 $0xFFFFF9C0  }
0x1d1: {  	_ =	swait.ge [sflag:s29], $0x640  }
0x1d2: {  	[sflag:s29] =	ssyncset.done $0x0  }
0x1d3: {  	[sflag:s29] =	ssyncadd.s32 $0xFFFFF9C0  }
0x1d4: {  	_ =	swait.ge [sflag:s29], $0x640  }
0x1d5: {  	[sflag:s29] =	ssyncset.done $0x0  }
0x1d6: {  	[sflag:s29] =	ssyncadd.s32 $0xFFFFF9C0  }
0x1d7: {  	_ =	swait.ge [sflag:s29], $0x640  }
0x1d8: {  	[sflag:s29] =	ssyncset.done $0x0  }
0x1d9: {  	[sflag:s29] =	ssyncadd.s32 $0xFFFFF9C0  }
0x1da: {  	_ =	swait.ge [sflag:s29], $0x640  }
0x1db: {  	[sflag:s29] =	ssyncset.done $0x0  }
0x1dc: {  	[sflag:s29] =	ssyncadd.s32 $0xFFFFF9C0  }
0x1dd: {  	_ =	swait.ge [sflag:s29], $0x640  }
0x1de: {  	[sflag:s29] =	ssyncset.done $0x0  }
0x1df: {  	[sflag:s29] =	ssyncadd.s32 $0xFFFFF9C0  }
0x1e0: {  	_ =	swait.ge [sflag:s29], $0x640  }
0x1e1: {  	[sflag:s29] =	ssyncset.done $0x0  }
0x1e2: {  	[sflag:s29] =	ssyncadd.s32 $0xFFFFF9C0  }
0x1e3: {  	_ =	swait.ge [sflag:s29], $0x640  }
0x1e4: {  	[sflag:s29] =	ssyncset.done $0x0  }
0x1e5: {  	[sflag:s29] =	ssyncadd.s32 $0xFFFFF9C0  }
0x1e6: {  	_ =	swait.ge [sflag:s29], $0x640  }
0x1e7: {  	[sflag:s29] =	ssyncset.done $0x0  }
0x1e8: {  	[sflag:s29] =	ssyncadd.s32 $0xFFFFF9C0  }
0x1e9: {  	_ =	swait.ge [sflag:s29], $0x640  }
0x1ea: {  	[sflag:s29] =	ssyncset.done $0x0  }
0x1eb: {  	[sflag:s29] =	ssyncadd.s32 $0xFFFFF9C0  }
0x1ec: {  	_ =	swait.ge [sflag:s29], $0x640  }
0x1ed: {  	[sflag:s29] =	ssyncset.done $0x0  }
0x1ee: {  	[sflag:s29] =	ssyncadd.s32 $0xFFFFF9C0  }
0x1ef: {  	_ =	swait.ge [sflag:s29], $0x640  }
0x1f0: {  	p0 =	sne.s32 s0, $0xC40;
	[sflag:s29] =	ssyncset.done $0x0  }
.Ltmp0:
0x1f1: {  	[sflag:s29] =	ssyncadd.s32 $0xFFFFF9C0;
	(pc) =	sbr.rel @p0 .LBB2_2-.Ltmp0, $4  }
0x1f2: {  	[hbm4b:s5+s2] =	stream.linear.scatter [tilespmem:s8], [sflag:$0x2], $0x19000, $0x38;
	[tilespmem:$0x19E00] =	vst v63  }
0x1f3: {  	_ =	swait.ge [sflag:s30], $0x19000  }
0x1f4: {  	[sflag:s30] =	ssyncset.done $0x0  }
0x1f5: {  	s0 =	sadd.s32 $0x1C0, s0;
	s5 =	sadd.s32 $0x3200, s5;
	[sflag:s30] =	ssyncadd.s32 $0xFFFE7000  }
0x1f6: {  	s1 =	sld [smem:$0x7AC]  }
0x1f7: {  	s0 =	sld [smem:$0x7F4];
	_ =	sdelay $0x1  }
0x1f8: {  	s1 =	sadd.s32 $0x1, s1  }
0x1f9: {  	p0 =	sne.s32 s1, s0  }
.Ltmp1:
0x1fa: {  	_ = 	snop;
	(pc) =	sbr.rel @p0 .LBB2_1-.Ltmp1, $1  }
0x1fb: {  	_ =	sdelay $0x3  }
0x1fc: {  	_ =	sfence.sel $0x180000  }
0x1fd: {  	[bflag:$0x0] =	sbarrier.arrive $0xFFFF  }
0x1fe: {  	_ =	strace $0x90000047  }
0x1ff: {  	s0 =	stileid.u32;
	[bflag:$0x2] =	sbarrier.arrive $0xFFFF  }
0x200: {  	p0 =	sne.s32 s0, $0x0;
	s0 =	rddreg [dreg:$0x2]  }
0x201: {  	s0 =	sadd.s32 @!p0 $0x100000, s0  }
0x202: {  	[sflag:s0] =	ssyncadd.tile.s32 @!p0 $0x1;
	_ =	shalt  }
.Lfunc_end2:
_tile_overlayer_lowered:
.L_overlay_start_2:
0x203: {  	(tag) =	ssettag $0x2  }
0x204: {  	s0 =	rddreg [dreg:$0x0];
	s2 =	stileid.u32  }
0x205: {  	s1 =	rddreg [dreg:$0x1];
	p0 =	sne.s32 s2, $0x0  }
0x206: {  	s3 =	rddreg [dreg:$0x2];
	[bflag:$0x3] =	sbarrier.arrive $0xFFFF;
	s2 =	simm.s32 @!p0 $0x1C03  }
0x207: {  	[timem:s3], [sflag:s2] =	dma.local @!p0 [hbm:s0], s1  }
0x208: {  	s0 =	simm.s32 @!p0 $0x3  }
0x209: {  	_ =	swait.ge @!p0 [sflag:s0], s1  }
0x20a: {  	s1 =	ssub.s32 @!p0 $0x0, s1;
	[sflag:s0] =	ssyncset.done @!p0 $0x0  }
0x20b: {  	[sflag:s0] =	ssyncadd.s32 @!p0 s1  }
0x20c: {  	[bflag:$0x3] =	sbarrier.arrive $0xFFFF  }
0x20d: {  	_ =	shalt  }

// kernel: sparse-core-data-format-call.cloned.1.call-start
scs
called_computation_lowered:
.L_overlay_start_0:
0x0: {  	s2 =	sld [smem:$0x3FD9]  }
0x1: {  	s3 =	sld [smem:$0x3FFE];
	_ =	sdelay $0x1  }
0x2: {  	s1 =	srdreg.scid  }
0x3: {  	s0 =	sand.u32 $0x1, s1  }
0x4: {  	s18 =	sshll.u32 s0, $0xA;
	s2 =	sadd.s32 s3, s2  }
0x5: {  	s2 =	sadd.s32 s2, s18  }
0x6: {  	[smem:$0x3FC6] =	sst s2  }
0x7: {  	_ = 	snop  }
0x8: {  	s2 =	sld [smem:$0x3FD0];
	(tm) =	ssettm $0x1  }
0x9: {  	s19 =	sld [smem:$0x3FFB];
	_ =	sdelay $0x3  }
0xa: {  	_ =	strace s19  }
0xb: {  	s3 =	sld [smem:$0x3FFC];
	_ =	sdelay $0x3  }
0xc: {  	_ =	strace s3  }
0xd: {  	s3 =	sld [smem:$0x3FFD];
	_ =	sdelay $0x3  }
0xe: {  	_ =	strace s3  }
0xf: {  	_ =	strace $0x8FFFFFFF  }
0x10: {  	s20 =	sld [smem:$0x3FDB];
	_ =	sdelay $0x1  }
0x11: {  	s4 =	simm.s32 $_scs_section_size  }
0x12: {  	s5 =	simm.s32 $_size__tile_overlayer_lowered;
	s6 =	simm.s32 $_tile_overlayer_lowered  }
0x13: {  	s23 =	simm.s32 $0x1BFF;
	s22 =	sshll.u32 s6, $0x1;
	s3 =	sadd.s32 s4, s20  }
0x14: {  	s7 =	simm.s32 $0x0;
	s21 =	sshll.u32 s5, $0x1;
	s5 =	sadd.s32 s22, s3  }
0x15: {  	[timem:s7], [sflag:s23] =	dma.local [hbm:s5], s21  }
0x16: {  	_ =	swait.ge [sflag:s23], s21  }
0x17: {  	s4 =	ssub.s32 $0x0, s21;
	[sflag:s23] =	ssyncset.done $0x0  }
0x18: {  	[sflag:s23] =	ssyncadd.s32 s4;
	_ =	sdelay $0x1  }
0x19: {  	s24 =	simm.s32 $0x1B8B  }
0x1a: {  	_ =	swait.ge [sflag:s24], $0x1  }
0x1b: {  	[sflag:s24] =	ssyncset.done $0x0  }
0x1c: {  	s26 =	simm.s32 $0x1B8E;
	s25 =	sld [smem:$0x3FFE];
	[sflag:s24] =	ssyncadd.s32 $0xFFFFFFFF  }
0x1d: {  	s27 =	simm.s32 $execute0_lowered;
	[smem:$0x3FD2] =	sst s26  }
0x1e: {  	s5 =	sshll.u32 s27, $0x1;
	_ =	strace $0x80000049;
	[dreg:$0x1] =	wrdreg $0xFFFFFFFF  }
0x1f: {  	s28 =	simm.s32 $_size_execute0_lowered;
	s3 =	sadd.s32 s3, s5;
	[dreg:$0x0] =	wrdreg $0x0  }
0x20: {  	s5 =	sshll.u32 s28, $0x1;
	[dreg:$0x2] =	wrdreg s3  }
0x21: {  	[dreg:$0x3] =	wrdreg s5  }
0x22: {  	[dreg:$0x4] =	wrdreg $0xC0  }
0x23: {  	_ =	task [dreg:s7], $0x5FFFF  }
0x24: {  	[dreg:$0x1] =	wrdreg $0xFFFFFFFF  }
0x25: {  	[dreg:$0x0] =	wrdreg $0x60  }
0x26: {  	[dreg:$0x2] =	wrdreg s25  }
0x27: {  	[dreg:$0x3] =	wrdreg s2  }
0x28: {  	[dreg:$0x4] =	wrdreg $0x9  }
0x29: {  	_ =	task.clear_ibuf [dreg:s7], $0x5FFFF;
	_ =	strace $0x90000049  }
0x2a: {  	s29 =	simm.s32 $0x9;
	_ =	strace $0x8000004B  }
0x2b: {  	_ =	swait.ge [sflag:s29], $0x1  }
0x2c: {  	[sflag:s29] =	ssyncadd.s32 $0xFFFFFFFF  }
0x2d: {  	_ =	strace $0x9000004B  }
0x2e: {  	_ =	sfence  }
0x2f: {  	s30 =	sld [smem:$0x0];
	_ =	sdelay $0x2  }
0x30: {  	s31 =	sshll.u32 s1, $0xD;
	s1 =	sshrl.u32 s1, $0x2  }
0x31: {  	s3 =	sand.u32 $0x4000, s31;
	s1 =	sadd.s32 s1, s30  }
0x32: {  	s0 =	sor.u32 s3, s0;
	s1 =	sshll.u32 s1, $0x11  }
0x33: {  	s0 =	sor.u32 s1, s0  }
0x34: {  	s0 =	sadd.s32 $0x8F2B, s0  }
0x35: {  	[sflag:s0] =	ssyncadd.remote.s32 $0x1  }
0x36: {  	_ =	sfence.sel $0xFFFF  }
0x37: {  	[dreg:$0x0] =	wrdreg $0xFFFFFFFF;
	(pc) =	sbr.abs _section_cstart, $3  }
0x38: {  	[dreg:$0x1] =	wrdreg $0xFFFFFFFF  }
0x39: {  	_ =	task.clear_ibuf [dreg:s7], $0x2FFFF;
	_ =	strace $0x9FFFFFFF  }
0x3a: {  	(tm) =	ssettm $0x7FFFFFFF  }
0x3b: {  	_ =	shalt  }
tec
execute0_lowered:
.L_overlay_start_1:
0x0: {  	(tag) =	ssettag $0x1  }
0x1: {  	s0 =	srdreg.scid  }
0x2: {  	s1 =	sshll.u32 s0, $0x4  }
0x3: {  	s0 =	stileid.u32;
	s1 =	sand.u32 $0x10, s1  }
0x4: {  	s1 =	sor.u32 s0, s1  }
0x5: {  	s6 =	rddreg [dreg:$0x0];
	s4 =	simm.s32 $0x1;
	s2 =	sshll.u32 s1, $0x7  }
0x6: {  	s7 =	simm.s32 $0x2;
	s12 =	simm.s32 $0x0;
	s1 =	ssub.s32 $0x4000, s2  }
0x7: {  	s8 =	simm.s32 $0x20000;
	s13 =	simm.s32 $0x0;
	s3 =	sand.u32 $0xF80, s1  }
0x8: {  	s9 =	simm.s32 $0x0;
	s5 =	sshrl.u32 s1, $0xC;
	p0 =	sne.s32 s3, $0x0  }
.Ltmp0:
0x9: {  	s1 =	rddreg [dreg:$0x2];
	s4 =	simm.s32 @!p0 $0x0;
	(pc) =	sbr.rel .LBB1_1-.Ltmp0, $4  }
0xa: {  	s11 =	simm.s32 $0x0;
	s3 =	rddreg [dreg:$0x1];
	s5 =	sadd.s32 s4, s5  }
0xb: {  	_ =	strace $0x8000004A;
	s4 =	simm.s32 $0x1;
	s5 =	smul.u32 $0x32, s5  }
0xc: {  	s6 =	sadd.s32 $0xA00, s6;
	s10 =	smov.u32 s2;
	[sflag:s4] =	ssyncpa.u1 $0x0  }
0xd: {  	p0 =	por $0x0, $0x0;
	[sflag:s7] =	ssyncpa.u1 $0x0;
	s7 =	sor.u32 $0x1, s5  }
.LBB1_4:
0xe: {  	s16 =	sshll.u32 s13, $0x3;
	s17 =	sand.u32 $0x78, s13  }
0xf: {  	s30 =	sand.u32 $0xF800, s13;
	s12 =	sshll.u32 s12, $0x10;
	s16 =	sand.u32 $0x3C00, s16  }
0x10: {  	s31 =	sand.u32 $0x7, s13;
	s16 =	sor.u32 s17, s16;
	s17 =	sadd.s32 s3, s30  }
0x11: {  	s13 =	sshll.u32 s31, $0x12;
	s16 =	sshrl.u32 s16, $0x3;
	s12 =	sadd.s32 s12, s17  }
0x12: {  	[tilespmem:s15+$0x0 ss:$0x81] =	vst.msk $0xffff, v0;
	s13 =	sor.u32 $0x400, s13;
	s12 =	sadd.s32 s16, s12  }
0x13: {  	[hbm4b:s12+s13] =	stream.strided.scatter [tilespmem:s14], [sflag:$0x2], $0x1000, s8, s13, $0x20;
	[tilespmem:$0x4040] =	vst v63  }
.LBB1_5:
0x14: {  	s14 =	sadd.s32 $0x1, s9  }
0x15: {  	s12 =	sadd.s32 $0x1000, s10;
	s16 =	smov.u32 s10;
	p2 =	sgt.s32 s14, $0x31  }
0x16: {  	s16 =	smov.u32 @p2 s12  }
0x17: {  	s14 =	simm.s32 @p2 $0x0;
	p2 =	sgt.s32 s16, $0x3FFF  }
0x18: {  	s16 =	smov.u32 @p2 s2;
	p2 =	sne.s32 s11, s7  }
.Ltmp1:
0x19: {  	p1 =	slt.u32 s11, $0x2;
	(pc) =	sbr.rel @!p2 .LBB1_6-.Ltmp1, $4  }
0x1a: {  	s15 =	simm.s32 @!p1 $0x2  }
0x1b: {  	s13 =	smov.u32 s10;
	p0 =	por !p0, !p0;
	_ =	swait.ge @!p1 [sflag:s15], $0x1000  }
0x1c: {  	s12 =	smov.u32 s9;
	[sflag:s15] =	ssyncset.done @!p1 $0x0;
	s9 =	smov.u32 s14  }
0x1d: {  	s11 =	sadd.s32 $0x1, s11;
	[sflag:s15] =	ssyncadd.s32 @!p1 $0xFFFFF000;
	s10 =	smov.u32 s16  }
.LBB1_1:
0x1e: {  	p1 =	sge.u32 s11, s5  }
0x1f: {  	s14 =	sand.u32 @!p1 $0x1FFFFFF, s9  }
0x20: {  	s15 =	smulhi.u32 @!p1 $0x4924925, s14;
	_ =	sdelay $0x1  }
0x21: {  	s15 =	smul.u32 @!p1 $0x38, s15  }
0x22: {  	s16 =	sxor.u32 @!p1 $0xFFFFFFFF, s11;
	s17 =	smul.u32 @!p1 $0x380, s10  }
0x23: {  	s31 =	sadd.s32 $0xFFFFFFFF, s11;
	s16 =	sshll.u32 @!p1 s16, $0xC;
	s14 =	ssub.s32 @!p1 s14, s15  }
0x24: {  	s15 =	sand.u32 @!p1 $0x1000, s16;
	s16 =	sadd.s32 @!p1 s6, s17;
	s14 =	sshll.u32 @!p1 s14, $0x4  }
0x25: {  	s17 =	simm.s32 @!p1 $0x1C00;
	s14 =	sadd.s32 @!p1 s14, s16;
	s16 =	simm.s32 @!p1 $0x20  }
0x26: {  	[tilespmem:s15], [sflag:$0x1] =	stream.strided.gather @!p1 [hbm4b:s14+s16], $0x1000, s17, s16, $0x38;
	[tilespmem:$0x4040] =	vst v63  }
0x27: {  	p1 =	sge.u32 s31, s5  }
.Ltmp2:
0x28: {  	_ = 	snop;
	(pc) =	sbr.rel @p1 .LBB1_5-.Ltmp2, $1  }
0x29: {  	_ =	sdelay $0x3  }
0x2a: {  	s14 =	simm.s32 $0x1  }
0x2b: {  	_ =	swait.ge [sflag:s4], $0x1000;
	s14 =	simm.s32 @!p0 $0x0  }
0x2c: {  	[sflag:s4] =	ssyncset.done $0x0;
	s15 =	sshll.u32 s14, $0xC  }
0x2d: {  	[sflag:s4] =	ssyncadd.s32 $0xFFFFF000;
	s18 =	sor.u32 $0x10, s15  }
0x2e: {  	s14 =	smul.u32 $0x4080, s14;
	v1 =	vld [tilespmem:s18+$0x0]  }
0x2f: {  	s30 =	sand.u32 $0x1, s11;
	v0 =	vld [tilespmem:s18+$0xFFFFFFF0]  }
0x30: {  	s15 =	smul.u32 $0x4080, s30;
	s14 =	sshrl.u32 s14, $0x2  }
0x31: {  	s16 =	sor.u32 $0x2000, s14  }
0x32: {  	s31 =	sshrl.u32 s15, $0x2;
	s15 =	sadd.s32 $0x0, s16  }
0x33: {  	s17 =	simm.s32 $0x4;
	s18 =	sadd.s32 $0x20, s18;
	s14 =	sor.u32 $0x2000, s31;
	[tilespmem:s15+$0x810 ss:$0x81] =	vst.msk $0xffff, v1  }
.LBB1_3:
0x34: {  	v1 =	vld [tilespmem:s18+$0x0];
	p1 =	sne.s32 s17, $0x1FC;
	[tilespmem:s15+$0x0 ss:$0x81] =	vst.msk $0xffff, v0;
	s15 =	smov.u32 s17;
	s17 =	sadd.s32 $0x4, s17  }
.Ltmp3:
0x35: {  	v0 =	vld [tilespmem:s18+$0xFFFFFFF0];
	(pc) =	sbr.rel @p1 .LBB1_3-.Ltmp3, $4  }
0x36: {  	_ = 	snop  }
0x37: {  	s15 =	sshra.s32 s15, $0x2  }
0x38: {  	s15 =	sadd.s32 s15, s16  }
0x39: {  	s18 =	sadd.s32 $0x20, s18;
	[tilespmem:s15+$0x810 ss:$0x81] =	vst.msk $0xffff, v1  }
.Ltmp4:
0x3a: {  	_ = 	snop;
	(pc) =	sbr.rel .LBB1_4-.Ltmp4, $1  }
0x3b: {  	_ =	sdelay $0x3  }
.LBB1_6:
0x3c: {  	_ =	sfence.sel $0x180000  }
0x3d: {  	s2 =	simm.s32 $0x1;
	[bflag:$0x0] =	sbarrier.arrive $0xFFFF  }
0x3e: {  	s31 =	simm.s32 $0x2;
	[sflag:s2] =	ssyncpa.u1 $0x1  }
0x3f: {  	[sflag:s31] =	ssyncpa.u1 $0x1  }
0x40: {  	p0 =	sne.s32 s0, $0x0;
	_ =	strace $0x9000004A  }
0x41: {  	s0 =	sadd.s32 @!p0 $0x100000, s1;
	[bflag:$0x2] =	sbarrier.arrive $0xFFFF  }
0x42: {  	[sflag:s0] =	ssyncadd.tile.s32 @!p0 $0x1;
	_ =	shalt  }
.Lfunc_end1:
_tile_overlayer_lowered:
.L_overlay_start_2:
0x43: {  	(tag) =	ssettag $0x2  }
0x44: {  	s0 =	rddreg [dreg:$0x0];
	s2 =	stileid.u32  }
0x45: {  	s1 =	rddreg [dreg:$0x1];
	p0 =	sne.s32 s2, $0x0  }
0x46: {  	s3 =	rddreg [dreg:$0x2];
	[bflag:$0x3] =	sbarrier.arrive $0xFFFF;
	s2 =	simm.s32 @!p0 $0x1C01  }
0x47: {  	[timem:s3], [sflag:s2] =	dma.local @!p0 [hbm:s0], s1  }
0x48: {  	s0 =	simm.s32 @!p0 $0x1  }
0x49: {  	_ =	swait.ge @!p0 [sflag:s0], s1  }
0x4a: {  	s1 =	ssub.s32 @!p0 $0x0, s1;
	[sflag:s0] =	ssyncset.done @!p0 $0x0  }
0x4b: {  	[sflag:s0] =	ssyncadd.s32 @!p0 s1  }
0x4c: {  	[bflag:$0x3] =	sbarrier.arrive $0xFFFF  }
0x4d: {  	_ =	shalt  }

</sc_bundles>
